<compile_context>
chip_gen: v7x
topology: tpu7x:2x2x1
jax: 0.10.2.dev20260603
libtpu: 0.0.44.dev20260713+nightly
codegen_flags: <defaults>
</compile_context>

<pallas_src>
import functools

import jax
import jax.numpy as jnp
from jax import lax
from jax.experimental import pallas as pl
from jax.experimental.pallas import tpu as pltpu
from jax.experimental.pallas import tpu_sc as plsc

_N = 10000
_NC = 2
_NS = 16
_NW = _NC * _NS
_SL = 500
_ACC_ROWS = 10240
_RPT = _ACC_ROWS // _NS
_DW = 16
_NBUF = 2

_mesh = plsc.VectorSubcoreMesh(core_axis_name="c", subcore_axis_name="s")
_sc_params = pltpu.CompilerParams(use_tc_tiling_on_sc=False)


def _deg_kernel_body(ei_hbm, zeros_hbm, ones_hbm, out_hbm,
                     didx_v, ones_v, acc_sh, sem):
    cid = lax.axis_index("c")
    sid = lax.axis_index("s")
    wid = cid * _NS + sid
    k = didx_v.shape[0]

    pltpu.sync_copy(zeros_hbm, acc_sh.at[pl.ds(sid * _RPT, _RPT)])
    pltpu.sync_copy(ones_hbm, ones_v)
    pltpu.sync_copy(ei_hbm.at[1].at[pl.ds(wid * k, k)], didx_v)
    plsc.subcore_barrier()

    def body(j, carry):
        pltpu.sync_copy(ones_v, acc_sh.at[didx_v.at[j]], add=True)
        return carry

    lax.fori_loop(0, k, body, 0, unroll=False)
    plsc.subcore_barrier()
    pltpu.sync_copy(acc_sh.at[pl.ds(sid * _RPT, _RPT)],
                    out_hbm.at[cid, pl.ds(sid * _RPT, _RPT)])


def _make_deg(k_slices):
    return functools.partial(
        pl.kernel,
        out_type=jax.ShapeDtypeStruct((_NC, _ACC_ROWS, _DW), jnp.float32),
        mesh=_mesh,
        scratch_types=[
            pltpu.VMEM((k_slices, _SL), jnp.int32),
            pltpu.VMEM((_SL, _DW), jnp.float32),
            pltpu.VMEM_SHARED((_ACC_ROWS, _DW), jnp.float32),
            pltpu.SemaphoreType.DMA,
        ],
        compiler_params=_sc_params,
    )(_deg_kernel_body)


def _agg_kernel_body(y_hbm, ei_hbm, zeros_hbm, out_hbm,
                     sidx_v, didx_v, rows_v, y_sh, acc_sh, *sems):
    cid = lax.axis_index("c")
    sid = lax.axis_index("s")
    wid = cid * _NS + sid
    k = sidx_v.shape[0]
    groups = k // _NBUF
    n_rows = y_hbm.shape[0]
    rps = n_rows // _NS

    pltpu.sync_copy(zeros_hbm, acc_sh.at[pl.ds(sid * _RPT, _RPT)])
    pltpu.sync_copy(y_hbm.at[pl.ds(sid * rps, rps)], y_sh.at[pl.ds(sid * rps, rps)])
    pltpu.sync_copy(ei_hbm.at[0].at[pl.ds(wid * k, k)], sidx_v)
    pltpu.sync_copy(ei_hbm.at[1].at[pl.ds(wid * k, k)], didx_v)
    plsc.subcore_barrier()

    for b in range(_NBUF):
        pltpu.async_copy(y_sh.at[sidx_v.at[b]], rows_v.at[b], sems[b])

    def body(g, carry):
        for b in range(_NBUF):
            s = g * _NBUF + b
            pltpu.make_async_copy(y_sh.at[sidx_v.at[s]], rows_v.at[b], sems[b]).wait()
            pltpu.async_copy(rows_v.at[b], acc_sh.at[didx_v.at[s]], sems[b], add=True).wait()
            pltpu.async_copy(y_sh.at[sidx_v.at[s + _NBUF]], rows_v.at[b], sems[b])
        return carry

    lax.fori_loop(0, groups - 1, body, 0, unroll=False)
    for b in range(_NBUF):
        s = (groups - 1) * _NBUF + b
        pltpu.make_async_copy(y_sh.at[sidx_v.at[s]], rows_v.at[b], sems[b]).wait()
        pltpu.async_copy(rows_v.at[b], acc_sh.at[didx_v.at[s]], sems[b], add=True).wait()

    plsc.subcore_barrier()
    pltpu.sync_copy(acc_sh.at[pl.ds(sid * _RPT, _RPT)],
                    out_hbm.at[cid, pl.ds(sid * _RPT, _RPT)])


def _make_agg(feat, k_slices, n_rows):
    return functools.partial(
        pl.kernel,
        out_type=jax.ShapeDtypeStruct((_NC, _ACC_ROWS, feat), jnp.float32),
        mesh=_mesh,
        scratch_types=[
            pltpu.VMEM((k_slices, _SL), jnp.int32),
            pltpu.VMEM((k_slices, _SL), jnp.int32),
            pltpu.VMEM((_NBUF, _SL, feat), jnp.float32),
            pltpu.VMEM_SHARED((n_rows, feat), jnp.float32),
            pltpu.VMEM_SHARED((_ACC_ROWS, feat), jnp.float32),
        ] + [pltpu.SemaphoreType.DMA] * _NBUF,
        compiler_params=_sc_params,
    )(_agg_kernel_body)



_GRP = 8
_NV = _N // _GRP


def _tc_xw_body(x_ref, w1b_ref, xw_ref):
    xw_ref[...] = jnp.dot(x_ref[...], w1b_ref[...],
                          preferred_element_type=jnp.float32)


def _tc_scale1_body(xw_ref, degp_ref, y_ref, disb_ref):
    disb = lax.rsqrt(degp_ref[0] + degp_ref[1] + 1.0)
    disb_ref[...] = disb
    y_ref[...] = xw_ref[...] * disb[: _NV]


def _tc_mid_body(p_ref, y1_ref, disb_ref, b1_ref, y2_ref):
    dis = disb_ref[: _NV, :]
    agg = p_ref[0, : _NV, :] + p_ref[1, : _NV, :] + y1_ref[...]
    h = jnp.maximum(agg * dis + b1_ref[...], 0.0)
    y2_ref[...] = h * dis


def _tc_final_body(p_ref, y2_ref, disb_ref, b2_ref, w2b_ref, s_ref, b_ref,
                   o_ref):
    agg = p_ref[0, : _NV, :] + p_ref[1, : _NV, :] + y2_ref[...]
    z = jnp.dot(agg * disb_ref[: _NV, :], w2b_ref[...],
                preferred_element_type=jnp.float32) + b2_ref[...]
    c = jnp.max(z, axis=1, keepdims=True)
    ez = jnp.exp(z - c)
    s = jnp.dot(ez, s_ref[...], preferred_element_type=jnp.float32)
    lse = jnp.dot(jnp.log(s), b_ref[...], preferred_element_type=jnp.float32)
    o_ref[...] = (z - c) - lse


def kernel(x, edge_index, W1, b1, W2, b2):
    n, d_in = x.shape
    d_hid = W1.shape[1]
    d_out = W2.shape[1]
    e = edge_index.shape[1]

    k_slices = e // (_NW * _SL)
    ei3 = edge_index.astype(jnp.int32).reshape(2, _NW * k_slices, _SL)
    zeros_d = jnp.zeros((_RPT, _DW), jnp.float32)
    zeros_f = jnp.zeros((_RPT, d_hid), jnp.float32)
    ones_d = jnp.ones((_SL, _DW), jnp.float32)

    nv = n // _GRP
    accv = _ACC_ROWS // _GRP
    vw = _GRP * d_hid
    ow = _GRP * d_out
    eye = jnp.eye(_GRP, dtype=jnp.float32)
    w1b = jnp.kron(eye, W1)
    w2b = jnp.kron(eye, W2)
    seg_s = jnp.kron(eye, jnp.ones((d_out, 1), jnp.float32))
    seg_b = jnp.kron(eye, jnp.ones((1, d_out), jnp.float32))
    b1t = jnp.tile(b1, _GRP).reshape(1, vw)
    b2t = jnp.tile(b2, _GRP).reshape(1, ow)

    xwv = pl.pallas_call(
        _tc_xw_body,
        out_shape=jax.ShapeDtypeStruct((nv, vw), jnp.float32),
    )(x.reshape(nv, _GRP * d_in), w1b)

    degp = _make_deg(k_slices)(ei3, zeros_d, ones_d)

    y1v, disb = pl.pallas_call(
        _tc_scale1_body,
        out_shape=(
            jax.ShapeDtypeStruct((nv, vw), jnp.float32),
            jax.ShapeDtypeStruct((accv, vw), jnp.float32),
        ),
    )(xwv, degp.reshape(_NC, accv, vw))

    p1 = _make_agg(d_hid, k_slices, n)(y1v.reshape(n, d_hid), ei3, zeros_f)

    y2v = pl.pallas_call(
        _tc_mid_body,
        out_shape=jax.ShapeDtypeStruct((nv, vw), jnp.float32),
    )(p1.reshape(_NC, accv, vw), y1v, disb, b1t)

    p2 = _make_agg(d_hid, k_slices, n)(y2v.reshape(n, d_hid), ei3, zeros_f)

    outv = pl.pallas_call(
        _tc_final_body,
        out_shape=jax.ShapeDtypeStruct((nv, ow), jnp.float32),
    )(p2.reshape(_NC, accv, vw), y2v, disb, b2t, w2b, seg_s, seg_b)
    return outv.reshape(n, d_out)

# --- scband reference (transcript-rebuilt; emitter-appended) ---
"""Pipeline reference for scband-gcn-25933012533533 (READ-ONLY COPY).

The authoritative reference and input builder live on the scoring server;
editing this copy changes nothing except your own understanding.
"""

import jax, jax.numpy as jnp
import numpy as np

N = 10000
E = 320000
D_IN = 128
D_HID = 16
D_OUT = 40


def setup_inputs(seed: int = 0) -> dict:
    key = jax.random.key(seed)
    k1, k2, k3, k4, k5, k6 = jax.random.split(key, 6)
    x = jax.random.normal(k1, (N, D_IN), dtype=jnp.float32)
    edge_index = jax.random.randint(k2, (2, E), 0, N, dtype=jnp.int64)
    # Glorot-style init for linear weights, zeros for bias (PyG GCNConv default)
    W1 = jax.random.normal(k3, (D_IN, D_HID), dtype=jnp.float32) * (1.0 / np.sqrt(D_IN))
    b1 = jnp.zeros((D_HID,), dtype=jnp.float32)
    W2 = jax.random.normal(k4, (D_HID, D_OUT), dtype=jnp.float32) * (1.0 / np.sqrt(D_HID))
    b2 = jnp.zeros((D_OUT,), dtype=jnp.float32)
    return {"x": x, "edge_index": edge_index, "W1": W1, "b1": b1, "W2": W2, "b2": b2}


def _gcn_conv(x, edge_index, W, b):
    # Faithful PyG GCNConv: add self-loops, symmetric normalization, linear, scatter-add aggregate, bias.
    n = x.shape[0]
    loop = jnp.arange(n, dtype=edge_index.dtype)
    src = jnp.concatenate([edge_index[0], loop])
    dst = jnp.concatenate([edge_index[1], loop])
    ones = jnp.ones(src.shape[0], dtype=x.dtype)
    deg = jnp.zeros((n,), dtype=x.dtype).at[dst].add(ones)
    deg_inv_sqrt = jnp.where(deg > 0, deg ** -0.5, 0.0)
    norm = deg_inv_sqrt[src] * deg_inv_sqrt[dst]
    xw = x @ W
    msg = norm[:, None] * jnp.take(xw, src, axis=0)
    out = jnp.zeros((n, xw.shape[1]), dtype=x.dtype).at[dst].add(msg)
    return out + b


def reference(x, edge_index, W1, b1, W2, b2):
    h = _gcn_conv(x, edge_index, W1, b1)
    h = jax.nn.relu(h)
    # F.dropout with training=self.training: identity in eval mode (deterministic reference)
    h = _gcn_conv(h, edge_index, W2, b2)
    return jax.nn.log_softmax(h, axis=1)

if __name__ == "__main__":
    import jax
    _d = setup_inputs()
    print(jax.jit(kernel)(*tuple(_d.values())))

</pallas_src>

<mosaic_0001>
#map = affine_map<(d0, d1) -> (0, 0)>
#map1 = affine_map<(d0, d1) -> (0, 0, 0)>
module attributes {stable_mosaic.version = 14 : i64} {
  func.func @_agg_kernel_body(%arg0: i32, %arg1: i32, %arg2: memref<10000x16xf32, #tpu.memory_space<hbm>>, %arg3: memref<2x640x500xi32, #tpu.memory_space<hbm>>, %arg4: memref<640x16xf32, #tpu.memory_space<hbm>>, %arg5: memref<2x10240x16xf32, #tpu.memory_space<hbm>>, %arg6: memref<20x500xi32, #tpu.memory_space<vmem>>, %arg7: memref<20x500xi32, #tpu.memory_space<vmem>>, %arg8: memref<2x500x16xf32, #tpu.memory_space<vmem>>, %arg9: memref<10000x16xf32, #tpu.memory_space<vmem_shared>>, %arg10: memref<10240x16xf32, #tpu.memory_space<vmem_shared>>, %arg11: memref<!tpu.dma_semaphore, #tpu.memory_space<semaphore_mem>>, %arg12: memref<!tpu.dma_semaphore, #tpu.memory_space<semaphore_mem>>) attributes {dimension_semantics = [#tpu.dimension_semantics<core_parallel>, #tpu.dimension_semantics<subcore_parallel>], iteration_bounds = array<i64: 2, 16>, scalar_prefetch = 0 : i64, scratch_operands = 7 : i64, tpu.core_type = #tpu.core_type<sc_vector_subcore>, window_params = [{transform_indices = #map}, {transform_indices = #map1}, {transform_indices = #map}, {transform_indices = #map1}]} {
    %mul3A = arith.constant 16 : i32
    %mul3A_0 = arith.muli %arg0, %mul3A : i32
    %add3A = arith.addi %mul3A_0, %arg1 : i32
    %mul3A_1 = arith.constant 640 : i32
    %mul3A_2 = arith.muli %arg1, %mul3A_1 : i32
    "tpu.region"() ({
      %run_scoped3A_116 = tpu.sem_alloc : memref<!tpu.dma_semaphore, #tpu.memory_space<semaphore_mem>>
      %dma_start3A_117 = arith.constant 0 : i32
      %dma_start3A_118 = tpu.memref_slice %arg10[%mul3A_2, %dma_start3A_117] : memref<10240x16xf32, #tpu.memory_space<vmem_shared>> -> memref<640x16xf32, #tpu.memory_space<vmem_shared>>
      tpu.enqueue_dma source(%arg4 : memref<640x16xf32, #tpu.memory_space<hbm>>) target(%dma_start3A_118 : memref<640x16xf32, #tpu.memory_space<vmem_shared>>) target_semaphore(%run_scoped3A_116 : memref<!tpu.dma_semaphore, #tpu.memory_space<semaphore_mem>>)
      %dma_wait3A_119 = arith.constant 0 : i32
      %dma_wait3A_120 = tpu.memref_slice %arg10[%mul3A_2, %dma_wait3A_119] : memref<10240x16xf32, #tpu.memory_space<vmem_shared>> -> memref<640x16xf32, #tpu.memory_space<vmem_shared>>
      tpu.wait_dma2 semaphore(%run_scoped3A_116 : memref<!tpu.dma_semaphore, #tpu.memory_space<semaphore_mem>>) src(%arg4 : memref<640x16xf32, #tpu.memory_space<hbm>>) dst(%dma_wait3A_120 : memref<640x16xf32, #tpu.memory_space<vmem_shared>>)
      tpu.yield
    }) : () -> ()
    %mul3A_3 = arith.constant 625 : i32
    %mul3A_4 = arith.muli %arg1, %mul3A_3 : i32
    %mul3A_5 = arith.constant 625 : i32
    %mul3A_6 = arith.muli %arg1, %mul3A_5 : i32
    "tpu.region"() ({
      %run_scoped3A_116 = tpu.sem_alloc : memref<!tpu.dma_semaphore, #tpu.memory_space<semaphore_mem>>
      %dma_start3A_117 = arith.constant 0 : i32
      %dma_start3A_118 = tpu.memref_slice %arg9[%mul3A_6, %dma_start3A_117] : memref<10000x16xf32, #tpu.memory_space<vmem_shared>> -> memref<625x16xf32, #tpu.memory_space<vmem_shared>>
      %dma_start3A_119 = arith.constant 0 : i32
      %dma_start3A_120 = tpu.memref_slice %arg2[%mul3A_4, %dma_start3A_119] : memref<10000x16xf32, #tpu.memory_space<hbm>> -> memref<625x16xf32, #tpu.memory_space<hbm>>
      tpu.enqueue_dma source(%dma_start3A_120 : memref<625x16xf32, #tpu.memory_space<hbm>>) target(%dma_start3A_118 : memref<625x16xf32, #tpu.memory_space<vmem_shared>>) target_semaphore(%run_scoped3A_116 : memref<!tpu.dma_semaphore, #tpu.memory_space<semaphore_mem>>)
      %dma_wait3A_121 = arith.constant 0 : i32
      %dma_wait3A_122 = tpu.memref_slice %arg9[%mul3A_6, %dma_wait3A_121] : memref<10000x16xf32, #tpu.memory_space<vmem_shared>> -> memref<625x16xf32, #tpu.memory_space<vmem_shared>>
      %dma_wait3A_123 = arith.constant 0 : i32
      %dma_wait3A_124 = tpu.memref_slice %arg2[%mul3A_4, %dma_wait3A_123] : memref<10000x16xf32, #tpu.memory_space<hbm>> -> memref<625x16xf32, #tpu.memory_space<hbm>>
      tpu.wait_dma2 semaphore(%run_scoped3A_116 : memref<!tpu.dma_semaphore, #tpu.memory_space<semaphore_mem>>) src(%dma_wait3A_124 : memref<625x16xf32, #tpu.memory_space<hbm>>) dst(%dma_wait3A_122 : memref<625x16xf32, #tpu.memory_space<vmem_shared>>)
      tpu.yield
    }) : () -> ()
    %mul3A_7 = arith.constant 20 : i32
    %mul3A_8 = arith.muli %add3A, %mul3A_7 : i32
    %run_scoped3A = arith.constant 0 : i32
    "tpu.region"() ({
      %run_scoped3A_116 = tpu.sem_alloc : memref<!tpu.dma_semaphore, #tpu.memory_space<semaphore_mem>>
      %dma_start3A_117 = arith.constant 0 : i32
      %dma_start3A_118 = arith.constant 0 : i32
      %dma_start3A_119 = tpu.memref_slice %arg3[%run_scoped3A, %dma_start3A_117, %dma_start3A_118] : memref<2x640x500xi32, #tpu.memory_space<hbm>> -> memref<1x640x500xi32, #tpu.memory_space<hbm>>
      %dma_start3A_120 = tpu.memref_squeeze %dma_start3A_119 : memref<1x640x500xi32, #tpu.memory_space<hbm>> -> memref<640x500xi32, #tpu.memory_space<hbm>>
      %dma_start3A_121 = arith.constant 0 : i32
      %dma_start3A_122 = tpu.memref_slice %dma_start3A_120[%mul3A_8, %dma_start3A_121] : memref<640x500xi32, #tpu.memory_space<hbm>> -> memref<20x500xi32, #tpu.memory_space<hbm>>
      %dma_start3A_123 = arith.constant 0 : i32
      %dma_start3A_124 = arith.constant 0 : i32
      %dma_start3A_125 = tpu.memref_slice %arg3[%run_scoped3A, %dma_start3A_123, %dma_start3A_124] : memref<2x640x500xi32, #tpu.memory_space<hbm>> -> memref<1x640x500xi32, #tpu.memory_space<hbm>>
      %dma_start3A_126 = tpu.memref_squeeze %dma_start3A_125 : memref<1x640x500xi32, #tpu.memory_space<hbm>> -> memref<640x500xi32, #tpu.memory_space<hbm>>
      %dma_start3A_127 = arith.constant 0 : i32
      %dma_start3A_128 = tpu.memref_slice %dma_start3A_126[%mul3A_8, %dma_start3A_127] : memref<640x500xi32, #tpu.memory_space<hbm>> -> memref<20x500xi32, #tpu.memory_space<hbm>>
      tpu.enqueue_dma source(%dma_start3A_128 : memref<20x500xi32, #tpu.memory_space<hbm>>) target(%arg6 : memref<20x500xi32, #tpu.memory_space<vmem>>) target_semaphore(%run_scoped3A_116 : memref<!tpu.dma_semaphore, #tpu.memory_space<semaphore_mem>>)
      %dma_wait3A_129 = arith.constant 0 : i32
      %dma_wait3A_130 = arith.constant 0 : i32
      %dma_wait3A_131 = tpu.memref_slice %arg3[%run_scoped3A, %dma_wait3A_129, %dma_wait3A_130] : memref<2x640x500xi32, #tpu.memory_space<hbm>> -> memref<1x640x500xi32, #tpu.memory_space<hbm>>
      %dma_wait3A_132 = tpu.memref_squeeze %dma_wait3A_131 : memref<1x640x500xi32, #tpu.memory_space<hbm>> -> memref<640x500xi32, #tpu.memory_space<hbm>>
      %dma_wait3A_133 = arith.constant 0 : i32
      %dma_wait3A_134 = tpu.memref_slice %dma_wait3A_132[%mul3A_8, %dma_wait3A_133] : memref<640x500xi32, #tpu.memory_space<hbm>> -> memref<20x500xi32, #tpu.memory_space<hbm>>
      %dma_wait3A_135 = arith.constant 0 : i32
      %dma_wait3A_136 = arith.constant 0 : i32
      %dma_wait3A_137 = tpu.memref_slice %arg3[%run_scoped3A, %dma_wait3A_135, %dma_wait3A_136] : memref<2x640x500xi32, #tpu.memory_space<hbm>> -> memref<1x640x500xi32, #tpu.memory_space<hbm>>
      %dma_wait3A_138 = tpu.memref_squeeze %dma_wait3A_137 : memref<1x640x500xi32, #tpu.memory_space<hbm>> -> memref<640x500xi32, #tpu.memory_space<hbm>>
      %dma_wait3A_139 = arith.constant 0 : i32
      %dma_wait3A_140 = tpu.memref_slice %dma_wait3A_138[%mul3A_8, %dma_wait3A_139] : memref<640x500xi32, #tpu.memory_space<hbm>> -> memref<20x500xi32, #tpu.memory_space<hbm>>
      tpu.wait_dma2 semaphore(%run_scoped3A_116 : memref<!tpu.dma_semaphore, #tpu.memory_space<semaphore_mem>>) src(%dma_wait3A_140 : memref<20x500xi32, #tpu.memory_space<hbm>>) dst(%arg6 : memref<20x500xi32, #tpu.memory_space<vmem>>)
      tpu.yield
    }) : () -> ()
    %mul3A_9 = arith.constant 20 : i32
    %mul3A_10 = arith.muli %add3A, %mul3A_9 : i32
    %run_scoped3A_11 = arith.constant 1 : i32
    "tpu.region"() ({
      %run_scoped3A_116 = tpu.sem_alloc : memref<!tpu.dma_semaphore, #tpu.memory_space<semaphore_mem>>
      %dma_start3A_117 = arith.constant 0 : i32
      %dma_start3A_118 = arith.constant 0 : i32
      %dma_start3A_119 = tpu.memref_slice %arg3[%run_scoped3A_11, %dma_start3A_117, %dma_start3A_118] : memref<2x640x500xi32, #tpu.memory_space<hbm>> -> memref<1x640x500xi32, #tpu.memory_space<hbm>>
      %dma_start3A_120 = tpu.memref_squeeze %dma_start3A_119 : memref<1x640x500xi32, #tpu.memory_space<hbm>> -> memref<640x500xi32, #tpu.memory_space<hbm>>
      %dma_start3A_121 = arith.constant 0 : i32
      %dma_start3A_122 = tpu.memref_slice %dma_start3A_120[%mul3A_10, %dma_start3A_121] : memref<640x500xi32, #tpu.memory_space<hbm>> -> memref<20x500xi32, #tpu.memory_space<hbm>>
      %dma_start3A_123 = arith.constant 0 : i32
      %dma_start3A_124 = arith.constant 0 : i32
      %dma_start3A_125 = tpu.memref_slice %arg3[%run_scoped3A_11, %dma_start3A_123, %dma_start3A_124] : memref<2x640x500xi32, #tpu.memory_space<hbm>> -> memref<1x640x500xi32, #tpu.memory_space<hbm>>
      %dma_start3A_126 = tpu.memref_squeeze %dma_start3A_125 : memref<1x640x500xi32, #tpu.memory_space<hbm>> -> memref<640x500xi32, #tpu.memory_space<hbm>>
      %dma_start3A_127 = arith.constant 0 : i32
      %dma_start3A_128 = tpu.memref_slice %dma_start3A_126[%mul3A_10, %dma_start3A_127] : memref<640x500xi32, #tpu.memory_space<hbm>> -> memref<20x500xi32, #tpu.memory_space<hbm>>
      tpu.enqueue_dma source(%dma_start3A_128 : memref<20x500xi32, #tpu.memory_space<hbm>>) target(%arg7 : memref<20x500xi32, #tpu.memory_space<vmem>>) target_semaphore(%run_scoped3A_116 : memref<!tpu.dma_semaphore, #tpu.memory_space<semaphore_mem>>)
      %dma_wait3A_129 = arith.constant 0 : i32
      %dma_wait3A_130 = arith.constant 0 : i32
      %dma_wait3A_131 = tpu.memref_slice %arg3[%run_scoped3A_11, %dma_wait3A_129, %dma_wait3A_130] : memref<2x640x500xi32, #tpu.memory_space<hbm>> -> memref<1x640x500xi32, #tpu.memory_space<hbm>>
      %dma_wait3A_132 = tpu.memref_squeeze %dma_wait3A_131 : memref<1x640x500xi32, #tpu.memory_space<hbm>> -> memref<640x500xi32, #tpu.memory_space<hbm>>
      %dma_wait3A_133 = arith.constant 0 : i32
      %dma_wait3A_134 = tpu.memref_slice %dma_wait3A_132[%mul3A_10, %dma_wait3A_133] : memref<640x500xi32, #tpu.memory_space<hbm>> -> memref<20x500xi32, #tpu.memory_space<hbm>>
      %dma_wait3A_135 = arith.constant 0 : i32
      %dma_wait3A_136 = arith.constant 0 : i32
      %dma_wait3A_137 = tpu.memref_slice %arg3[%run_scoped3A_11, %dma_wait3A_135, %dma_wait3A_136] : memref<2x640x500xi32, #tpu.memory_space<hbm>> -> memref<1x640x500xi32, #tpu.memory_space<hbm>>
      %dma_wait3A_138 = tpu.memref_squeeze %dma_wait3A_137 : memref<1x640x500xi32, #tpu.memory_space<hbm>> -> memref<640x500xi32, #tpu.memory_space<hbm>>
      %dma_wait3A_139 = arith.constant 0 : i32
      %dma_wait3A_140 = tpu.memref_slice %dma_wait3A_138[%mul3A_10, %dma_wait3A_139] : memref<640x500xi32, #tpu.memory_space<hbm>> -> memref<20x500xi32, #tpu.memory_space<hbm>>
      tpu.wait_dma2 semaphore(%run_scoped3A_116 : memref<!tpu.dma_semaphore, #tpu.memory_space<semaphore_mem>>) src(%dma_wait3A_140 : memref<20x500xi32, #tpu.memory_space<hbm>>) dst(%arg7 : memref<20x500xi32, #tpu.memory_space<vmem>>)
      tpu.yield
    }) : () -> ()
    %barrier3A = arith.constant 0 : index
    tpu.barrier barrier_id(%barrier3A)
    %dma_start3A = arith.constant 0 : i32
    %dma_start3A_12 = arith.constant 0 : i32
    %dma_start3A_13 = arith.constant 0 : i32
    %dma_start3A_14 = arith.constant 0 : i32
    %dma_start3A_15 = tpu.memref_slice %arg8[%dma_start3A_12, %dma_start3A_13, %dma_start3A_14] : memref<2x500x16xf32, #tpu.memory_space<vmem>> -> memref<1x500x16xf32, #tpu.memory_space<vmem>>
    %dma_start3A_16 = tpu.memref_squeeze %dma_start3A_15 : memref<1x500x16xf32, #tpu.memory_space<vmem>> -> memref<500x16xf32, #tpu.memory_space<vmem>>
    %dma_start3A_17 = arith.constant 0 : i32
    %dma_start3A_18 = tpu.memref_slice %arg6[%dma_start3A, %dma_start3A_17] : memref<20x500xi32, #tpu.memory_space<vmem>> -> memref<1x500xi32, #tpu.memory_space<vmem>>
    %dma_start3A_19 = tpu.memref_squeeze %dma_start3A_18 : memref<1x500xi32, #tpu.memory_space<vmem>> -> memref<500xi32, #tpu.memory_space<vmem>>
    %dma_start3A_20 = arith.constant 0 : i32
    %dma_start3A_21 = arith.constant 0 : i32
    %dma_start3A_22 = tpu.memref_slice %arg9[%dma_start3A_20, %dma_start3A_21] : memref<10000x16xf32, #tpu.memory_space<vmem_shared>> -> memref<10000x16xf32, #tpu.memory_space<vmem_shared>>
    tpu.enqueue_indirect_dma source(%dma_start3A_22 : memref<10000x16xf32, #tpu.memory_space<vmem_shared>>) target(%dma_start3A_16 : memref<500x16xf32, #tpu.memory_space<vmem>>) offsets(%dma_start3A_19 : memref<500xi32, #tpu.memory_space<vmem>>) semaphore(%arg11 : memref<!tpu.dma_semaphore, #tpu.memory_space<semaphore_mem>>)
    %dma_start3A_23 = arith.constant 1 : i32
    %dma_start3A_24 = arith.constant 1 : i32
    %dma_start3A_25 = arith.constant 0 : i32
    %dma_start3A_26 = arith.constant 0 : i32
    %dma_start3A_27 = tpu.memref_slice %arg8[%dma_start3A_24, %dma_start3A_25, %dma_start3A_26] : memref<2x500x16xf32, #tpu.memory_space<vmem>> -> memref<1x500x16xf32, #tpu.memory_space<vmem>>
    %dma_start3A_28 = tpu.memref_squeeze %dma_start3A_27 : memref<1x500x16xf32, #tpu.memory_space<vmem>> -> memref<500x16xf32, #tpu.memory_space<vmem>>
    %dma_start3A_29 = arith.constant 0 : i32
    %dma_start3A_30 = tpu.memref_slice %arg6[%dma_start3A_23, %dma_start3A_29] : memref<20x500xi32, #tpu.memory_space<vmem>> -> memref<1x500xi32, #tpu.memory_space<vmem>>
    %dma_start3A_31 = tpu.memref_squeeze %dma_start3A_30 : memref<1x500xi32, #tpu.memory_space<vmem>> -> memref<500xi32, #tpu.memory_space<vmem>>
    %dma_start3A_32 = arith.constant 0 : i32
    %dma_start3A_33 = arith.constant 0 : i32
    %dma_start3A_34 = tpu.memref_slice %arg9[%dma_start3A_32, %dma_start3A_33] : memref<10000x16xf32, #tpu.memory_space<vmem_shared>> -> memref<10000x16xf32, #tpu.memory_space<vmem_shared>>
    tpu.enqueue_indirect_dma source(%dma_start3A_34 : memref<10000x16xf32, #tpu.memory_space<vmem_shared>>) target(%dma_start3A_28 : memref<500x16xf32, #tpu.memory_space<vmem>>) offsets(%dma_start3A_31 : memref<500xi32, #tpu.memory_space<vmem>>) semaphore(%arg12 : memref<!tpu.dma_semaphore, #tpu.memory_space<semaphore_mem>>)
    %scan3A = arith.constant 0 : i32
    %scan3A_35 = arith.constant 0 : i32
    %scan3A_36 = arith.constant 9 : i32
    %scan3A_37 = arith.addi %scan3A_35, %scan3A_36 : i32
    %scan3A_38 = arith.constant 1 : i32
    scf.for %scan3A_116 = %scan3A_35 to %scan3A_37 step %scan3A_38  : i32 {
      %mul3A_117 = arith.constant 2 : i32
      %mul3A_118 = arith.muli %scan3A_116, %mul3A_117 : i32
      %add3A_119 = arith.constant 0 : i32
      %add3A_120 = arith.addi %mul3A_118, %add3A_119 : i32
      %dma_wait3A_121 = arith.constant 0 : i32
      %dma_wait3A_122 = arith.constant 0 : i32
      %dma_wait3A_123 = arith.constant 0 : i32
      %dma_wait3A_124 = tpu.memref_slice %arg8[%dma_wait3A_121, %dma_wait3A_122, %dma_wait3A_123] : memref<2x500x16xf32, #tpu.memory_space<vmem>> -> memref<1x500x16xf32, #tpu.memory_space<vmem>>
      %dma_wait3A_125 = tpu.memref_squeeze %dma_wait3A_124 : memref<1x500x16xf32, #tpu.memory_space<vmem>> -> memref<500x16xf32, #tpu.memory_space<vmem>>
      %dma_wait3A_126 = arith.constant 0 : i32
      %dma_wait3A_127 = tpu.memref_slice %arg6[%add3A_120, %dma_wait3A_126] : memref<20x500xi32, #tpu.memory_space<vmem>> -> memref<1x500xi32, #tpu.memory_space<vmem>>
      %dma_wait3A_128 = tpu.memref_squeeze %dma_wait3A_127 : memref<1x500xi32, #tpu.memory_space<vmem>> -> memref<500xi32, #tpu.memory_space<vmem>>
      %dma_wait3A_129 = arith.constant 0 : i32
      %dma_wait3A_130 = arith.constant 0 : i32
      %dma_wait3A_131 = tpu.memref_slice %arg9[%dma_wait3A_129, %dma_wait3A_130] : memref<10000x16xf32, #tpu.memory_space<vmem_shared>> -> memref<10000x16xf32, #tpu.memory_space<vmem_shared>>
      tpu.wait_indirect_dma semaphore(%arg11 : memref<!tpu.dma_semaphore, #tpu.memory_space<semaphore_mem>>) src(%dma_wait3A_131 : memref<10000x16xf32, #tpu.memory_space<vmem_shared>>) dst(%dma_wait3A_125 : memref<500x16xf32, #tpu.memory_space<vmem>>)
      %dma_start3A_132 = arith.constant 0 : i32
      %dma_start3A_133 = arith.constant 0 : i32
      %dma_start3A_134 = arith.constant 0 : i32
      %dma_start3A_135 = tpu.memref_slice %arg8[%dma_start3A_132, %dma_start3A_133, %dma_start3A_134] : memref<2x500x16xf32, #tpu.memory_space<vmem>> -> memref<1x500x16xf32, #tpu.memory_space<vmem>>
      %dma_start3A_136 = tpu.memref_squeeze %dma_start3A_135 : memref<1x500x16xf32, #tpu.memory_space<vmem>> -> memref<500x16xf32, #tpu.memory_space<vmem>>
      %dma_start3A_137 = arith.constant 0 : i32
      %dma_start3A_138 = tpu.memref_slice %arg7[%add3A_120, %dma_start3A_137] : memref<20x500xi32, #tpu.memory_space<vmem>> -> memref<1x500xi32, #tpu.memory_space<vmem>>
      %dma_start3A_139 = tpu.memref_squeeze %dma_start3A_138 : memref<1x500xi32, #tpu.memory_space<vmem>> -> memref<500xi32, #tpu.memory_space<vmem>>
      %dma_start3A_140 = arith.constant 0 : i32
      %dma_start3A_141 = arith.constant 0 : i32
      %dma_start3A_142 = tpu.memref_slice %arg10[%dma_start3A_140, %dma_start3A_141] : memref<10240x16xf32, #tpu.memory_space<vmem_shared>> -> memref<10240x16xf32, #tpu.memory_space<vmem_shared>>
      tpu.enqueue_indirect_dma source(%dma_start3A_136 : memref<500x16xf32, #tpu.memory_space<vmem>>) target(%dma_start3A_142 : memref<10240x16xf32, #tpu.memory_space<vmem_shared>>) offsets(%dma_start3A_139 : memref<500xi32, #tpu.memory_space<vmem>>) semaphore(%arg11 : memref<!tpu.dma_semaphore, #tpu.memory_space<semaphore_mem>>) {add = true}
      %dma_wait3A_143 = arith.constant 0 : i32
      %dma_wait3A_144 = arith.constant 0 : i32
      %dma_wait3A_145 = arith.constant 0 : i32
      %dma_wait3A_146 = tpu.memref_slice %arg8[%dma_wait3A_143, %dma_wait3A_144, %dma_wait3A_145] : memref<2x500x16xf32, #tpu.memory_space<vmem>> -> memref<1x500x16xf32, #tpu.memory_space<vmem>>
      %dma_wait3A_147 = tpu.memref_squeeze %dma_wait3A_146 : memref<1x500x16xf32, #tpu.memory_space<vmem>> -> memref<500x16xf32, #tpu.memory_space<vmem>>
      %dma_wait3A_148 = arith.constant 0 : i32
      %dma_wait3A_149 = tpu.memref_slice %arg7[%add3A_120, %dma_wait3A_148] : memref<20x500xi32, #tpu.memory_space<vmem>> -> memref<1x500xi32, #tpu.memory_space<vmem>>
      %dma_wait3A_150 = tpu.memref_squeeze %dma_wait3A_149 : memref<1x500xi32, #tpu.memory_space<vmem>> -> memref<500xi32, #tpu.memory_space<vmem>>
      %dma_wait3A_151 = arith.constant 0 : i32
      %dma_wait3A_152 = arith.constant 0 : i32
      %dma_wait3A_153 = tpu.memref_slice %arg10[%dma_wait3A_151, %dma_wait3A_152] : memref<10240x16xf32, #tpu.memory_space<vmem_shared>> -> memref<10240x16xf32, #tpu.memory_space<vmem_shared>>
      tpu.wait_indirect_dma semaphore(%arg11 : memref<!tpu.dma_semaphore, #tpu.memory_space<semaphore_mem>>) src(%dma_wait3A_147 : memref<500x16xf32, #tpu.memory_space<vmem>>) dst(%dma_wait3A_153 : memref<10240x16xf32, #tpu.memory_space<vmem_shared>>)
      %add3A_154 = arith.constant 2 : i32
      %add3A_155 = arith.addi %add3A_120, %add3A_154 : i32
      %dma_start3A_156 = arith.constant 0 : i32
      %dma_start3A_157 = arith.constant 0 : i32
      %dma_start3A_158 = arith.constant 0 : i32
      %dma_start3A_159 = tpu.memref_slice %arg8[%dma_start3A_156, %dma_start3A_157, %dma_start3A_158] : memref<2x500x16xf32, #tpu.memory_space<vmem>> -> memref<1x500x16xf32, #tpu.memory_space<vmem>>
      %dma_start3A_160 = tpu.memref_squeeze %dma_start3A_159 : memref<1x500x16xf32, #tpu.memory_space<vmem>> -> memref<500x16xf32, #tpu.memory_space<vmem>>
      %dma_start3A_161 = arith.constant 0 : i32
      %dma_start3A_162 = tpu.memref_slice %arg6[%add3A_155, %dma_start3A_161] : memref<20x500xi32, #tpu.memory_space<vmem>> -> memref<1x500xi32, #tpu.memory_space<vmem>>
      %dma_start3A_163 = tpu.memref_squeeze %dma_start3A_162 : memref<1x500xi32, #tpu.memory_space<vmem>> -> memref<500xi32, #tpu.memory_space<vmem>>
      %dma_start3A_164 = arith.constant 0 : i32
      %dma_start3A_165 = arith.constant 0 : i32
      %dma_start3A_166 = tpu.memref_slice %arg9[%dma_start3A_164, %dma_start3A_165] : memref<10000x16xf32, #tpu.memory_space<vmem_shared>> -> memref<10000x16xf32, #tpu.memory_space<vmem_shared>>
      tpu.enqueue_indirect_dma source(%dma_start3A_166 : memref<10000x16xf32, #tpu.memory_space<vmem_shared>>) target(%dma_start3A_160 : memref<500x16xf32, #tpu.memory_space<vmem>>) offsets(%dma_start3A_163 : memref<500xi32, #tpu.memory_space<vmem>>) semaphore(%arg11 : memref<!tpu.dma_semaphore, #tpu.memory_space<semaphore_mem>>)
      %mul3A_167 = arith.constant 2 : i32
      %mul3A_168 = arith.muli %scan3A_116, %mul3A_167 : i32
      %add3A_169 = arith.constant 1 : i32
      %add3A_170 = arith.addi %mul3A_168, %add3A_169 : i32
      %dma_wait3A_171 = arith.constant 1 : i32
      %dma_wait3A_172 = arith.constant 0 : i32
      %dma_wait3A_173 = arith.constant 0 : i32
      %dma_wait3A_174 = tpu.memref_slice %arg8[%dma_wait3A_171, %dma_wait3A_172, %dma_wait3A_173] : memref<2x500x16xf32, #tpu.memory_space<vmem>> -> memref<1x500x16xf32, #tpu.memory_space<vmem>>
      %dma_wait3A_175 = tpu.memref_squeeze %dma_wait3A_174 : memref<1x500x16xf32, #tpu.memory_space<vmem>> -> memref<500x16xf32, #tpu.memory_space<vmem>>
      %dma_wait3A_176 = arith.constant 0 : i32
      %dma_wait3A_177 = tpu.memref_slice %arg6[%add3A_170, %dma_wait3A_176] : memref<20x500xi32, #tpu.memory_space<vmem>> -> memref<1x500xi32, #tpu.memory_space<vmem>>
      %dma_wait3A_178 = tpu.memref_squeeze %dma_wait3A_177 : memref<1x500xi32, #tpu.memory_space<vmem>> -> memref<500xi32, #tpu.memory_space<vmem>>
      %dma_wait3A_179 = arith.constant 0 : i32
      %dma_wait3A_180 = arith.constant 0 : i32
      %dma_wait3A_181 = tpu.memref_slice %arg9[%dma_wait3A_179, %dma_wait3A_180] : memref<10000x16xf32, #tpu.memory_space<vmem_shared>> -> memref<10000x16xf32, #tpu.memory_space<vmem_shared>>
      tpu.wait_indirect_dma semaphore(%arg12 : memref<!tpu.dma_semaphore, #tpu.memory_space<semaphore_mem>>) src(%dma_wait3A_181 : memref<10000x16xf32, #tpu.memory_space<vmem_shared>>) dst(%dma_wait3A_175 : memref<500x16xf32, #tpu.memory_space<vmem>>)
      %dma_start3A_182 = arith.constant 1 : i32
      %dma_start3A_183 = arith.constant 0 : i32
      %dma_start3A_184 = arith.constant 0 : i32
      %dma_start3A_185 = tpu.memref_slice %arg8[%dma_start3A_182, %dma_start3A_183, %dma_start3A_184] : memref<2x500x16xf32, #tpu.memory_space<vmem>> -> memref<1x500x16xf32, #tpu.memory_space<vmem>>
      %dma_start3A_186 = tpu.memref_squeeze %dma_start3A_185 : memref<1x500x16xf32, #tpu.memory_space<vmem>> -> memref<500x16xf32, #tpu.memory_space<vmem>>
      %dma_start3A_187 = arith.constant 0 : i32
      %dma_start3A_188 = tpu.memref_slice %arg7[%add3A_170, %dma_start3A_187] : memref<20x500xi32, #tpu.memory_space<vmem>> -> memref<1x500xi32, #tpu.memory_space<vmem>>
      %dma_start3A_189 = tpu.memref_squeeze %dma_start3A_188 : memref<1x500xi32, #tpu.memory_space<vmem>> -> memref<500xi32, #tpu.memory_space<vmem>>
      %dma_start3A_190 = arith.constant 0 : i32
      %dma_start3A_191 = arith.constant 0 : i32
      %dma_start3A_192 = tpu.memref_slice %arg10[%dma_start3A_190, %dma_start3A_191] : memref<10240x16xf32, #tpu.memory_space<vmem_shared>> -> memref<10240x16xf32, #tpu.memory_space<vmem_shared>>
      tpu.enqueue_indirect_dma source(%dma_start3A_186 : memref<500x16xf32, #tpu.memory_space<vmem>>) target(%dma_start3A_192 : memref<10240x16xf32, #tpu.memory_space<vmem_shared>>) offsets(%dma_start3A_189 : memref<500xi32, #tpu.memory_space<vmem>>) semaphore(%arg12 : memref<!tpu.dma_semaphore, #tpu.memory_space<semaphore_mem>>) {add = true}
      %dma_wait3A_193 = arith.constant 1 : i32
      %dma_wait3A_194 = arith.constant 0 : i32
      %dma_wait3A_195 = arith.constant 0 : i32
      %dma_wait3A_196 = tpu.memref_slice %arg8[%dma_wait3A_193, %dma_wait3A_194, %dma_wait3A_195] : memref<2x500x16xf32, #tpu.memory_space<vmem>> -> memref<1x500x16xf32, #tpu.memory_space<vmem>>
      %dma_wait3A_197 = tpu.memref_squeeze %dma_wait3A_196 : memref<1x500x16xf32, #tpu.memory_space<vmem>> -> memref<500x16xf32, #tpu.memory_space<vmem>>
      %dma_wait3A_198 = arith.constant 0 : i32
      %dma_wait3A_199 = tpu.memref_slice %arg7[%add3A_170, %dma_wait3A_198] : memref<20x500xi32, #tpu.memory_space<vmem>> -> memref<1x500xi32, #tpu.memory_space<vmem>>
      %dma_wait3A_200 = tpu.memref_squeeze %dma_wait3A_199 : memref<1x500xi32, #tpu.memory_space<vmem>> -> memref<500xi32, #tpu.memory_space<vmem>>
      %dma_wait3A_201 = arith.constant 0 : i32
      %dma_wait3A_202 = arith.constant 0 : i32
      %dma_wait3A_203 = tpu.memref_slice %arg10[%dma_wait3A_201, %dma_wait3A_202] : memref<10240x16xf32, #tpu.memory_space<vmem_shared>> -> memref<10240x16xf32, #tpu.memory_space<vmem_shared>>
      tpu.wait_indirect_dma semaphore(%arg12 : memref<!tpu.dma_semaphore, #tpu.memory_space<semaphore_mem>>) src(%dma_wait3A_197 : memref<500x16xf32, #tpu.memory_space<vmem>>) dst(%dma_wait3A_203 : memref<10240x16xf32, #tpu.memory_space<vmem_shared>>)
      %add3A_204 = arith.constant 2 : i32
      %add3A_205 = arith.addi %add3A_170, %add3A_204 : i32
      %dma_start3A_206 = arith.constant 1 : i32
      %dma_start3A_207 = arith.constant 0 : i32
      %dma_start3A_208 = arith.constant 0 : i32
      %dma_start3A_209 = tpu.memref_slice %arg8[%dma_start3A_206, %dma_start3A_207, %dma_start3A_208] : memref<2x500x16xf32, #tpu.memory_space<vmem>> -> memref<1x500x16xf32, #tpu.memory_space<vmem>>
      %dma_start3A_210 = tpu.memref_squeeze %dma_start3A_209 : memref<1x500x16xf32, #tpu.memory_space<vmem>> -> memref<500x16xf32, #tpu.memory_space<vmem>>
      %dma_start3A_211 = arith.constant 0 : i32
      %dma_start3A_212 = tpu.memref_slice %arg6[%add3A_205, %dma_start3A_211] : memref<20x500xi32, #tpu.memory_space<vmem>> -> memref<1x500xi32, #tpu.memory_space<vmem>>
      %dma_start3A_213 = tpu.memref_squeeze %dma_start3A_212 : memref<1x500xi32, #tpu.memory_space<vmem>> -> memref<500xi32, #tpu.memory_space<vmem>>
      %dma_start3A_214 = arith.constant 0 : i32
      %dma_start3A_215 = arith.constant 0 : i32
      %dma_start3A_216 = tpu.memref_slice %arg9[%dma_start3A_214, %dma_start3A_215] : memref<10000x16xf32, #tpu.memory_space<vmem_shared>> -> memref<10000x16xf32, #tpu.memory_space<vmem_shared>>
      tpu.enqueue_indirect_dma source(%dma_start3A_216 : memref<10000x16xf32, #tpu.memory_space<vmem_shared>>) target(%dma_start3A_210 : memref<500x16xf32, #tpu.memory_space<vmem>>) offsets(%dma_start3A_213 : memref<500xi32, #tpu.memory_space<vmem>>) semaphore(%arg12 : memref<!tpu.dma_semaphore, #tpu.memory_space<semaphore_mem>>)
    }
    %scan3A_39 = arith.constant 9 : i32
    %dma_wait3A = arith.constant 18 : i32
    %dma_wait3A_40 = arith.constant 0 : i32
    %dma_wait3A_41 = arith.constant 0 : i32
    %dma_wait3A_42 = arith.constant 0 : i32
    %dma_wait3A_43 = tpu.memref_slice %arg8[%dma_wait3A_40, %dma_wait3A_41, %dma_wait3A_42] : memref<2x500x16xf32, #tpu.memory_space<vmem>> -> memref<1x500x16xf32, #tpu.memory_space<vmem>>
    %dma_wait3A_44 = tpu.memref_squeeze %dma_wait3A_43 : memref<1x500x16xf32, #tpu.memory_space<vmem>> -> memref<500x16xf32, #tpu.memory_space<vmem>>
    %dma_wait3A_45 = arith.constant 0 : i32
    %dma_wait3A_46 = tpu.memref_slice %arg6[%dma_wait3A, %dma_wait3A_45] : memref<20x500xi32, #tpu.memory_space<vmem>> -> memref<1x500xi32, #tpu.memory_space<vmem>>
    %dma_wait3A_47 = tpu.memref_squeeze %dma_wait3A_46 : memref<1x500xi32, #tpu.memory_space<vmem>> -> memref<500xi32, #tpu.memory_space<vmem>>
    %dma_wait3A_48 = arith.constant 0 : i32
    %dma_wait3A_49 = arith.constant 0 : i32
    %dma_wait3A_50 = tpu.memref_slice %arg9[%dma_wait3A_48, %dma_wait3A_49] : memref<10000x16xf32, #tpu.memory_space<vmem_shared>> -> memref<10000x16xf32, #tpu.memory_space<vmem_shared>>
    tpu.wait_indirect_dma semaphore(%arg11 : memref<!tpu.dma_semaphore, #tpu.memory_space<semaphore_mem>>) src(%dma_wait3A_50 : memref<10000x16xf32, #tpu.memory_space<vmem_shared>>) dst(%dma_wait3A_44 : memref<500x16xf32, #tpu.memory_space<vmem>>)
    %dma_start3A_51 = arith.constant 0 : i32
    %dma_start3A_52 = arith.constant 18 : i32
    %dma_start3A_53 = arith.constant 0 : i32
    %dma_start3A_54 = arith.constant 0 : i32
    %dma_start3A_55 = tpu.memref_slice %arg8[%dma_start3A_51, %dma_start3A_53, %dma_start3A_54] : memref<2x500x16xf32, #tpu.memory_space<vmem>> -> memref<1x500x16xf32, #tpu.memory_space<vmem>>
    %dma_start3A_56 = tpu.memref_squeeze %dma_start3A_55 : memref<1x500x16xf32, #tpu.memory_space<vmem>> -> memref<500x16xf32, #tpu.memory_space<vmem>>
    %dma_start3A_57 = arith.constant 0 : i32
    %dma_start3A_58 = tpu.memref_slice %arg7[%dma_start3A_52, %dma_start3A_57] : memref<20x500xi32, #tpu.memory_space<vmem>> -> memref<1x500xi32, #tpu.memory_space<vmem>>
    %dma_start3A_59 = tpu.memref_squeeze %dma_start3A_58 : memref<1x500xi32, #tpu.memory_space<vmem>> -> memref<500xi32, #tpu.memory_space<vmem>>
    %dma_start3A_60 = arith.constant 0 : i32
    %dma_start3A_61 = arith.constant 0 : i32
    %dma_start3A_62 = tpu.memref_slice %arg10[%dma_start3A_60, %dma_start3A_61] : memref<10240x16xf32, #tpu.memory_space<vmem_shared>> -> memref<10240x16xf32, #tpu.memory_space<vmem_shared>>
    tpu.enqueue_indirect_dma source(%dma_start3A_56 : memref<500x16xf32, #tpu.memory_space<vmem>>) target(%dma_start3A_62 : memref<10240x16xf32, #tpu.memory_space<vmem_shared>>) offsets(%dma_start3A_59 : memref<500xi32, #tpu.memory_space<vmem>>) semaphore(%arg11 : memref<!tpu.dma_semaphore, #tpu.memory_space<semaphore_mem>>) {add = true}
    %dma_wait3A_63 = arith.constant 0 : i32
    %dma_wait3A_64 = arith.constant 18 : i32
    %dma_wait3A_65 = arith.constant 0 : i32
    %dma_wait3A_66 = arith.constant 0 : i32
    %dma_wait3A_67 = tpu.memref_slice %arg8[%dma_wait3A_63, %dma_wait3A_65, %dma_wait3A_66] : memref<2x500x16xf32, #tpu.memory_space<vmem>> -> memref<1x500x16xf32, #tpu.memory_space<vmem>>
    %dma_wait3A_68 = tpu.memref_squeeze %dma_wait3A_67 : memref<1x500x16xf32, #tpu.memory_space<vmem>> -> memref<500x16xf32, #tpu.memory_space<vmem>>
    %dma_wait3A_69 = arith.constant 0 : i32
    %dma_wait3A_70 = tpu.memref_slice %arg7[%dma_wait3A_64, %dma_wait3A_69] : memref<20x500xi32, #tpu.memory_space<vmem>> -> memref<1x500xi32, #tpu.memory_space<vmem>>
    %dma_wait3A_71 = tpu.memref_squeeze %dma_wait3A_70 : memref<1x500xi32, #tpu.memory_space<vmem>> -> memref<500xi32, #tpu.memory_space<vmem>>
    %dma_wait3A_72 = arith.constant 0 : i32
    %dma_wait3A_73 = arith.constant 0 : i32
    %dma_wait3A_74 = tpu.memref_slice %arg10[%dma_wait3A_72, %dma_wait3A_73] : memref<10240x16xf32, #tpu.memory_space<vmem_shared>> -> memref<10240x16xf32, #tpu.memory_space<vmem_shared>>
    tpu.wait_indirect_dma semaphore(%arg11 : memref<!tpu.dma_semaphore, #tpu.memory_space<semaphore_mem>>) src(%dma_wait3A_68 : memref<500x16xf32, #tpu.memory_space<vmem>>) dst(%dma_wait3A_74 : memref<10240x16xf32, #tpu.memory_space<vmem_shared>>)
    %dma_wait3A_75 = arith.constant 19 : i32
    %dma_wait3A_76 = arith.constant 1 : i32
    %dma_wait3A_77 = arith.constant 0 : i32
    %dma_wait3A_78 = arith.constant 0 : i32
    %dma_wait3A_79 = tpu.memref_slice %arg8[%dma_wait3A_76, %dma_wait3A_77, %dma_wait3A_78] : memref<2x500x16xf32, #tpu.memory_space<vmem>> -> memref<1x500x16xf32, #tpu.memory_space<vmem>>
    %dma_wait3A_80 = tpu.memref_squeeze %dma_wait3A_79 : memref<1x500x16xf32, #tpu.memory_space<vmem>> -> memref<500x16xf32, #tpu.memory_space<vmem>>
    %dma_wait3A_81 = arith.constant 0 : i32
    %dma_wait3A_82 = tpu.memref_slice %arg6[%dma_wait3A_75, %dma_wait3A_81] : memref<20x500xi32, #tpu.memory_space<vmem>> -> memref<1x500xi32, #tpu.memory_space<vmem>>
    %dma_wait3A_83 = tpu.memref_squeeze %dma_wait3A_82 : memref<1x500xi32, #tpu.memory_space<vmem>> -> memref<500xi32, #tpu.memory_space<vmem>>
    %dma_wait3A_84 = arith.constant 0 : i32
    %dma_wait3A_85 = arith.constant 0 : i32
    %dma_wait3A_86 = tpu.memref_slice %arg9[%dma_wait3A_84, %dma_wait3A_85] : memref<10000x16xf32, #tpu.memory_space<vmem_shared>> -> memref<10000x16xf32, #tpu.memory_space<vmem_shared>>
    tpu.wait_indirect_dma semaphore(%arg12 : memref<!tpu.dma_semaphore, #tpu.memory_space<semaphore_mem>>) src(%dma_wait3A_86 : memref<10000x16xf32, #tpu.memory_space<vmem_shared>>) dst(%dma_wait3A_80 : memref<500x16xf32, #tpu.memory_space<vmem>>)
    %dma_start3A_87 = arith.constant 1 : i32
    %dma_start3A_88 = arith.constant 19 : i32
    %dma_start3A_89 = arith.constant 0 : i32
    %dma_start3A_90 = arith.constant 0 : i32
    %dma_start3A_91 = tpu.memref_slice %arg8[%dma_start3A_87, %dma_start3A_89, %dma_start3A_90] : memref<2x500x16xf32, #tpu.memory_space<vmem>> -> memref<1x500x16xf32, #tpu.memory_space<vmem>>
    %dma_start3A_92 = tpu.memref_squeeze %dma_start3A_91 : memref<1x500x16xf32, #tpu.memory_space<vmem>> -> memref<500x16xf32, #tpu.memory_space<vmem>>
    %dma_start3A_93 = arith.constant 0 : i32
    %dma_start3A_94 = tpu.memref_slice %arg7[%dma_start3A_88, %dma_start3A_93] : memref<20x500xi32, #tpu.memory_space<vmem>> -> memref<1x500xi32, #tpu.memory_space<vmem>>
    %dma_start3A_95 = tpu.memref_squeeze %dma_start3A_94 : memref<1x500xi32, #tpu.memory_space<vmem>> -> memref<500xi32, #tpu.memory_space<vmem>>
    %dma_start3A_96 = arith.constant 0 : i32
    %dma_start3A_97 = arith.constant 0 : i32
    %dma_start3A_98 = tpu.memref_slice %arg10[%dma_start3A_96, %dma_start3A_97] : memref<10240x16xf32, #tpu.memory_space<vmem_shared>> -> memref<10240x16xf32, #tpu.memory_space<vmem_shared>>
    tpu.enqueue_indirect_dma source(%dma_start3A_92 : memref<500x16xf32, #tpu.memory_space<vmem>>) target(%dma_start3A_98 : memref<10240x16xf32, #tpu.memory_space<vmem_shared>>) offsets(%dma_start3A_95 : memref<500xi32, #tpu.memory_space<vmem>>) semaphore(%arg12 : memref<!tpu.dma_semaphore, #tpu.memory_space<semaphore_mem>>) {add = true}
    %dma_wait3A_99 = arith.constant 1 : i32
    %dma_wait3A_100 = arith.constant 19 : i32
    %dma_wait3A_101 = arith.constant 0 : i32
    %dma_wait3A_102 = arith.constant 0 : i32
    %dma_wait3A_103 = tpu.memref_slice %arg8[%dma_wait3A_99, %dma_wait3A_101, %dma_wait3A_102] : memref<2x500x16xf32, #tpu.memory_space<vmem>> -> memref<1x500x16xf32, #tpu.memory_space<vmem>>
    %dma_wait3A_104 = tpu.memref_squeeze %dma_wait3A_103 : memref<1x500x16xf32, #tpu.memory_space<vmem>> -> memref<500x16xf32, #tpu.memory_space<vmem>>
    %dma_wait3A_105 = arith.constant 0 : i32
    %dma_wait3A_106 = tpu.memref_slice %arg7[%dma_wait3A_100, %dma_wait3A_105] : memref<20x500xi32, #tpu.memory_space<vmem>> -> memref<1x500xi32, #tpu.memory_space<vmem>>
    %dma_wait3A_107 = tpu.memref_squeeze %dma_wait3A_106 : memref<1x500xi32, #tpu.memory_space<vmem>> -> memref<500xi32, #tpu.memory_space<vmem>>
    %dma_wait3A_108 = arith.constant 0 : i32
    %dma_wait3A_109 = arith.constant 0 : i32
    %dma_wait3A_110 = tpu.memref_slice %arg10[%dma_wait3A_108, %dma_wait3A_109] : memref<10240x16xf32, #tpu.memory_space<vmem_shared>> -> memref<10240x16xf32, #tpu.memory_space<vmem_shared>>
    tpu.wait_indirect_dma semaphore(%arg12 : memref<!tpu.dma_semaphore, #tpu.memory_space<semaphore_mem>>) src(%dma_wait3A_104 : memref<500x16xf32, #tpu.memory_space<vmem>>) dst(%dma_wait3A_110 : memref<10240x16xf32, #tpu.memory_space<vmem_shared>>)
    %barrier3A_111 = arith.constant 0 : index
    tpu.barrier barrier_id(%barrier3A_111)
    %mul3A_112 = arith.constant 640 : i32
    %mul3A_113 = arith.muli %arg1, %mul3A_112 : i32
    %mul3A_114 = arith.constant 640 : i32
    %mul3A_115 = arith.muli %arg1, %mul3A_114 : i32
    "tpu.region"() ({
      %run_scoped3A_116 = tpu.sem_alloc : memref<!tpu.dma_semaphore, #tpu.memory_space<semaphore_mem>>
      %dma_start3A_117 = arith.constant 0 : i32
      %dma_start3A_118 = tpu.memref_slice %arg5[%arg0, %mul3A_115, %dma_start3A_117] : memref<2x10240x16xf32, #tpu.memory_space<hbm>> -> memref<1x640x16xf32, #tpu.memory_space<hbm>>
      %dma_start3A_119 = tpu.memref_squeeze %dma_start3A_118 : memref<1x640x16xf32, #tpu.memory_space<hbm>> -> memref<640x16xf32, #tpu.memory_space<hbm>>
      %dma_start3A_120 = arith.constant 0 : i32
      %dma_start3A_121 = tpu.memref_slice %arg10[%mul3A_113, %dma_start3A_120] : memref<10240x16xf32, #tpu.memory_space<vmem_shared>> -> memref<640x16xf32, #tpu.memory_space<vmem_shared>>
      tpu.enqueue_dma source(%dma_start3A_121 : memref<640x16xf32, #tpu.memory_space<vmem_shared>>) target(%dma_start3A_119 : memref<640x16xf32, #tpu.memory_space<hbm>>) target_semaphore(%run_scoped3A_116 : memref<!tpu.dma_semaphore, #tpu.memory_space<semaphore_mem>>)
      %dma_wait3A_122 = arith.constant 0 : i32
      %dma_wait3A_123 = tpu.memref_slice %arg5[%arg0, %mul3A_115, %dma_wait3A_122] : memref<2x10240x16xf32, #tpu.memory_space<hbm>> -> memref<1x640x16xf32, #tpu.memory_space<hbm>>
      %dma_wait3A_124 = tpu.memref_squeeze %dma_wait3A_123 : memref<1x640x16xf32, #tpu.memory_space<hbm>> -> memref<640x16xf32, #tpu.memory_space<hbm>>
      %dma_wait3A_125 = arith.constant 0 : i32
      %dma_wait3A_126 = tpu.memref_slice %arg10[%mul3A_113, %dma_wait3A_125] : memref<10240x16xf32, #tpu.memory_space<vmem_shared>> -> memref<640x16xf32, #tpu.memory_space<vmem_shared>>
      tpu.wait_dma2 semaphore(%run_scoped3A_116 : memref<!tpu.dma_semaphore, #tpu.memory_space<semaphore_mem>>) src(%dma_wait3A_126 : memref<640x16xf32, #tpu.memory_space<vmem_shared>>) dst(%dma_wait3A_124 : memref<640x16xf32, #tpu.memory_space<hbm>>)
      tpu.yield
    }) : () -> ()
    return
  }
}

#map = affine_map<(d0, d1) -> (0, 0, 0)>
#map1 = affine_map<(d0, d1) -> (0, 0)>
module attributes {stable_mosaic.version = 14 : i64} {
  func.func @_deg_kernel_body(%arg0: i32, %arg1: i32, %arg2: memref<2x640x500xi32, #tpu.memory_space<hbm>>, %arg3: memref<640x16xf32, #tpu.memory_space<hbm>>, %arg4: memref<500x16xf32, #tpu.memory_space<hbm>>, %arg5: memref<2x10240x16xf32, #tpu.memory_space<hbm>>, %arg6: memref<20x500xi32, #tpu.memory_space<vmem>>, %arg7: memref<500x16xf32, #tpu.memory_space<vmem>>, %arg8: memref<10240x16xf32, #tpu.memory_space<vmem_shared>>, %arg9: memref<!tpu.dma_semaphore, #tpu.memory_space<semaphore_mem>>) attributes {dimension_semantics = [#tpu.dimension_semantics<core_parallel>, #tpu.dimension_semantics<subcore_parallel>], iteration_bounds = array<i64: 2, 16>, scalar_prefetch = 0 : i64, scratch_operands = 4 : i64, tpu.core_type = #tpu.core_type<sc_vector_subcore>, window_params = [{transform_indices = #map}, {transform_indices = #map1}, {transform_indices = #map1}, {transform_indices = #map}]} {
    %mul3A = arith.constant 16 : i32
    %mul3A_0 = arith.muli %arg0, %mul3A : i32
    %add3A = arith.addi %mul3A_0, %arg1 : i32
    %mul3A_1 = arith.constant 640 : i32
    %mul3A_2 = arith.muli %arg1, %mul3A_1 : i32
    "tpu.region"() ({
      %run_scoped3A_15 = tpu.sem_alloc : memref<!tpu.dma_semaphore, #tpu.memory_space<semaphore_mem>>
      %dma_start3A = arith.constant 0 : i32
      %dma_start3A_16 = tpu.memref_slice %arg8[%mul3A_2, %dma_start3A] : memref<10240x16xf32, #tpu.memory_space<vmem_shared>> -> memref<640x16xf32, #tpu.memory_space<vmem_shared>>
      tpu.enqueue_dma source(%arg3 : memref<640x16xf32, #tpu.memory_space<hbm>>) target(%dma_start3A_16 : memref<640x16xf32, #tpu.memory_space<vmem_shared>>) target_semaphore(%run_scoped3A_15 : memref<!tpu.dma_semaphore, #tpu.memory_space<semaphore_mem>>)
      %dma_wait3A = arith.constant 0 : i32
      %dma_wait3A_17 = tpu.memref_slice %arg8[%mul3A_2, %dma_wait3A] : memref<10240x16xf32, #tpu.memory_space<vmem_shared>> -> memref<640x16xf32, #tpu.memory_space<vmem_shared>>
      tpu.wait_dma2 semaphore(%run_scoped3A_15 : memref<!tpu.dma_semaphore, #tpu.memory_space<semaphore_mem>>) src(%arg3 : memref<640x16xf32, #tpu.memory_space<hbm>>) dst(%dma_wait3A_17 : memref<640x16xf32, #tpu.memory_space<vmem_shared>>)
      tpu.yield
    }) : () -> ()
    "tpu.region"() ({
      %run_scoped3A_15 = tpu.sem_alloc : memref<!tpu.dma_semaphore, #tpu.memory_space<semaphore_mem>>
      tpu.enqueue_dma source(%arg4 : memref<500x16xf32, #tpu.memory_space<hbm>>) target(%arg7 : memref<500x16xf32, #tpu.memory_space<vmem>>) target_semaphore(%run_scoped3A_15 : memref<!tpu.dma_semaphore, #tpu.memory_space<semaphore_mem>>)
      tpu.wait_dma2 semaphore(%run_scoped3A_15 : memref<!tpu.dma_semaphore, #tpu.memory_space<semaphore_mem>>) src(%arg4 : memref<500x16xf32, #tpu.memory_space<hbm>>) dst(%arg7 : memref<500x16xf32, #tpu.memory_space<vmem>>)
      tpu.yield
    }) : () -> ()
    %mul3A_3 = arith.constant 20 : i32
    %mul3A_4 = arith.muli %add3A, %mul3A_3 : i32
    %run_scoped3A = arith.constant 1 : i32
    "tpu.region"() ({
      %run_scoped3A_15 = tpu.sem_alloc : memref<!tpu.dma_semaphore, #tpu.memory_space<semaphore_mem>>
      %dma_start3A = arith.constant 0 : i32
      %dma_start3A_16 = arith.constant 0 : i32
      %dma_start3A_17 = tpu.memref_slice %arg2[%run_scoped3A, %dma_start3A, %dma_start3A_16] : memref<2x640x500xi32, #tpu.memory_space<hbm>> -> memref<1x640x500xi32, #tpu.memory_space<hbm>>
      %dma_start3A_18 = tpu.memref_squeeze %dma_start3A_17 : memref<1x640x500xi32, #tpu.memory_space<hbm>> -> memref<640x500xi32, #tpu.memory_space<hbm>>
      %dma_start3A_19 = arith.constant 0 : i32
      %dma_start3A_20 = tpu.memref_slice %dma_start3A_18[%mul3A_4, %dma_start3A_19] : memref<640x500xi32, #tpu.memory_space<hbm>> -> memref<20x500xi32, #tpu.memory_space<hbm>>
      %dma_start3A_21 = arith.constant 0 : i32
      %dma_start3A_22 = arith.constant 0 : i32
      %dma_start3A_23 = tpu.memref_slice %arg2[%run_scoped3A, %dma_start3A_21, %dma_start3A_22] : memref<2x640x500xi32, #tpu.memory_space<hbm>> -> memref<1x640x500xi32, #tpu.memory_space<hbm>>
      %dma_start3A_24 = tpu.memref_squeeze %dma_start3A_23 : memref<1x640x500xi32, #tpu.memory_space<hbm>> -> memref<640x500xi32, #tpu.memory_space<hbm>>
      %dma_start3A_25 = arith.constant 0 : i32
      %dma_start3A_26 = tpu.memref_slice %dma_start3A_24[%mul3A_4, %dma_start3A_25] : memref<640x500xi32, #tpu.memory_space<hbm>> -> memref<20x500xi32, #tpu.memory_space<hbm>>
      tpu.enqueue_dma source(%dma_start3A_26 : memref<20x500xi32, #tpu.memory_space<hbm>>) target(%arg6 : memref<20x500xi32, #tpu.memory_space<vmem>>) target_semaphore(%run_scoped3A_15 : memref<!tpu.dma_semaphore, #tpu.memory_space<semaphore_mem>>)
      %dma_wait3A = arith.constant 0 : i32
      %dma_wait3A_27 = arith.constant 0 : i32
      %dma_wait3A_28 = tpu.memref_slice %arg2[%run_scoped3A, %dma_wait3A, %dma_wait3A_27] : memref<2x640x500xi32, #tpu.memory_space<hbm>> -> memref<1x640x500xi32, #tpu.memory_space<hbm>>
      %dma_wait3A_29 = tpu.memref_squeeze %dma_wait3A_28 : memref<1x640x500xi32, #tpu.memory_space<hbm>> -> memref<640x500xi32, #tpu.memory_space<hbm>>
      %dma_wait3A_30 = arith.constant 0 : i32
      %dma_wait3A_31 = tpu.memref_slice %dma_wait3A_29[%mul3A_4, %dma_wait3A_30] : memref<640x500xi32, #tpu.memory_space<hbm>> -> memref<20x500xi32, #tpu.memory_space<hbm>>
      %dma_wait3A_32 = arith.constant 0 : i32
      %dma_wait3A_33 = arith.constant 0 : i32
      %dma_wait3A_34 = tpu.memref_slice %arg2[%run_scoped3A, %dma_wait3A_32, %dma_wait3A_33] : memref<2x640x500xi32, #tpu.memory_space<hbm>> -> memref<1x640x500xi32, #tpu.memory_space<hbm>>
      %dma_wait3A_35 = tpu.memref_squeeze %dma_wait3A_34 : memref<1x640x500xi32, #tpu.memory_space<hbm>> -> memref<640x500xi32, #tpu.memory_space<hbm>>
      %dma_wait3A_36 = arith.constant 0 : i32
      %dma_wait3A_37 = tpu.memref_slice %dma_wait3A_35[%mul3A_4, %dma_wait3A_36] : memref<640x500xi32, #tpu.memory_space<hbm>> -> memref<20x500xi32, #tpu.memory_space<hbm>>
      tpu.wait_dma2 semaphore(%run_scoped3A_15 : memref<!tpu.dma_semaphore, #tpu.memory_space<semaphore_mem>>) src(%dma_wait3A_37 : memref<20x500xi32, #tpu.memory_space<hbm>>) dst(%arg6 : memref<20x500xi32, #tpu.memory_space<vmem>>)
      tpu.yield
    }) : () -> ()
    %barrier3A = arith.constant 0 : index
    tpu.barrier barrier_id(%barrier3A)
    %scan3A = arith.constant 0 : i32
    %scan3A_5 = arith.constant 0 : i32
    %scan3A_6 = arith.constant 20 : i32
    %scan3A_7 = arith.addi %scan3A_5, %scan3A_6 : i32
    %scan3A_8 = arith.constant 1 : i32
    scf.for %scan3A_15 = %scan3A_5 to %scan3A_7 step %scan3A_8  : i32 {
      "tpu.region"() ({
        %run_scoped3A_16 = tpu.sem_alloc : memref<!tpu.dma_semaphore, #tpu.memory_space<semaphore_mem>>
        %dma_start3A = arith.constant 0 : i32
        %dma_start3A_17 = tpu.memref_slice %arg6[%scan3A_15, %dma_start3A] : memref<20x500xi32, #tpu.memory_space<vmem>> -> memref<1x500xi32, #tpu.memory_space<vmem>>
        %dma_start3A_18 = tpu.memref_squeeze %dma_start3A_17 : memref<1x500xi32, #tpu.memory_space<vmem>> -> memref<500xi32, #tpu.memory_space<vmem>>
        %dma_start3A_19 = arith.constant 0 : i32
        %dma_start3A_20 = arith.constant 0 : i32
        %dma_start3A_21 = tpu.memref_slice %arg8[%dma_start3A_19, %dma_start3A_20] : memref<10240x16xf32, #tpu.memory_space<vmem_shared>> -> memref<10240x16xf32, #tpu.memory_space<vmem_shared>>
        tpu.enqueue_indirect_dma source(%arg7 : memref<500x16xf32, #tpu.memory_space<vmem>>) target(%dma_start3A_21 : memref<10240x16xf32, #tpu.memory_space<vmem_shared>>) offsets(%dma_start3A_18 : memref<500xi32, #tpu.memory_space<vmem>>) semaphore(%run_scoped3A_16 : memref<!tpu.dma_semaphore, #tpu.memory_space<semaphore_mem>>) {add = true}
        %dma_wait3A = arith.constant 0 : i32
        %dma_wait3A_22 = tpu.memref_slice %arg6[%scan3A_15, %dma_wait3A] : memref<20x500xi32, #tpu.memory_space<vmem>> -> memref<1x500xi32, #tpu.memory_space<vmem>>
        %dma_wait3A_23 = tpu.memref_squeeze %dma_wait3A_22 : memref<1x500xi32, #tpu.memory_space<vmem>> -> memref<500xi32, #tpu.memory_space<vmem>>
        %dma_wait3A_24 = arith.constant 0 : i32
        %dma_wait3A_25 = arith.constant 0 : i32
        %dma_wait3A_26 = tpu.memref_slice %arg8[%dma_wait3A_24, %dma_wait3A_25] : memref<10240x16xf32, #tpu.memory_space<vmem_shared>> -> memref<10240x16xf32, #tpu.memory_space<vmem_shared>>
        tpu.wait_indirect_dma semaphore(%run_scoped3A_16 : memref<!tpu.dma_semaphore, #tpu.memory_space<semaphore_mem>>) src(%arg7 : memref<500x16xf32, #tpu.memory_space<vmem>>) dst(%dma_wait3A_26 : memref<10240x16xf32, #tpu.memory_space<vmem_shared>>)
        tpu.yield
      }) : () -> ()
    }
    %scan3A_9 = arith.constant 20 : i32
    %barrier3A_10 = arith.constant 0 : index
    tpu.barrier barrier_id(%barrier3A_10)
    %mul3A_11 = arith.constant 640 : i32
    %mul3A_12 = arith.muli %arg1, %mul3A_11 : i32
    %mul3A_13 = arith.constant 640 : i32
    %mul3A_14 = arith.muli %arg1, %mul3A_13 : i32
    "tpu.region"() ({
      %run_scoped3A_15 = tpu.sem_alloc : memref<!tpu.dma_semaphore, #tpu.memory_space<semaphore_mem>>
      %dma_start3A = arith.constant 0 : i32
      %dma_start3A_16 = tpu.memref_slice %arg5[%arg0, %mul3A_14, %dma_start3A] : memref<2x10240x16xf32, #tpu.memory_space<hbm>> -> memref<1x640x16xf32, #tpu.memory_space<hbm>>
      %dma_start3A_17 = tpu.memref_squeeze %dma_start3A_16 : memref<1x640x16xf32, #tpu.memory_space<hbm>> -> memref<640x16xf32, #tpu.memory_space<hbm>>
      %dma_start3A_18 = arith.constant 0 : i32
      %dma_start3A_19 = tpu.memref_slice %arg8[%mul3A_12, %dma_start3A_18] : memref<10240x16xf32, #tpu.memory_space<vmem_shared>> -> memref<640x16xf32, #tpu.memory_space<vmem_shared>>
      tpu.enqueue_dma source(%dma_start3A_19 : memref<640x16xf32, #tpu.memory_space<vmem_shared>>) target(%dma_start3A_17 : memref<640x16xf32, #tpu.memory_space<hbm>>) target_semaphore(%run_scoped3A_15 : memref<!tpu.dma_semaphore, #tpu.memory_space<semaphore_mem>>)
      %dma_wait3A = arith.constant 0 : i32
      %dma_wait3A_20 = tpu.memref_slice %arg5[%arg0, %mul3A_14, %dma_wait3A] : memref<2x10240x16xf32, #tpu.memory_space<hbm>> -> memref<1x640x16xf32, #tpu.memory_space<hbm>>
      %dma_wait3A_21 = tpu.memref_squeeze %dma_wait3A_20 : memref<1x640x16xf32, #tpu.memory_space<hbm>> -> memref<640x16xf32, #tpu.memory_space<hbm>>
      %dma_wait3A_22 = arith.constant 0 : i32
      %dma_wait3A_23 = tpu.memref_slice %arg8[%mul3A_12, %dma_wait3A_22] : memref<10240x16xf32, #tpu.memory_space<vmem_shared>> -> memref<640x16xf32, #tpu.memory_space<vmem_shared>>
      tpu.wait_dma2 semaphore(%run_scoped3A_15 : memref<!tpu.dma_semaphore, #tpu.memory_space<semaphore_mem>>) src(%dma_wait3A_23 : memref<640x16xf32, #tpu.memory_space<vmem_shared>>) dst(%dma_wait3A_21 : memref<640x16xf32, #tpu.memory_space<hbm>>)
      tpu.yield
    }) : () -> ()
    return
  }
}

#map = affine_map<(d0, d1) -> (0, 0)>
#map1 = affine_map<(d0, d1) -> (0, 0, 0)>
module attributes {stable_mosaic.version = 14 : i64} {
  func.func @_agg_kernel_body(%arg0: i32, %arg1: i32, %arg2: memref<10000x16xf32, #tpu.memory_space<hbm>>, %arg3: memref<2x640x500xi32, #tpu.memory_space<hbm>>, %arg4: memref<640x16xf32, #tpu.memory_space<hbm>>, %arg5: memref<2x10240x16xf32, #tpu.memory_space<hbm>>, %arg6: memref<20x500xi32, #tpu.memory_space<vmem>>, %arg7: memref<20x500xi32, #tpu.memory_space<vmem>>, %arg8: memref<2x500x16xf32, #tpu.memory_space<vmem>>, %arg9: memref<10000x16xf32, #tpu.memory_space<vmem_shared>>, %arg10: memref<10240x16xf32, #tpu.memory_space<vmem_shared>>, %arg11: memref<!tpu.dma_semaphore, #tpu.memory_space<semaphore_mem>>, %arg12: memref<!tpu.dma_semaphore, #tpu.memory_space<semaphore_mem>>) attributes {dimension_semantics = [#tpu.dimension_semantics<core_parallel>, #tpu.dimension_semantics<subcore_parallel>], iteration_bounds = array<i64: 2, 16>, scalar_prefetch = 0 : i64, scratch_operands = 7 : i64, tpu.core_type = #tpu.core_type<sc_vector_subcore>, window_params = [{transform_indices = #map}, {transform_indices = #map1}, {transform_indices = #map}, {transform_indices = #map1}]} {
    %mul3A = arith.constant 16 : i32
    %mul3A_0 = arith.muli %arg0, %mul3A : i32
    %add3A = arith.addi %mul3A_0, %arg1 : i32
    %mul3A_1 = arith.constant 640 : i32
    %mul3A_2 = arith.muli %arg1, %mul3A_1 : i32
    "tpu.region"() ({
      %run_scoped3A_116 = tpu.sem_alloc : memref<!tpu.dma_semaphore, #tpu.memory_space<semaphore_mem>>
      %dma_start3A_117 = arith.constant 0 : i32
      %dma_start3A_118 = tpu.memref_slice %arg10[%mul3A_2, %dma_start3A_117] : memref<10240x16xf32, #tpu.memory_space<vmem_shared>> -> memref<640x16xf32, #tpu.memory_space<vmem_shared>>
      tpu.enqueue_dma source(%arg4 : memref<640x16xf32, #tpu.memory_space<hbm>>) target(%dma_start3A_118 : memref<640x16xf32, #tpu.memory_space<vmem_shared>>) target_semaphore(%run_scoped3A_116 : memref<!tpu.dma_semaphore, #tpu.memory_space<semaphore_mem>>)
      %dma_wait3A_119 = arith.constant 0 : i32
      %dma_wait3A_120 = tpu.memref_slice %arg10[%mul3A_2, %dma_wait3A_119] : memref<10240x16xf32, #tpu.memory_space<vmem_shared>> -> memref<640x16xf32, #tpu.memory_space<vmem_shared>>
      tpu.wait_dma2 semaphore(%run_scoped3A_116 : memref<!tpu.dma_semaphore, #tpu.memory_space<semaphore_mem>>) src(%arg4 : memref<640x16xf32, #tpu.memory_space<hbm>>) dst(%dma_wait3A_120 : memref<640x16xf32, #tpu.memory_space<vmem_shared>>)
      tpu.yield
    }) : () -> ()
    %mul3A_3 = arith.constant 625 : i32
    %mul3A_4 = arith.muli %arg1, %mul3A_3 : i32
    %mul3A_5 = arith.constant 625 : i32
    %mul3A_6 = arith.muli %arg1, %mul3A_5 : i32
    "tpu.region"() ({
      %run_scoped3A_116 = tpu.sem_alloc : memref<!tpu.dma_semaphore, #tpu.memory_space<semaphore_mem>>
      %dma_start3A_117 = arith.constant 0 : i32
      %dma_start3A_118 = tpu.memref_slice %arg9[%mul3A_6, %dma_start3A_117] : memref<10000x16xf32, #tpu.memory_space<vmem_shared>> -> memref<625x16xf32, #tpu.memory_space<vmem_shared>>
      %dma_start3A_119 = arith.constant 0 : i32
      %dma_start3A_120 = tpu.memref_slice %arg2[%mul3A_4, %dma_start3A_119] : memref<10000x16xf32, #tpu.memory_space<hbm>> -> memref<625x16xf32, #tpu.memory_space<hbm>>
      tpu.enqueue_dma source(%dma_start3A_120 : memref<625x16xf32, #tpu.memory_space<hbm>>) target(%dma_start3A_118 : memref<625x16xf32, #tpu.memory_space<vmem_shared>>) target_semaphore(%run_scoped3A_116 : memref<!tpu.dma_semaphore, #tpu.memory_space<semaphore_mem>>)
      %dma_wait3A_121 = arith.constant 0 : i32
      %dma_wait3A_122 = tpu.memref_slice %arg9[%mul3A_6, %dma_wait3A_121] : memref<10000x16xf32, #tpu.memory_space<vmem_shared>> -> memref<625x16xf32, #tpu.memory_space<vmem_shared>>
      %dma_wait3A_123 = arith.constant 0 : i32
      %dma_wait3A_124 = tpu.memref_slice %arg2[%mul3A_4, %dma_wait3A_123] : memref<10000x16xf32, #tpu.memory_space<hbm>> -> memref<625x16xf32, #tpu.memory_space<hbm>>
      tpu.wait_dma2 semaphore(%run_scoped3A_116 : memref<!tpu.dma_semaphore, #tpu.memory_space<semaphore_mem>>) src(%dma_wait3A_124 : memref<625x16xf32, #tpu.memory_space<hbm>>) dst(%dma_wait3A_122 : memref<625x16xf32, #tpu.memory_space<vmem_shared>>)
      tpu.yield
    }) : () -> ()
    %mul3A_7 = arith.constant 20 : i32
    %mul3A_8 = arith.muli %add3A, %mul3A_7 : i32
    %run_scoped3A = arith.constant 0 : i32
    "tpu.region"() ({
      %run_scoped3A_116 = tpu.sem_alloc : memref<!tpu.dma_semaphore, #tpu.memory_space<semaphore_mem>>
      %dma_start3A_117 = arith.constant 0 : i32
      %dma_start3A_118 = arith.constant 0 : i32
      %dma_start3A_119 = tpu.memref_slice %arg3[%run_scoped3A, %dma_start3A_117, %dma_start3A_118] : memref<2x640x500xi32, #tpu.memory_space<hbm>> -> memref<1x640x500xi32, #tpu.memory_space<hbm>>
      %dma_start3A_120 = tpu.memref_squeeze %dma_start3A_119 : memref<1x640x500xi32, #tpu.memory_space<hbm>> -> memref<640x500xi32, #tpu.memory_space<hbm>>
      %dma_start3A_121 = arith.constant 0 : i32
      %dma_start3A_122 = tpu.memref_slice %dma_start3A_120[%mul3A_8, %dma_start3A_121] : memref<640x500xi32, #tpu.memory_space<hbm>> -> memref<20x500xi32, #tpu.memory_space<hbm>>
      %dma_start3A_123 = arith.constant 0 : i32
      %dma_start3A_124 = arith.constant 0 : i32
      %dma_start3A_125 = tpu.memref_slice %arg3[%run_scoped3A, %dma_start3A_123, %dma_start3A_124] : memref<2x640x500xi32, #tpu.memory_space<hbm>> -> memref<1x640x500xi32, #tpu.memory_space<hbm>>
      %dma_start3A_126 = tpu.memref_squeeze %dma_start3A_125 : memref<1x640x500xi32, #tpu.memory_space<hbm>> -> memref<640x500xi32, #tpu.memory_space<hbm>>
      %dma_start3A_127 = arith.constant 0 : i32
      %dma_start3A_128 = tpu.memref_slice %dma_start3A_126[%mul3A_8, %dma_start3A_127] : memref<640x500xi32, #tpu.memory_space<hbm>> -> memref<20x500xi32, #tpu.memory_space<hbm>>
      tpu.enqueue_dma source(%dma_start3A_128 : memref<20x500xi32, #tpu.memory_space<hbm>>) target(%arg6 : memref<20x500xi32, #tpu.memory_space<vmem>>) target_semaphore(%run_scoped3A_116 : memref<!tpu.dma_semaphore, #tpu.memory_space<semaphore_mem>>)
      %dma_wait3A_129 = arith.constant 0 : i32
      %dma_wait3A_130 = arith.constant 0 : i32
      %dma_wait3A_131 = tpu.memref_slice %arg3[%run_scoped3A, %dma_wait3A_129, %dma_wait3A_130] : memref<2x640x500xi32, #tpu.memory_space<hbm>> -> memref<1x640x500xi32, #tpu.memory_space<hbm>>
      %dma_wait3A_132 = tpu.memref_squeeze %dma_wait3A_131 : memref<1x640x500xi32, #tpu.memory_space<hbm>> -> memref<640x500xi32, #tpu.memory_space<hbm>>
      %dma_wait3A_133 = arith.constant 0 : i32
      %dma_wait3A_134 = tpu.memref_slice %dma_wait3A_132[%mul3A_8, %dma_wait3A_133] : memref<640x500xi32, #tpu.memory_space<hbm>> -> memref<20x500xi32, #tpu.memory_space<hbm>>
      %dma_wait3A_135 = arith.constant 0 : i32
      %dma_wait3A_136 = arith.constant 0 : i32
      %dma_wait3A_137 = tpu.memref_slice %arg3[%run_scoped3A, %dma_wait3A_135, %dma_wait3A_136] : memref<2x640x500xi32, #tpu.memory_space<hbm>> -> memref<1x640x500xi32, #tpu.memory_space<hbm>>
      %dma_wait3A_138 = tpu.memref_squeeze %dma_wait3A_137 : memref<1x640x500xi32, #tpu.memory_space<hbm>> -> memref<640x500xi32, #tpu.memory_space<hbm>>
      %dma_wait3A_139 = arith.constant 0 : i32
      %dma_wait3A_140 = tpu.memref_slice %dma_wait3A_138[%mul3A_8, %dma_wait3A_139] : memref<640x500xi32, #tpu.memory_space<hbm>> -> memref<20x500xi32, #tpu.memory_space<hbm>>
      tpu.wait_dma2 semaphore(%run_scoped3A_116 : memref<!tpu.dma_semaphore, #tpu.memory_space<semaphore_mem>>) src(%dma_wait3A_140 : memref<20x500xi32, #tpu.memory_space<hbm>>) dst(%arg6 : memref<20x500xi32, #tpu.memory_space<vmem>>)
      tpu.yield
    }) : () -> ()
    %mul3A_9 = arith.constant 20 : i32
    %mul3A_10 = arith.muli %add3A, %mul3A_9 : i32
    %run_scoped3A_11 = arith.constant 1 : i32
    "tpu.region"() ({
      %run_scoped3A_116 = tpu.sem_alloc : memref<!tpu.dma_semaphore, #tpu.memory_space<semaphore_mem>>
      %dma_start3A_117 = arith.constant 0 : i32
      %dma_start3A_118 = arith.constant 0 : i32
      %dma_start3A_119 = tpu.memref_slice %arg3[%run_scoped3A_11, %dma_start3A_117, %dma_start3A_118] : memref<2x640x500xi32, #tpu.memory_space<hbm>> -> memref<1x640x500xi32, #tpu.memory_space<hbm>>
      %dma_start3A_120 = tpu.memref_squeeze %dma_start3A_119 : memref<1x640x500xi32, #tpu.memory_space<hbm>> -> memref<640x500xi32, #tpu.memory_space<hbm>>
      %dma_start3A_121 = arith.constant 0 : i32
      %dma_start3A_122 = tpu.memref_slice %dma_start3A_120[%mul3A_10, %dma_start3A_121] : memref<640x500xi32, #tpu.memory_space<hbm>> -> memref<20x500xi32, #tpu.memory_space<hbm>>
      %dma_start3A_123 = arith.constant 0 : i32
      %dma_start3A_124 = arith.constant 0 : i32
      %dma_start3A_125 = tpu.memref_slice %arg3[%run_scoped3A_11, %dma_start3A_123, %dma_start3A_124] : memref<2x640x500xi32, #tpu.memory_space<hbm>> -> memref<1x640x500xi32, #tpu.memory_space<hbm>>
      %dma_start3A_126 = tpu.memref_squeeze %dma_start3A_125 : memref<1x640x500xi32, #tpu.memory_space<hbm>> -> memref<640x500xi32, #tpu.memory_space<hbm>>
      %dma_start3A_127 = arith.constant 0 : i32
      %dma_start3A_128 = tpu.memref_slice %dma_start3A_126[%mul3A_10, %dma_start3A_127] : memref<640x500xi32, #tpu.memory_space<hbm>> -> memref<20x500xi32, #tpu.memory_space<hbm>>
      tpu.enqueue_dma source(%dma_start3A_128 : memref<20x500xi32, #tpu.memory_space<hbm>>) target(%arg7 : memref<20x500xi32, #tpu.memory_space<vmem>>) target_semaphore(%run_scoped3A_116 : memref<!tpu.dma_semaphore, #tpu.memory_space<semaphore_mem>>)
      %dma_wait3A_129 = arith.constant 0 : i32
      %dma_wait3A_130 = arith.constant 0 : i32
      %dma_wait3A_131 = tpu.memref_slice %arg3[%run_scoped3A_11, %dma_wait3A_129, %dma_wait3A_130] : memref<2x640x500xi32, #tpu.memory_space<hbm>> -> memref<1x640x500xi32, #tpu.memory_space<hbm>>
      %dma_wait3A_132 = tpu.memref_squeeze %dma_wait3A_131 : memref<1x640x500xi32, #tpu.memory_space<hbm>> -> memref<640x500xi32, #tpu.memory_space<hbm>>
      %dma_wait3A_133 = arith.constant 0 : i32
      %dma_wait3A_134 = tpu.memref_slice %dma_wait3A_132[%mul3A_10, %dma_wait3A_133] : memref<640x500xi32, #tpu.memory_space<hbm>> -> memref<20x500xi32, #tpu.memory_space<hbm>>
      %dma_wait3A_135 = arith.constant 0 : i32
      %dma_wait3A_136 = arith.constant 0 : i32
      %dma_wait3A_137 = tpu.memref_slice %arg3[%run_scoped3A_11, %dma_wait3A_135, %dma_wait3A_136] : memref<2x640x500xi32, #tpu.memory_space<hbm>> -> memref<1x640x500xi32, #tpu.memory_space<hbm>>
      %dma_wait3A_138 = tpu.memref_squeeze %dma_wait3A_137 : memref<1x640x500xi32, #tpu.memory_space<hbm>> -> memref<640x500xi32, #tpu.memory_space<hbm>>
      %dma_wait3A_139 = arith.constant 0 : i32
      %dma_wait3A_140 = tpu.memref_slice %dma_wait3A_138[%mul3A_10, %dma_wait3A_139] : memref<640x500xi32, #tpu.memory_space<hbm>> -> memref<20x500xi32, #tpu.memory_space<hbm>>
      tpu.wait_dma2 semaphore(%run_scoped3A_116 : memref<!tpu.dma_semaphore, #tpu.memory_space<semaphore_mem>>) src(%dma_wait3A_140 : memref<20x500xi32, #tpu.memory_space<hbm>>) dst(%arg7 : memref<20x500xi32, #tpu.memory_space<vmem>>)
      tpu.yield
    }) : () -> ()
    %barrier3A = arith.constant 0 : index
    tpu.barrier barrier_id(%barrier3A)
    %dma_start3A = arith.constant 0 : i32
    %dma_start3A_12 = arith.constant 0 : i32
    %dma_start3A_13 = arith.constant 0 : i32
    %dma_start3A_14 = arith.constant 0 : i32
    %dma_start3A_15 = tpu.memref_slice %arg8[%dma_start3A_12, %dma_start3A_13, %dma_start3A_14] : memref<2x500x16xf32, #tpu.memory_space<vmem>> -> memref<1x500x16xf32, #tpu.memory_space<vmem>>
    %dma_start3A_16 = tpu.memref_squeeze %dma_start3A_15 : memref<1x500x16xf32, #tpu.memory_space<vmem>> -> memref<500x16xf32, #tpu.memory_space<vmem>>
    %dma_start3A_17 = arith.constant 0 : i32
    %dma_start3A_18 = tpu.memref_slice %arg6[%dma_start3A, %dma_start3A_17] : memref<20x500xi32, #tpu.memory_space<vmem>> -> memref<1x500xi32, #tpu.memory_space<vmem>>
    %dma_start3A_19 = tpu.memref_squeeze %dma_start3A_18 : memref<1x500xi32, #tpu.memory_space<vmem>> -> memref<500xi32, #tpu.memory_space<vmem>>
    %dma_start3A_20 = arith.constant 0 : i32
    %dma_start3A_21 = arith.constant 0 : i32
    %dma_start3A_22 = tpu.memref_slice %arg9[%dma_start3A_20, %dma_start3A_21] : memref<10000x16xf32, #tpu.memory_space<vmem_shared>> -> memref<10000x16xf32, #tpu.memory_space<vmem_shared>>
    tpu.enqueue_indirect_dma source(%dma_start3A_22 : memref<10000x16xf32, #tpu.memory_space<vmem_shared>>) target(%dma_start3A_16 : memref<500x16xf32, #tpu.memory_space<vmem>>) offsets(%dma_start3A_19 : memref<500xi32, #tpu.memory_space<vmem>>) semaphore(%arg11 : memref<!tpu.dma_semaphore, #tpu.memory_space<semaphore_mem>>)
    %dma_start3A_23 = arith.constant 1 : i32
    %dma_start3A_24 = arith.constant 1 : i32
    %dma_start3A_25 = arith.constant 0 : i32
    %dma_start3A_26 = arith.constant 0 : i32
    %dma_start3A_27 = tpu.memref_slice %arg8[%dma_start3A_24, %dma_start3A_25, %dma_start3A_26] : memref<2x500x16xf32, #tpu.memory_space<vmem>> -> memref<1x500x16xf32, #tpu.memory_space<vmem>>
    %dma_start3A_28 = tpu.memref_squeeze %dma_start3A_27 : memref<1x500x16xf32, #tpu.memory_space<vmem>> -> memref<500x16xf32, #tpu.memory_space<vmem>>
    %dma_start3A_29 = arith.constant 0 : i32
    %dma_start3A_30 = tpu.memref_slice %arg6[%dma_start3A_23, %dma_start3A_29] : memref<20x500xi32, #tpu.memory_space<vmem>> -> memref<1x500xi32, #tpu.memory_space<vmem>>
    %dma_start3A_31 = tpu.memref_squeeze %dma_start3A_30 : memref<1x500xi32, #tpu.memory_space<vmem>> -> memref<500xi32, #tpu.memory_space<vmem>>
    %dma_start3A_32 = arith.constant 0 : i32
    %dma_start3A_33 = arith.constant 0 : i32
    %dma_start3A_34 = tpu.memref_slice %arg9[%dma_start3A_32, %dma_start3A_33] : memref<10000x16xf32, #tpu.memory_space<vmem_shared>> -> memref<10000x16xf32, #tpu.memory_space<vmem_shared>>
    tpu.enqueue_indirect_dma source(%dma_start3A_34 : memref<10000x16xf32, #tpu.memory_space<vmem_shared>>) target(%dma_start3A_28 : memref<500x16xf32, #tpu.memory_space<vmem>>) offsets(%dma_start3A_31 : memref<500xi32, #tpu.memory_space<vmem>>) semaphore(%arg12 : memref<!tpu.dma_semaphore, #tpu.memory_space<semaphore_mem>>)
    %scan3A = arith.constant 0 : i32
    %scan3A_35 = arith.constant 0 : i32
    %scan3A_36 = arith.constant 9 : i32
    %scan3A_37 = arith.addi %scan3A_35, %scan3A_36 : i32
    %scan3A_38 = arith.constant 1 : i32
    scf.for %scan3A_116 = %scan3A_35 to %scan3A_37 step %scan3A_38  : i32 {
      %mul3A_117 = arith.constant 2 : i32
      %mul3A_118 = arith.muli %scan3A_116, %mul3A_117 : i32
      %add3A_119 = arith.constant 0 : i32
      %add3A_120 = arith.addi %mul3A_118, %add3A_119 : i32
      %dma_wait3A_121 = arith.constant 0 : i32
      %dma_wait3A_122 = arith.constant 0 : i32
      %dma_wait3A_123 = arith.constant 0 : i32
      %dma_wait3A_124 = tpu.memref_slice %arg8[%dma_wait3A_121, %dma_wait3A_122, %dma_wait3A_123] : memref<2x500x16xf32, #tpu.memory_space<vmem>> -> memref<1x500x16xf32, #tpu.memory_space<vmem>>
      %dma_wait3A_125 = tpu.memref_squeeze %dma_wait3A_124 : memref<1x500x16xf32, #tpu.memory_space<vmem>> -> memref<500x16xf32, #tpu.memory_space<vmem>>
      %dma_wait3A_126 = arith.constant 0 : i32
      %dma_wait3A_127 = tpu.memref_slice %arg6[%add3A_120, %dma_wait3A_126] : memref<20x500xi32, #tpu.memory_space<vmem>> -> memref<1x500xi32, #tpu.memory_space<vmem>>
      %dma_wait3A_128 = tpu.memref_squeeze %dma_wait3A_127 : memref<1x500xi32, #tpu.memory_space<vmem>> -> memref<500xi32, #tpu.memory_space<vmem>>
      %dma_wait3A_129 = arith.constant 0 : i32
      %dma_wait3A_130 = arith.constant 0 : i32
      %dma_wait3A_131 = tpu.memref_slice %arg9[%dma_wait3A_129, %dma_wait3A_130] : memref<10000x16xf32, #tpu.memory_space<vmem_shared>> -> memref<10000x16xf32, #tpu.memory_space<vmem_shared>>
      tpu.wait_indirect_dma semaphore(%arg11 : memref<!tpu.dma_semaphore, #tpu.memory_space<semaphore_mem>>) src(%dma_wait3A_131 : memref<10000x16xf32, #tpu.memory_space<vmem_shared>>) dst(%dma_wait3A_125 : memref<500x16xf32, #tpu.memory_space<vmem>>)
      %dma_start3A_132 = arith.constant 0 : i32
      %dma_start3A_133 = arith.constant 0 : i32
      %dma_start3A_134 = arith.constant 0 : i32
      %dma_start3A_135 = tpu.memref_slice %arg8[%dma_start3A_132, %dma_start3A_133, %dma_start3A_134] : memref<2x500x16xf32, #tpu.memory_space<vmem>> -> memref<1x500x16xf32, #tpu.memory_space<vmem>>
      %dma_start3A_136 = tpu.memref_squeeze %dma_start3A_135 : memref<1x500x16xf32, #tpu.memory_space<vmem>> -> memref<500x16xf32, #tpu.memory_space<vmem>>
      %dma_start3A_137 = arith.constant 0 : i32
      %dma_start3A_138 = tpu.memref_slice %arg7[%add3A_120, %dma_start3A_137] : memref<20x500xi32, #tpu.memory_space<vmem>> -> memref<1x500xi32, #tpu.memory_space<vmem>>
      %dma_start3A_139 = tpu.memref_squeeze %dma_start3A_138 : memref<1x500xi32, #tpu.memory_space<vmem>> -> memref<500xi32, #tpu.memory_space<vmem>>
      %dma_start3A_140 = arith.constant 0 : i32
      %dma_start3A_141 = arith.constant 0 : i32
      %dma_start3A_142 = tpu.memref_slice %arg10[%dma_start3A_140, %dma_start3A_141] : memref<10240x16xf32, #tpu.memory_space<vmem_shared>> -> memref<10240x16xf32, #tpu.memory_space<vmem_shared>>
      tpu.enqueue_indirect_dma source(%dma_start3A_136 : memref<500x16xf32, #tpu.memory_space<vmem>>) target(%dma_start3A_142 : memref<10240x16xf32, #tpu.memory_space<vmem_shared>>) offsets(%dma_start3A_139 : memref<500xi32, #tpu.memory_space<vmem>>) semaphore(%arg11 : memref<!tpu.dma_semaphore, #tpu.memory_space<semaphore_mem>>) {add = true}
      %dma_wait3A_143 = arith.constant 0 : i32
      %dma_wait3A_144 = arith.constant 0 : i32
      %dma_wait3A_145 = arith.constant 0 : i32
      %dma_wait3A_146 = tpu.memref_slice %arg8[%dma_wait3A_143, %dma_wait3A_144, %dma_wait3A_145] : memref<2x500x16xf32, #tpu.memory_space<vmem>> -> memref<1x500x16xf32, #tpu.memory_space<vmem>>
      %dma_wait3A_147 = tpu.memref_squeeze %dma_wait3A_146 : memref<1x500x16xf32, #tpu.memory_space<vmem>> -> memref<500x16xf32, #tpu.memory_space<vmem>>
      %dma_wait3A_148 = arith.constant 0 : i32
      %dma_wait3A_149 = tpu.memref_slice %arg7[%add3A_120, %dma_wait3A_148] : memref<20x500xi32, #tpu.memory_space<vmem>> -> memref<1x500xi32, #tpu.memory_space<vmem>>
      %dma_wait3A_150 = tpu.memref_squeeze %dma_wait3A_149 : memref<1x500xi32, #tpu.memory_space<vmem>> -> memref<500xi32, #tpu.memory_space<vmem>>
      %dma_wait3A_151 = arith.constant 0 : i32
      %dma_wait3A_152 = arith.constant 0 : i32
      %dma_wait3A_153 = tpu.memref_slice %arg10[%dma_wait3A_151, %dma_wait3A_152] : memref<10240x16xf32, #tpu.memory_space<vmem_shared>> -> memref<10240x16xf32, #tpu.memory_space<vmem_shared>>
      tpu.wait_indirect_dma semaphore(%arg11 : memref<!tpu.dma_semaphore, #tpu.memory_space<semaphore_mem>>) src(%dma_wait3A_147 : memref<500x16xf32, #tpu.memory_space<vmem>>) dst(%dma_wait3A_153 : memref<10240x16xf32, #tpu.memory_space<vmem_shared>>)
      %add3A_154 = arith.constant 2 : i32
      %add3A_155 = arith.addi %add3A_120, %add3A_154 : i32
      %dma_start3A_156 = arith.constant 0 : i32
      %dma_start3A_157 = arith.constant 0 : i32
      %dma_start3A_158 = arith.constant 0 : i32
      %dma_start3A_159 = tpu.memref_slice %arg8[%dma_start3A_156, %dma_start3A_157, %dma_start3A_158] : memref<2x500x16xf32, #tpu.memory_space<vmem>> -> memref<1x500x16xf32, #tpu.memory_space<vmem>>
      %dma_start3A_160 = tpu.memref_squeeze %dma_start3A_159 : memref<1x500x16xf32, #tpu.memory_space<vmem>> -> memref<500x16xf32, #tpu.memory_space<vmem>>
      %dma_start3A_161 = arith.constant 0 : i32
      %dma_start3A_162 = tpu.memref_slice %arg6[%add3A_155, %dma_start3A_161] : memref<20x500xi32, #tpu.memory_space<vmem>> -> memref<1x500xi32, #tpu.memory_space<vmem>>
      %dma_start3A_163 = tpu.memref_squeeze %dma_start3A_162 : memref<1x500xi32, #tpu.memory_space<vmem>> -> memref<500xi32, #tpu.memory_space<vmem>>
      %dma_start3A_164 = arith.constant 0 : i32
      %dma_start3A_165 = arith.constant 0 : i32
      %dma_start3A_166 = tpu.memref_slice %arg9[%dma_start3A_164, %dma_start3A_165] : memref<10000x16xf32, #tpu.memory_space<vmem_shared>> -> memref<10000x16xf32, #tpu.memory_space<vmem_shared>>
      tpu.enqueue_indirect_dma source(%dma_start3A_166 : memref<10000x16xf32, #tpu.memory_space<vmem_shared>>) target(%dma_start3A_160 : memref<500x16xf32, #tpu.memory_space<vmem>>) offsets(%dma_start3A_163 : memref<500xi32, #tpu.memory_space<vmem>>) semaphore(%arg11 : memref<!tpu.dma_semaphore, #tpu.memory_space<semaphore_mem>>)
      %mul3A_167 = arith.constant 2 : i32
      %mul3A_168 = arith.muli %scan3A_116, %mul3A_167 : i32
      %add3A_169 = arith.constant 1 : i32
      %add3A_170 = arith.addi %mul3A_168, %add3A_169 : i32
      %dma_wait3A_171 = arith.constant 1 : i32
      %dma_wait3A_172 = arith.constant 0 : i32
      %dma_wait3A_173 = arith.constant 0 : i32
      %dma_wait3A_174 = tpu.memref_slice %arg8[%dma_wait3A_171, %dma_wait3A_172, %dma_wait3A_173] : memref<2x500x16xf32, #tpu.memory_space<vmem>> -> memref<1x500x16xf32, #tpu.memory_space<vmem>>
      %dma_wait3A_175 = tpu.memref_squeeze %dma_wait3A_174 : memref<1x500x16xf32, #tpu.memory_space<vmem>> -> memref<500x16xf32, #tpu.memory_space<vmem>>
      %dma_wait3A_176 = arith.constant 0 : i32
      %dma_wait3A_177 = tpu.memref_slice %arg6[%add3A_170, %dma_wait3A_176] : memref<20x500xi32, #tpu.memory_space<vmem>> -> memref<1x500xi32, #tpu.memory_space<vmem>>
      %dma_wait3A_178 = tpu.memref_squeeze %dma_wait3A_177 : memref<1x500xi32, #tpu.memory_space<vmem>> -> memref<500xi32, #tpu.memory_space<vmem>>
      %dma_wait3A_179 = arith.constant 0 : i32
      %dma_wait3A_180 = arith.constant 0 : i32
      %dma_wait3A_181 = tpu.memref_slice %arg9[%dma_wait3A_179, %dma_wait3A_180] : memref<10000x16xf32, #tpu.memory_space<vmem_shared>> -> memref<10000x16xf32, #tpu.memory_space<vmem_shared>>
      tpu.wait_indirect_dma semaphore(%arg12 : memref<!tpu.dma_semaphore, #tpu.memory_space<semaphore_mem>>) src(%dma_wait3A_181 : memref<10000x16xf32, #tpu.memory_space<vmem_shared>>) dst(%dma_wait3A_175 : memref<500x16xf32, #tpu.memory_space<vmem>>)
      %dma_start3A_182 = arith.constant 1 : i32
      %dma_start3A_183 = arith.constant 0 : i32
      %dma_start3A_184 = arith.constant 0 : i32
      %dma_start3A_185 = tpu.memref_slice %arg8[%dma_start3A_182, %dma_start3A_183, %dma_start3A_184] : memref<2x500x16xf32, #tpu.memory_space<vmem>> -> memref<1x500x16xf32, #tpu.memory_space<vmem>>
      %dma_start3A_186 = tpu.memref_squeeze %dma_start3A_185 : memref<1x500x16xf32, #tpu.memory_space<vmem>> -> memref<500x16xf32, #tpu.memory_space<vmem>>
      %dma_start3A_187 = arith.constant 0 : i32
      %dma_start3A_188 = tpu.memref_slice %arg7[%add3A_170, %dma_start3A_187] : memref<20x500xi32, #tpu.memory_space<vmem>> -> memref<1x500xi32, #tpu.memory_space<vmem>>
      %dma_start3A_189 = tpu.memref_squeeze %dma_start3A_188 : memref<1x500xi32, #tpu.memory_space<vmem>> -> memref<500xi32, #tpu.memory_space<vmem>>
      %dma_start3A_190 = arith.constant 0 : i32
      %dma_start3A_191 = arith.constant 0 : i32
      %dma_start3A_192 = tpu.memref_slice %arg10[%dma_start3A_190, %dma_start3A_191] : memref<10240x16xf32, #tpu.memory_space<vmem_shared>> -> memref<10240x16xf32, #tpu.memory_space<vmem_shared>>
      tpu.enqueue_indirect_dma source(%dma_start3A_186 : memref<500x16xf32, #tpu.memory_space<vmem>>) target(%dma_start3A_192 : memref<10240x16xf32, #tpu.memory_space<vmem_shared>>) offsets(%dma_start3A_189 : memref<500xi32, #tpu.memory_space<vmem>>) semaphore(%arg12 : memref<!tpu.dma_semaphore, #tpu.memory_space<semaphore_mem>>) {add = true}
      %dma_wait3A_193 = arith.constant 1 : i32
      %dma_wait3A_194 = arith.constant 0 : i32
      %dma_wait3A_195 = arith.constant 0 : i32
      %dma_wait3A_196 = tpu.memref_slice %arg8[%dma_wait3A_193, %dma_wait3A_194, %dma_wait3A_195] : memref<2x500x16xf32, #tpu.memory_space<vmem>> -> memref<1x500x16xf32, #tpu.memory_space<vmem>>
      %dma_wait3A_197 = tpu.memref_squeeze %dma_wait3A_196 : memref<1x500x16xf32, #tpu.memory_space<vmem>> -> memref<500x16xf32, #tpu.memory_space<vmem>>
      %dma_wait3A_198 = arith.constant 0 : i32
      %dma_wait3A_199 = tpu.memref_slice %arg7[%add3A_170, %dma_wait3A_198] : memref<20x500xi32, #tpu.memory_space<vmem>> -> memref<1x500xi32, #tpu.memory_space<vmem>>
      %dma_wait3A_200 = tpu.memref_squeeze %dma_wait3A_199 : memref<1x500xi32, #tpu.memory_space<vmem>> -> memref<500xi32, #tpu.memory_space<vmem>>
      %dma_wait3A_201 = arith.constant 0 : i32
      %dma_wait3A_202 = arith.constant 0 : i32
      %dma_wait3A_203 = tpu.memref_slice %arg10[%dma_wait3A_201, %dma_wait3A_202] : memref<10240x16xf32, #tpu.memory_space<vmem_shared>> -> memref<10240x16xf32, #tpu.memory_space<vmem_shared>>
      tpu.wait_indirect_dma semaphore(%arg12 : memref<!tpu.dma_semaphore, #tpu.memory_space<semaphore_mem>>) src(%dma_wait3A_197 : memref<500x16xf32, #tpu.memory_space<vmem>>) dst(%dma_wait3A_203 : memref<10240x16xf32, #tpu.memory_space<vmem_shared>>)
      %add3A_204 = arith.constant 2 : i32
      %add3A_205 = arith.addi %add3A_170, %add3A_204 : i32
      %dma_start3A_206 = arith.constant 1 : i32
      %dma_start3A_207 = arith.constant 0 : i32
      %dma_start3A_208 = arith.constant 0 : i32
      %dma_start3A_209 = tpu.memref_slice %arg8[%dma_start3A_206, %dma_start3A_207, %dma_start3A_208] : memref<2x500x16xf32, #tpu.memory_space<vmem>> -> memref<1x500x16xf32, #tpu.memory_space<vmem>>
      %dma_start3A_210 = tpu.memref_squeeze %dma_start3A_209 : memref<1x500x16xf32, #tpu.memory_space<vmem>> -> memref<500x16xf32, #tpu.memory_space<vmem>>
      %dma_start3A_211 = arith.constant 0 : i32
      %dma_start3A_212 = tpu.memref_slice %arg6[%add3A_205, %dma_start3A_211] : memref<20x500xi32, #tpu.memory_space<vmem>> -> memref<1x500xi32, #tpu.memory_space<vmem>>
      %dma_start3A_213 = tpu.memref_squeeze %dma_start3A_212 : memref<1x500xi32, #tpu.memory_space<vmem>> -> memref<500xi32, #tpu.memory_space<vmem>>
      %dma_start3A_214 = arith.constant 0 : i32
      %dma_start3A_215 = arith.constant 0 : i32
      %dma_start3A_216 = tpu.memref_slice %arg9[%dma_start3A_214, %dma_start3A_215] : memref<10000x16xf32, #tpu.memory_space<vmem_shared>> -> memref<10000x16xf32, #tpu.memory_space<vmem_shared>>
      tpu.enqueue_indirect_dma source(%dma_start3A_216 : memref<10000x16xf32, #tpu.memory_space<vmem_shared>>) target(%dma_start3A_210 : memref<500x16xf32, #tpu.memory_space<vmem>>) offsets(%dma_start3A_213 : memref<500xi32, #tpu.memory_space<vmem>>) semaphore(%arg12 : memref<!tpu.dma_semaphore, #tpu.memory_space<semaphore_mem>>)
    }
    %scan3A_39 = arith.constant 9 : i32
    %dma_wait3A = arith.constant 18 : i32
    %dma_wait3A_40 = arith.constant 0 : i32
    %dma_wait3A_41 = arith.constant 0 : i32
    %dma_wait3A_42 = arith.constant 0 : i32
    %dma_wait3A_43 = tpu.memref_slice %arg8[%dma_wait3A_40, %dma_wait3A_41, %dma_wait3A_42] : memref<2x500x16xf32, #tpu.memory_space<vmem>> -> memref<1x500x16xf32, #tpu.memory_space<vmem>>
    %dma_wait3A_44 = tpu.memref_squeeze %dma_wait3A_43 : memref<1x500x16xf32, #tpu.memory_space<vmem>> -> memref<500x16xf32, #tpu.memory_space<vmem>>
    %dma_wait3A_45 = arith.constant 0 : i32
    %dma_wait3A_46 = tpu.memref_slice %arg6[%dma_wait3A, %dma_wait3A_45] : memref<20x500xi32, #tpu.memory_space<vmem>> -> memref<1x500xi32, #tpu.memory_space<vmem>>
    %dma_wait3A_47 = tpu.memref_squeeze %dma_wait3A_46 : memref<1x500xi32, #tpu.memory_space<vmem>> -> memref<500xi32, #tpu.memory_space<vmem>>
    %dma_wait3A_48 = arith.constant 0 : i32
    %dma_wait3A_49 = arith.constant 0 : i32
    %dma_wait3A_50 = tpu.memref_slice %arg9[%dma_wait3A_48, %dma_wait3A_49] : memref<10000x16xf32, #tpu.memory_space<vmem_shared>> -> memref<10000x16xf32, #tpu.memory_space<vmem_shared>>
    tpu.wait_indirect_dma semaphore(%arg11 : memref<!tpu.dma_semaphore, #tpu.memory_space<semaphore_mem>>) src(%dma_wait3A_50 : memref<10000x16xf32, #tpu.memory_space<vmem_shared>>) dst(%dma_wait3A_44 : memref<500x16xf32, #tpu.memory_space<vmem>>)
    %dma_start3A_51 = arith.constant 0 : i32
    %dma_start3A_52 = arith.constant 18 : i32
    %dma_start3A_53 = arith.constant 0 : i32
    %dma_start3A_54 = arith.constant 0 : i32
    %dma_start3A_55 = tpu.memref_slice %arg8[%dma_start3A_51, %dma_start3A_53, %dma_start3A_54] : memref<2x500x16xf32, #tpu.memory_space<vmem>> -> memref<1x500x16xf32, #tpu.memory_space<vmem>>
    %dma_start3A_56 = tpu.memref_squeeze %dma_start3A_55 : memref<1x500x16xf32, #tpu.memory_space<vmem>> -> memref<500x16xf32, #tpu.memory_space<vmem>>
    %dma_start3A_57 = arith.constant 0 : i32
    %dma_start3A_58 = tpu.memref_slice %arg7[%dma_start3A_52, %dma_start3A_57] : memref<20x500xi32, #tpu.memory_space<vmem>> -> memref<1x500xi32, #tpu.memory_space<vmem>>
    %dma_start3A_59 = tpu.memref_squeeze %dma_start3A_58 : memref<1x500xi32, #tpu.memory_space<vmem>> -> memref<500xi32, #tpu.memory_space<vmem>>
    %dma_start3A_60 = arith.constant 0 : i32
    %dma_start3A_61 = arith.constant 0 : i32
    %dma_start3A_62 = tpu.memref_slice %arg10[%dma_start3A_60, %dma_start3A_61] : memref<10240x16xf32, #tpu.memory_space<vmem_shared>> -> memref<10240x16xf32, #tpu.memory_space<vmem_shared>>
    tpu.enqueue_indirect_dma source(%dma_start3A_56 : memref<500x16xf32, #tpu.memory_space<vmem>>) target(%dma_start3A_62 : memref<10240x16xf32, #tpu.memory_space<vmem_shared>>) offsets(%dma_start3A_59 : memref<500xi32, #tpu.memory_space<vmem>>) semaphore(%arg11 : memref<!tpu.dma_semaphore, #tpu.memory_space<semaphore_mem>>) {add = true}
    %dma_wait3A_63 = arith.constant 0 : i32
    %dma_wait3A_64 = arith.constant 18 : i32
    %dma_wait3A_65 = arith.constant 0 : i32
    %dma_wait3A_66 = arith.constant 0 : i32
    %dma_wait3A_67 = tpu.memref_slice %arg8[%dma_wait3A_63, %dma_wait3A_65, %dma_wait3A_66] : memref<2x500x16xf32, #tpu.memory_space<vmem>> -> memref<1x500x16xf32, #tpu.memory_space<vmem>>
    %dma_wait3A_68 = tpu.memref_squeeze %dma_wait3A_67 : memref<1x500x16xf32, #tpu.memory_space<vmem>> -> memref<500x16xf32, #tpu.memory_space<vmem>>
    %dma_wait3A_69 = arith.constant 0 : i32
    %dma_wait3A_70 = tpu.memref_slice %arg7[%dma_wait3A_64, %dma_wait3A_69] : memref<20x500xi32, #tpu.memory_space<vmem>> -> memref<1x500xi32, #tpu.memory_space<vmem>>
    %dma_wait3A_71 = tpu.memref_squeeze %dma_wait3A_70 : memref<1x500xi32, #tpu.memory_space<vmem>> -> memref<500xi32, #tpu.memory_space<vmem>>
    %dma_wait3A_72 = arith.constant 0 : i32
    %dma_wait3A_73 = arith.constant 0 : i32
    %dma_wait3A_74 = tpu.memref_slice %arg10[%dma_wait3A_72, %dma_wait3A_73] : memref<10240x16xf32, #tpu.memory_space<vmem_shared>> -> memref<10240x16xf32, #tpu.memory_space<vmem_shared>>
    tpu.wait_indirect_dma semaphore(%arg11 : memref<!tpu.dma_semaphore, #tpu.memory_space<semaphore_mem>>) src(%dma_wait3A_68 : memref<500x16xf32, #tpu.memory_space<vmem>>) dst(%dma_wait3A_74 : memref<10240x16xf32, #tpu.memory_space<vmem_shared>>)
    %dma_wait3A_75 = arith.constant 19 : i32
    %dma_wait3A_76 = arith.constant 1 : i32
    %dma_wait3A_77 = arith.constant 0 : i32
    %dma_wait3A_78 = arith.constant 0 : i32
    %dma_wait3A_79 = tpu.memref_slice %arg8[%dma_wait3A_76, %dma_wait3A_77, %dma_wait3A_78] : memref<2x500x16xf32, #tpu.memory_space<vmem>> -> memref<1x500x16xf32, #tpu.memory_space<vmem>>
    %dma_wait3A_80 = tpu.memref_squeeze %dma_wait3A_79 : memref<1x500x16xf32, #tpu.memory_space<vmem>> -> memref<500x16xf32, #tpu.memory_space<vmem>>
    %dma_wait3A_81 = arith.constant 0 : i32
    %dma_wait3A_82 = tpu.memref_slice %arg6[%dma_wait3A_75, %dma_wait3A_81] : memref<20x500xi32, #tpu.memory_space<vmem>> -> memref<1x500xi32, #tpu.memory_space<vmem>>
    %dma_wait3A_83 = tpu.memref_squeeze %dma_wait3A_82 : memref<1x500xi32, #tpu.memory_space<vmem>> -> memref<500xi32, #tpu.memory_space<vmem>>
    %dma_wait3A_84 = arith.constant 0 : i32
    %dma_wait3A_85 = arith.constant 0 : i32
    %dma_wait3A_86 = tpu.memref_slice %arg9[%dma_wait3A_84, %dma_wait3A_85] : memref<10000x16xf32, #tpu.memory_space<vmem_shared>> -> memref<10000x16xf32, #tpu.memory_space<vmem_shared>>
    tpu.wait_indirect_dma semaphore(%arg12 : memref<!tpu.dma_semaphore, #tpu.memory_space<semaphore_mem>>) src(%dma_wait3A_86 : memref<10000x16xf32, #tpu.memory_space<vmem_shared>>) dst(%dma_wait3A_80 : memref<500x16xf32, #tpu.memory_space<vmem>>)
    %dma_start3A_87 = arith.constant 1 : i32
    %dma_start3A_88 = arith.constant 19 : i32
    %dma_start3A_89 = arith.constant 0 : i32
    %dma_start3A_90 = arith.constant 0 : i32
    %dma_start3A_91 = tpu.memref_slice %arg8[%dma_start3A_87, %dma_start3A_89, %dma_start3A_90] : memref<2x500x16xf32, #tpu.memory_space<vmem>> -> memref<1x500x16xf32, #tpu.memory_space<vmem>>
    %dma_start3A_92 = tpu.memref_squeeze %dma_start3A_91 : memref<1x500x16xf32, #tpu.memory_space<vmem>> -> memref<500x16xf32, #tpu.memory_space<vmem>>
    %dma_start3A_93 = arith.constant 0 : i32
    %dma_start3A_94 = tpu.memref_slice %arg7[%dma_start3A_88, %dma_start3A_93] : memref<20x500xi32, #tpu.memory_space<vmem>> -> memref<1x500xi32, #tpu.memory_space<vmem>>
    %dma_start3A_95 = tpu.memref_squeeze %dma_start3A_94 : memref<1x500xi32, #tpu.memory_space<vmem>> -> memref<500xi32, #tpu.memory_space<vmem>>
    %dma_start3A_96 = arith.constant 0 : i32
    %dma_start3A_97 = arith.constant 0 : i32
    %dma_start3A_98 = tpu.memref_slice %arg10[%dma_start3A_96, %dma_start3A_97] : memref<10240x16xf32, #tpu.memory_space<vmem_shared>> -> memref<10240x16xf32, #tpu.memory_space<vmem_shared>>
    tpu.enqueue_indirect_dma source(%dma_start3A_92 : memref<500x16xf32, #tpu.memory_space<vmem>>) target(%dma_start3A_98 : memref<10240x16xf32, #tpu.memory_space<vmem_shared>>) offsets(%dma_start3A_95 : memref<500xi32, #tpu.memory_space<vmem>>) semaphore(%arg12 : memref<!tpu.dma_semaphore, #tpu.memory_space<semaphore_mem>>) {add = true}
    %dma_wait3A_99 = arith.constant 1 : i32
    %dma_wait3A_100 = arith.constant 19 : i32
    %dma_wait3A_101 = arith.constant 0 : i32
    %dma_wait3A_102 = arith.constant 0 : i32
    %dma_wait3A_103 = tpu.memref_slice %arg8[%dma_wait3A_99, %dma_wait3A_101, %dma_wait3A_102] : memref<2x500x16xf32, #tpu.memory_space<vmem>> -> memref<1x500x16xf32, #tpu.memory_space<vmem>>
    %dma_wait3A_104 = tpu.memref_squeeze %dma_wait3A_103 : memref<1x500x16xf32, #tpu.memory_space<vmem>> -> memref<500x16xf32, #tpu.memory_space<vmem>>
    %dma_wait3A_105 = arith.constant 0 : i32
    %dma_wait3A_106 = tpu.memref_slice %arg7[%dma_wait3A_100, %dma_wait3A_105] : memref<20x500xi32, #tpu.memory_space<vmem>> -> memref<1x500xi32, #tpu.memory_space<vmem>>
    %dma_wait3A_107 = tpu.memref_squeeze %dma_wait3A_106 : memref<1x500xi32, #tpu.memory_space<vmem>> -> memref<500xi32, #tpu.memory_space<vmem>>
    %dma_wait3A_108 = arith.constant 0 : i32
    %dma_wait3A_109 = arith.constant 0 : i32
    %dma_wait3A_110 = tpu.memref_slice %arg10[%dma_wait3A_108, %dma_wait3A_109] : memref<10240x16xf32, #tpu.memory_space<vmem_shared>> -> memref<10240x16xf32, #tpu.memory_space<vmem_shared>>
    tpu.wait_indirect_dma semaphore(%arg12 : memref<!tpu.dma_semaphore, #tpu.memory_space<semaphore_mem>>) src(%dma_wait3A_104 : memref<500x16xf32, #tpu.memory_space<vmem>>) dst(%dma_wait3A_110 : memref<10240x16xf32, #tpu.memory_space<vmem_shared>>)
    %barrier3A_111 = arith.constant 0 : index
    tpu.barrier barrier_id(%barrier3A_111)
    %mul3A_112 = arith.constant 640 : i32
    %mul3A_113 = arith.muli %arg1, %mul3A_112 : i32
    %mul3A_114 = arith.constant 640 : i32
    %mul3A_115 = arith.muli %arg1, %mul3A_114 : i32
    "tpu.region"() ({
      %run_scoped3A_116 = tpu.sem_alloc : memref<!tpu.dma_semaphore, #tpu.memory_space<semaphore_mem>>
      %dma_start3A_117 = arith.constant 0 : i32
      %dma_start3A_118 = tpu.memref_slice %arg5[%arg0, %mul3A_115, %dma_start3A_117] : memref<2x10240x16xf32, #tpu.memory_space<hbm>> -> memref<1x640x16xf32, #tpu.memory_space<hbm>>
      %dma_start3A_119 = tpu.memref_squeeze %dma_start3A_118 : memref<1x640x16xf32, #tpu.memory_space<hbm>> -> memref<640x16xf32, #tpu.memory_space<hbm>>
      %dma_start3A_120 = arith.constant 0 : i32
      %dma_start3A_121 = tpu.memref_slice %arg10[%mul3A_113, %dma_start3A_120] : memref<10240x16xf32, #tpu.memory_space<vmem_shared>> -> memref<640x16xf32, #tpu.memory_space<vmem_shared>>
      tpu.enqueue_dma source(%dma_start3A_121 : memref<640x16xf32, #tpu.memory_space<vmem_shared>>) target(%dma_start3A_119 : memref<640x16xf32, #tpu.memory_space<hbm>>) target_semaphore(%run_scoped3A_116 : memref<!tpu.dma_semaphore, #tpu.memory_space<semaphore_mem>>)
      %dma_wait3A_122 = arith.constant 0 : i32
      %dma_wait3A_123 = tpu.memref_slice %arg5[%arg0, %mul3A_115, %dma_wait3A_122] : memref<2x10240x16xf32, #tpu.memory_space<hbm>> -> memref<1x640x16xf32, #tpu.memory_space<hbm>>
      %dma_wait3A_124 = tpu.memref_squeeze %dma_wait3A_123 : memref<1x640x16xf32, #tpu.memory_space<hbm>> -> memref<640x16xf32, #tpu.memory_space<hbm>>
      %dma_wait3A_125 = arith.constant 0 : i32
      %dma_wait3A_126 = tpu.memref_slice %arg10[%mul3A_113, %dma_wait3A_125] : memref<10240x16xf32, #tpu.memory_space<vmem_shared>> -> memref<640x16xf32, #tpu.memory_space<vmem_shared>>
      tpu.wait_dma2 semaphore(%run_scoped3A_116 : memref<!tpu.dma_semaphore, #tpu.memory_space<semaphore_mem>>) src(%dma_wait3A_126 : memref<640x16xf32, #tpu.memory_space<vmem_shared>>) dst(%dma_wait3A_124 : memref<640x16xf32, #tpu.memory_space<hbm>>)
      tpu.yield
    }) : () -> ()
    return
  }
}

module attributes {stable_mosaic.version = 14 : i64} {
  func.func @_tc_xw_body(%arg0: memref<1250x1024xf32, #tpu.memory_space<vmem>>, %arg1: memref<1024x128xf32, #tpu.memory_space<vmem>>, %arg2: memref<1250x128xf32, #tpu.memory_space<vmem>>) attributes {dimension_semantics = [], scalar_prefetch = 0 : i64, scratch_operands = 0 : i64, tpu.core_type = #tpu.core_type<tc>} {
    %get3A = arith.constant 0 : index
    %get3A_0 = arith.constant 0 : index
    %get3A_1 = vector.load %arg0[%get3A, %get3A_0] : memref<1250x1024xf32, #tpu.memory_space<vmem>>, vector<1250x1024xf32>
    %get3A_2 = arith.constant 0 : index
    %get3A_3 = arith.constant 0 : index
    %get3A_4 = vector.load %arg1[%get3A_2, %get3A_3] : memref<1024x128xf32, #tpu.memory_space<vmem>>, vector<1024x128xf32>
    %dot_general3A = arith.constant dense<0.000000e+00> : vector<1250x128xf32>
    %dot_general3A_5 = tpu.matmul %get3A_1, %get3A_4, %dot_general3A {dimension_numbers = #tpu.dot_dimension_numbers<[1], [0], [0], [1], [0, 0, 1, 1], [], []>, transpose_lhs_hint = false} : vector<1250x1024xf32>, vector<1024x128xf32>, vector<1250x128xf32> -> vector<1250x128xf32>
    %swap3A = arith.constant 0 : index
    %swap3A_6 = arith.constant 0 : index
    %swap3A_7 = vector.load %arg2[%swap3A, %swap3A_6] : memref<1250x128xf32, #tpu.memory_space<vmem>>, vector<1250x128xf32>
    tpu.vector_store %arg2[%swap3A, %swap3A_6], %dot_general3A_5 {strides = array<i32>} : memref<1250x128xf32, #tpu.memory_space<vmem>>, vector<1250x128xf32>,
    return
  }
}

module attributes {stable_mosaic.version = 14 : i64} {
  func.func @_tc_scale1_body(%arg0: memref<1250x128xf32, #tpu.memory_space<vmem>>, %arg1: memref<2x1280x128xf32, #tpu.memory_space<vmem>>, %arg2: memref<1250x128xf32, #tpu.memory_space<vmem>>, %arg3: memref<1280x128xf32, #tpu.memory_space<vmem>>) attributes {dimension_semantics = [], scalar_prefetch = 0 : i64, scratch_operands = 0 : i64, tpu.core_type = #tpu.core_type<tc>} {
    %get3A = arith.constant 0 : index
    %get3A_0 = arith.constant 0 : index
    %get3A_1 = arith.constant 0 : index
    %get3A_2 = vector.load %arg1[%get3A, %get3A_0, %get3A_1] : memref<2x1280x128xf32, #tpu.memory_space<vmem>>, vector<1x1280x128xf32>
    %get3A_3 = vector.shape_cast %get3A_2 : vector<1x1280x128xf32> to vector<1280x128xf32>
    %get3A_4 = arith.constant 1 : index
    %get3A_5 = arith.constant 0 : index
    %get3A_6 = arith.constant 0 : index
    %get3A_7 = vector.load %arg1[%get3A_4, %get3A_5, %get3A_6] : memref<2x1280x128xf32, #tpu.memory_space<vmem>>, vector<1x1280x128xf32>
    %get3A_8 = vector.shape_cast %get3A_7 : vector<1x1280x128xf32> to vector<1280x128xf32>
    %add3A = arith.addf %get3A_3, %get3A_8 : vector<1280x128xf32>
    %add3A_9 = arith.constant 1.000000e+00 : f32
    %add3A_10 = vector.broadcast %add3A_9 : f32 to vector<1280x128xf32>
    %add3A_11 = arith.addf %add3A, %add3A_10 : vector<1280x128xf32>
    %rsqrt3A = math.rsqrt %add3A_11 : vector<1280x128xf32>
    %swap3A = arith.constant 0 : index
    %swap3A_12 = arith.constant 0 : index
    %swap3A_13 = vector.load %arg3[%swap3A, %swap3A_12] : memref<1280x128xf32, #tpu.memory_space<vmem>>, vector<1280x128xf32>
    tpu.vector_store %arg3[%swap3A, %swap3A_12], %rsqrt3A {strides = array<i32>} : memref<1280x128xf32, #tpu.memory_space<vmem>>, vector<1280x128xf32>,
    %get3A_14 = arith.constant 0 : index
    %get3A_15 = arith.constant 0 : index
    %get3A_16 = vector.load %arg0[%get3A_14, %get3A_15] : memref<1250x128xf32, #tpu.memory_space<vmem>>, vector<1250x128xf32>
    %slice3A = vector.extract_strided_slice %rsqrt3A {offsets = [0, 0], sizes = [1250, 128], strides = [1, 1]} : vector<1280x128xf32> to vector<1250x128xf32>
    %mul3A = arith.mulf %get3A_16, %slice3A : vector<1250x128xf32>
    %swap3A_17 = arith.constant 0 : index
    %swap3A_18 = arith.constant 0 : index
    %swap3A_19 = vector.load %arg2[%swap3A_17, %swap3A_18] : memref<1250x128xf32, #tpu.memory_space<vmem>>, vector<1250x128xf32>
    tpu.vector_store %arg2[%swap3A_17, %swap3A_18], %mul3A {strides = array<i32>} : memref<1250x128xf32, #tpu.memory_space<vmem>>, vector<1250x128xf32>,
    return
  }
}

module attributes {stable_mosaic.version = 14 : i64} {
  func.func @_tc_mid_body(%arg0: memref<2x1280x128xf32, #tpu.memory_space<vmem>>, %arg1: memref<1250x128xf32, #tpu.memory_space<vmem>>, %arg2: memref<1280x128xf32, #tpu.memory_space<vmem>>, %arg3: memref<1x128xf32, #tpu.memory_space<vmem>>, %arg4: memref<1250x128xf32, #tpu.memory_space<vmem>>) attributes {dimension_semantics = [], scalar_prefetch = 0 : i64, scratch_operands = 0 : i64, tpu.core_type = #tpu.core_type<tc>} {
    %get3A = arith.constant 0 : index
    %get3A_0 = arith.constant 0 : index
    %get3A_1 = vector.load %arg2[%get3A, %get3A_0] : memref<1280x128xf32, #tpu.memory_space<vmem>>, vector<1250x128xf32>
    %get3A_2 = arith.constant 0 : index
    %get3A_3 = arith.constant 0 : index
    %get3A_4 = arith.constant 0 : index
    %get3A_5 = vector.load %arg0[%get3A_2, %get3A_3, %get3A_4] : memref<2x1280x128xf32, #tpu.memory_space<vmem>>, vector<1x1250x128xf32>
    %get3A_6 = vector.shape_cast %get3A_5 : vector<1x1250x128xf32> to vector<1250x128xf32>
    %get3A_7 = arith.constant 1 : index
    %get3A_8 = arith.constant 0 : index
    %get3A_9 = arith.constant 0 : index
    %get3A_10 = vector.load %arg0[%get3A_7, %get3A_8, %get3A_9] : memref<2x1280x128xf32, #tpu.memory_space<vmem>>, vector<1x1250x128xf32>
    %get3A_11 = vector.shape_cast %get3A_10 : vector<1x1250x128xf32> to vector<1250x128xf32>
    %add3A = arith.addf %get3A_6, %get3A_11 : vector<1250x128xf32>
    %get3A_12 = arith.constant 0 : index
    %get3A_13 = arith.constant 0 : index
    %get3A_14 = vector.load %arg1[%get3A_12, %get3A_13] : memref<1250x128xf32, #tpu.memory_space<vmem>>, vector<1250x128xf32>
    %add3A_15 = arith.addf %add3A, %get3A_14 : vector<1250x128xf32>
    %mul3A = arith.mulf %add3A_15, %get3A_1 : vector<1250x128xf32>
    %get3A_16 = arith.constant 0 : index
    %get3A_17 = arith.constant 0 : index
    %get3A_18 = vector.load %arg3[%get3A_16, %get3A_17] : memref<1x128xf32, #tpu.memory_space<vmem>>, vector<1x128xf32>
    %add3A_19 = vector.broadcast %get3A_18 : vector<1x128xf32> to vector<1250x128xf32>
    %add3A_20 = arith.addf %mul3A, %add3A_19 : vector<1250x128xf32>
    %max3A = arith.constant 0.000000e+00 : f32
    %max3A_21 = vector.broadcast %max3A : f32 to vector<1250x128xf32>
    %max3A_22 = arith.maximumf %add3A_20, %max3A_21 : vector<1250x128xf32>
    %mul3A_23 = arith.mulf %max3A_22, %get3A_1 : vector<1250x128xf32>
    %swap3A = arith.constant 0 : index
    %swap3A_24 = arith.constant 0 : index
    %swap3A_25 = vector.load %arg4[%swap3A, %swap3A_24] : memref<1250x128xf32, #tpu.memory_space<vmem>>, vector<1250x128xf32>
    tpu.vector_store %arg4[%swap3A, %swap3A_24], %mul3A_23 {strides = array<i32>} : memref<1250x128xf32, #tpu.memory_space<vmem>>, vector<1250x128xf32>,
    return
  }
}

module attributes {stable_mosaic.version = 14 : i64} {
  func.func @_tc_final_body(%arg0: memref<2x1280x128xf32, #tpu.memory_space<vmem>>, %arg1: memref<1250x128xf32, #tpu.memory_space<vmem>>, %arg2: memref<1280x128xf32, #tpu.memory_space<vmem>>, %arg3: memref<1x320xf32, #tpu.memory_space<vmem>>, %arg4: memref<128x320xf32, #tpu.memory_space<vmem>>, %arg5: memref<320x8xf32, #tpu.memory_space<vmem>>, %arg6: memref<8x320xf32, #tpu.memory_space<vmem>>, %arg7: memref<1250x320xf32, #tpu.memory_space<vmem>>) attributes {dimension_semantics = [], scalar_prefetch = 0 : i64, scratch_operands = 0 : i64, tpu.core_type = #tpu.core_type<tc>} {
    %get3A = arith.constant 0 : index
    %get3A_0 = arith.constant 0 : index
    %get3A_1 = arith.constant 0 : index
    %get3A_2 = vector.load %arg0[%get3A, %get3A_0, %get3A_1] : memref<2x1280x128xf32, #tpu.memory_space<vmem>>, vector<1x1250x128xf32>
    %get3A_3 = vector.shape_cast %get3A_2 : vector<1x1250x128xf32> to vector<1250x128xf32>
    %get3A_4 = arith.constant 1 : index
    %get3A_5 = arith.constant 0 : index
    %get3A_6 = arith.constant 0 : index
    %get3A_7 = vector.load %arg0[%get3A_4, %get3A_5, %get3A_6] : memref<2x1280x128xf32, #tpu.memory_space<vmem>>, vector<1x1250x128xf32>
    %get3A_8 = vector.shape_cast %get3A_7 : vector<1x1250x128xf32> to vector<1250x128xf32>
    %add3A = arith.addf %get3A_3, %get3A_8 : vector<1250x128xf32>
    %get3A_9 = arith.constant 0 : index
    %get3A_10 = arith.constant 0 : index
    %get3A_11 = vector.load %arg1[%get3A_9, %get3A_10] : memref<1250x128xf32, #tpu.memory_space<vmem>>, vector<1250x128xf32>
    %add3A_12 = arith.addf %add3A, %get3A_11 : vector<1250x128xf32>
    %get3A_13 = arith.constant 0 : index
    %get3A_14 = arith.constant 0 : index
    %get3A_15 = vector.load %arg2[%get3A_13, %get3A_14] : memref<1280x128xf32, #tpu.memory_space<vmem>>, vector<1250x128xf32>
    %mul3A = arith.mulf %add3A_12, %get3A_15 : vector<1250x128xf32>
    %get3A_16 = arith.constant 0 : index
    %get3A_17 = arith.constant 0 : index
    %get3A_18 = vector.load %arg4[%get3A_16, %get3A_17] : memref<128x320xf32, #tpu.memory_space<vmem>>, vector<128x320xf32>
    %dot_general3A = arith.constant dense<0.000000e+00> : vector<1250x320xf32>
    %dot_general3A_19 = tpu.matmul %mul3A, %get3A_18, %dot_general3A {dimension_numbers = #tpu.dot_dimension_numbers<[1], [0], [0], [1], [0, 0, 1, 1], [], []>, transpose_lhs_hint = false} : vector<1250x128xf32>, vector<128x320xf32>, vector<1250x320xf32> -> vector<1250x320xf32>
    %get3A_20 = arith.constant 0 : index
    %get3A_21 = arith.constant 0 : index
    %get3A_22 = vector.load %arg3[%get3A_20, %get3A_21] : memref<1x320xf32, #tpu.memory_space<vmem>>, vector<1x320xf32>
    %add3A_23 = vector.broadcast %get3A_22 : vector<1x320xf32> to vector<1250x320xf32>
    %add3A_24 = arith.addf %dot_general3A_19, %add3A_23 : vector<1250x320xf32>
    %reduce_max3A = arith.constant dense<0xFF800000> : vector<1250xf32>
    %reduce_max3A_25 = vector.multi_reduction <maximumf>, %add3A_24, %reduce_max3A [1] : vector<1250x320xf32> to vector<1250xf32>
    %broadcast_in_dim3A = vector.shape_cast %reduce_max3A_25 : vector<1250xf32> to vector<1250x1xf32>
    %sub3A = vector.broadcast %broadcast_in_dim3A : vector<1250x1xf32> to vector<1250x320xf32>
    %sub3A_26 = arith.subf %add3A_24, %sub3A : vector<1250x320xf32>
    %exp3A = math.exp %sub3A_26 : vector<1250x320xf32>
    %get3A_27 = arith.constant 0 : index
    %get3A_28 = arith.constant 0 : index
    %get3A_29 = vector.load %arg5[%get3A_27, %get3A_28] : memref<320x8xf32, #tpu.memory_space<vmem>>, vector<320x8xf32>
    %dot_general3A_30 = arith.constant dense<0.000000e+00> : vector<1250x8xf32>
    %dot_general3A_31 = tpu.matmul %exp3A, %get3A_29, %dot_general3A_30 {dimension_numbers = #tpu.dot_dimension_numbers<[1], [0], [0], [1], [0, 0, 1, 1], [], []>, transpose_lhs_hint = false} : vector<1250x320xf32>, vector<320x8xf32>, vector<1250x8xf32> -> vector<1250x8xf32>
    %log3A = math.log %dot_general3A_31 : vector<1250x8xf32>
    %get3A_32 = arith.constant 0 : index
    %get3A_33 = arith.constant 0 : index
    %get3A_34 = vector.load %arg6[%get3A_32, %get3A_33] : memref<8x320xf32, #tpu.memory_space<vmem>>, vector<8x320xf32>
    %dot_general3A_35 = arith.constant dense<0.000000e+00> : vector<1250x320xf32>
    %dot_general3A_36 = tpu.matmul %log3A, %get3A_34, %dot_general3A_35 {dimension_numbers = #tpu.dot_dimension_numbers<[1], [0], [0], [1], [0, 0, 1, 1], [], []>, transpose_lhs_hint = false} : vector<1250x8xf32>, vector<8x320xf32>, vector<1250x320xf32> -> vector<1250x320xf32>
    %sub3A_37 = vector.broadcast %broadcast_in_dim3A : vector<1250x1xf32> to vector<1250x320xf32>
    %sub3A_38 = arith.subf %add3A_24, %sub3A_37 : vector<1250x320xf32>
    %sub3A_39 = arith.subf %sub3A_38, %dot_general3A_36 : vector<1250x320xf32>
    %swap3A = arith.constant 0 : index
    %swap3A_40 = arith.constant 0 : index
    %swap3A_41 = vector.load %arg7[%swap3A, %swap3A_40] : memref<1250x320xf32, #tpu.memory_space<vmem>>, vector<1250x320xf32>
    tpu.vector_store %arg7[%swap3A, %swap3A_40], %sub3A_39 {strides = array<i32>} : memref<1250x320xf32, #tpu.memory_space<vmem>>, vector<1250x320xf32>,
    return
  }
}

</mosaic_0001>

<sc_bundles>
// kernel: kernel.12.cloned.1.call-start
scs
__scs_entry_jumppad:
0x0: {  	(pc) =	sbr.rel $0x88, $3  }
0x1: {  	(tag) =	ssettag $0x0;
	lr =	simm.s32 $0x1  }
0x2: {  	[smem:$0x3F9B] =	sst lr;
	_ =	strace $0xD0000000  }
0x3: {  	_ = 	snop  }
0x4: {  	_ = 	snop  }
0x5: {  	_ = 	snop  }
0x6: {  	_ = 	snop  }
0x7: {  	_ = 	snop  }
__scs_overlays_trampoline_lowered:
0x8: {  	[smem:$0x3FAA] =	sst s0  }
0x9: {  	[smem:$0x3FAB] =	sst s1  }
0xa: {  	[smem:$0x3FAC] =	sst s2  }
0xb: {  	[smem:$0x3FAD] =	sst s3  }
0xc: {  	[smem:$0x3FAE] =	sst s4  }
0xd: {  	[smem:$0x3FAF] =	sst s5  }
0xe: {  	[smem:$0x3FB0] =	sst s6  }
0xf: {  	[smem:$0x3FB1] =	sst s7  }
0x10: {  	[smem:$0x3FB2] =	sst s8  }
0x11: {  	[smem:$0x3FB3] =	sst s9;
	s0 =	simm.s32 @!p0 $0x0  }
0x12: {  	s1 =	sld [smem:$0x3F99];
	s0 =	simm.s32 @p0 $0x1  }
0x13: {  	[smem:$0x3FB4] =	sst s0;
	s0 =	simm.s32 @!p1 $0x0  }
0x14: {  	s2 =	sld [smem:$0x3F98];
	s0 =	simm.s32 @p1 $0x1  }
0x15: {  	[smem:$0x3FB5] =	sst s0;
	s0 =	simm.s32 @!p2 $0x0  }
0x16: {  	s3 =	sld [smem:$0x3FDB];
	s0 =	simm.s32 @p2 $0x1  }
0x17: {  	s4 =	simm.s32 $0x1BF5;
	[smem:$0x3FB7] =	sst s0  }
0x18: {  	s0 =	sld [smem:$0x3F9A];
	_ =	swait.ge [sflag:s4], $0x0  }
0x19: {  	s7 =	sld [smem:$0x3F9B]  }
0x1a: {  	s8 =	sadd.s32 $0xFFFFE003, lr  }
0x1b: {  	s9 =	sadd.s32 $0xFFFFFEF7, lr;
	s5 =	simm.s32 $0xFFFFFFFF;
	p2 =	slt.u32 s8, $0xFFFFF086  }
0x1c: {  	p1 =	slt.u32 s9, $0xF7A;
	s5 =	simm.s32 @!p2 $0x0  }
0x1d: {  	s5 =	simm.s32 @p1 $0x1;
	p0 =	seq.s32 s7, s2  }
0x1e: {  	s7 =	smul.u32 @!p0 $0xF7A, s2;
	p2 =	seq.s32 @!p0 s5, $0x0  }
0x1f: {  	s9 =	smul.u32 $0xF7A, s1;
	s8 =	simm.s32 @!p0 $0x1BF5;
	p2 =	por !p2, p0  }
0x20: {  	[sflag:s8] =	ssyncset.s32 @!p0 $0xFFFFF086;
	s6 =	sadd.s32 @!p0 s3, s7;
	s7 =	simm.s32 @!p0 $0x108  }
0x21: {  	s3 =	sadd.s32 s3, s9;
	s6 =	sadd.s32 @!p0 $0x88, s6;
	s7 =	simm.s32 @p2 $0x1082  }
0x22: {  	[simem:s7], [sflag:s8] =	dma.local @!p0 [hbm:s6], $0xF7A  }
0x23: {  	s9 =	sor.u32 $0xD0000000, s2;
	s6 =	simm.s32 $0x108;
	_ =	swait.ge @!p0 [sflag:s8], $0x0  }
0x24: {  	s3 =	sadd.s32 $0x88, s3;
	s6 =	simm.s32 @!p1 $0x1082;
	[sflag:s4] =	ssyncset.s32 $0xFFFFF086  }
0x25: {  	[simem:s6], [sflag:s4] =	dma.local [hbm:s3], $0xF7A  }
0x26: {  	[smem:$0x3F9B] =	sst s1;
	(tag) =	ssettag s2;
	_ =	strace s9  }
0x27: {  	s1 =	sld [smem:$0x3FAB]  }
0x28: {  	s2 =	sld [smem:$0x3FAC]  }
0x29: {  	s4 =	sld [smem:$0x3FAE]  }
0x2a: {  	p0 =	seq.s32 s5, $0x0;
	s5 =	sld [smem:$0x3FAF]  }
0x2b: {  	s6 =	sld [smem:$0x3FB0]  }
0x2c: {  	s7 =	sld [smem:$0x3FB1]  }
0x2d: {  	s3 =	simm.s32 $0x108;
	s8 =	sld [smem:$0x3FB2]  }
0x2e: {  	s3 =	simm.s32 @!p0 $0x1082;
	s9 =	sld [smem:$0x3FB3]  }
0x2f: {  	lr =	sadd.s32 s0, s3;
	s0 =	sld [smem:$0x3FAA]  }
0x30: {  	s3 =	sld [smem:$0x3FAD]  }
0x31: {  	[smem:$0x3FB6] =	sst s10  }
0x32: {  	s10 =	sld [smem:$0x3FB4];
	_ =	sdelay $0x3  }
0x33: {  	p0 =	seq.s32 s10, $0x1;
	s10 =	sld [smem:$0x3FB6];
	_ =	sdelay $0x3  }
0x34: {  	[smem:$0x3FB6] =	sst s10  }
0x35: {  	s10 =	sld [smem:$0x3FB5];
	_ =	sdelay $0x3  }
0x36: {  	p1 =	seq.s32 s10, $0x1;
	s10 =	sld [smem:$0x3FB6];
	_ =	sdelay $0x3  }
0x37: {  	[smem:$0x3FB6] =	sst s10  }
0x38: {  	s10 =	sld [smem:$0x3FB7]  }
0x39: {  	_ = 	snop;
	(pc) =	sbr.ind lr, $3  }
0x3a: {  	_ = 	snop  }
0x3b: {  	_ = 	snop  }
0x3c: {  	p2 =	seq.s32 s10, $0x1;
	s10 =	sld [smem:$0x3FB6]  }
0x3d: {  	_ =	shalt  }
0x3e: {  	_ =	shalt  }
0x3f: {  	_ =	shalt  }
0x40: {  	_ =	shalt  }
0x41: {  	_ =	shalt  }
0x42: {  	_ =	shalt  }
0x43: {  	_ =	shalt  }
0x44: {  	_ =	shalt  }
0x45: {  	_ =	shalt  }
0x46: {  	_ =	shalt  }
0x47: {  	_ =	shalt  }
0x48: {  	_ =	shalt  }
0x49: {  	_ =	shalt  }
0x4a: {  	_ =	shalt  }
0x4b: {  	_ =	shalt  }
0x4c: {  	_ =	shalt  }
0x4d: {  	_ =	shalt  }
0x4e: {  	_ =	shalt  }
0x4f: {  	_ =	shalt  }
0x50: {  	_ =	shalt  }
0x51: {  	_ =	shalt  }
0x52: {  	_ =	shalt  }
0x53: {  	_ =	shalt  }
0x54: {  	_ =	shalt  }
0x55: {  	_ =	shalt  }
0x56: {  	_ =	shalt  }
0x57: {  	_ =	shalt  }
0x58: {  	_ =	shalt  }
0x59: {  	_ =	shalt  }
0x5a: {  	_ =	shalt  }
0x5b: {  	_ =	shalt  }
0x5c: {  	_ =	shalt  }
0x5d: {  	_ =	shalt  }
0x5e: {  	_ =	shalt  }
0x5f: {  	_ =	shalt  }
0x60: {  	_ =	shalt  }
0x61: {  	_ =	shalt  }
0x62: {  	_ =	shalt  }
0x63: {  	_ =	shalt  }
0x64: {  	_ =	shalt  }
0x65: {  	_ =	shalt  }
0x66: {  	_ =	shalt  }
0x67: {  	_ =	shalt  }
0x68: {  	_ =	shalt  }
0x69: {  	_ =	shalt  }
0x6a: {  	_ =	shalt  }
0x6b: {  	_ =	shalt  }
0x6c: {  	_ =	shalt  }
0x6d: {  	_ =	shalt  }
0x6e: {  	_ =	shalt  }
0x6f: {  	_ =	shalt  }
0x70: {  	_ =	shalt  }
0x71: {  	_ =	shalt  }
0x72: {  	_ =	shalt  }
0x73: {  	_ =	shalt  }
0x74: {  	_ =	shalt  }
0x75: {  	_ =	shalt  }
0x76: {  	_ =	shalt  }
0x77: {  	_ =	shalt  }
0x78: {  	_ =	shalt  }
0x79: {  	_ =	shalt  }
0x7a: {  	_ =	shalt  }
0x7b: {  	_ =	shalt  }
0x7c: {  	_ =	shalt  }
0x7d: {  	_ =	shalt  }
0x7e: {  	_ =	shalt  }
0x7f: {  	_ =	shalt  }
0x80: {  	_ =	shalt  }
0x81: {  	_ =	shalt  }
0x82: {  	_ =	shalt  }
0x83: {  	_ =	shalt  }
0x84: {  	_ =	shalt  }
0x85: {  	_ =	shalt  }
0x86: {  	_ =	shalt  }
0x87: {  	_ =	shalt  }
.Lfunc_end0:
.L_simem_size_0:
called_computation.1_lowered:
.L_overlay_start_0:
0x88: {  	s2 =	sld [smem:$0x3FD9]  }
0x89: {  	s3 =	sld [smem:$0x3FFE];
	_ =	sdelay $0x1  }
0x8a: {  	s1 =	srdreg.scid  }
0x8b: {  	s0 =	sand.u32 $0x1, s1  }
0x8c: {  	s17 =	sshll.u32 s0, $0xA;
	s2 =	sadd.s32 s3, s2  }
0x8d: {  	s2 =	sadd.s32 s2, s17  }
0x8e: {  	[smem:$0x3FC2] =	sst s2  }
0x8f: {  	_ = 	snop  }
0x90: {  	s2 =	sld [smem:$0x3FD0];
	(tm) =	ssettm $0x1  }
0x91: {  	s18 =	sld [smem:$0x3FFB];
	_ =	sdelay $0x3  }
0x92: {  	_ =	strace s18  }
0x93: {  	s3 =	sld [smem:$0x3FFC];
	_ =	sdelay $0x3  }
0x94: {  	_ =	strace s3  }
0x95: {  	s3 =	sld [smem:$0x3FFD];
	_ =	sdelay $0x3  }
0x96: {  	_ =	strace s3  }
0x97: {  	_ =	strace $0x8FFFFFFF  }
0x98: {  	s19 =	sld [smem:$0x3FDB];
	_ =	sdelay $0x1  }
0x99: {  	s4 =	simm.s32 $_scs_section_size  }
0x9a: {  	s5 =	simm.s32 $_size__tile_overlayer_lowered;
	s6 =	simm.s32 $_tile_overlayer_lowered  }
0x9b: {  	s22 =	simm.s32 $0x1BFF;
	s21 =	sshll.u32 s6, $0x1;
	s3 =	sadd.s32 s4, s19  }
0x9c: {  	s7 =	simm.s32 $0x0;
	s20 =	sshll.u32 s5, $0x1;
	s5 =	sadd.s32 s21, s3  }
0x9d: {  	[timem:s7], [sflag:s22] =	dma.local [hbm:s5], s20  }
0x9e: {  	_ =	swait.ge [sflag:s22], s20  }
0x9f: {  	s4 =	ssub.s32 $0x0, s20;
	[sflag:s22] =	ssyncset.done $0x0  }
0xa0: {  	[sflag:s22] =	ssyncadd.s32 s4;
	_ =	sdelay $0x1  }
0xa1: {  	s23 =	simm.s32 $0x1B8B  }
0xa2: {  	_ =	swait.ge [sflag:s23], $0x1  }
0xa3: {  	[sflag:s23] =	ssyncset.done $0x0  }
0xa4: {  	s25 =	simm.s32 $0x1B8E;
	s24 =	sld [smem:$0x3FFE];
	[sflag:s23] =	ssyncadd.s32 $0xFFFFFFFF  }
0xa5: {  	s26 =	simm.s32 $execute0_lowered;
	[smem:$0x3FD2] =	sst s25  }
0xa6: {  	s5 =	sshll.u32 s26, $0x1;
	_ =	strace $0x80000049;
	[dreg:$0x1] =	wrdreg $0xFFFFFFFF  }
0xa7: {  	s28 =	simm.s32 $_size_execute0_lowered;
	s3 =	sadd.s32 s3, s5;
	[dreg:$0x0] =	wrdreg $0x0  }
0xa8: {  	s5 =	sshll.u32 s28, $0x1;
	[dreg:$0x2] =	wrdreg s3  }
0xa9: {  	[dreg:$0x3] =	wrdreg s5  }
0xaa: {  	[dreg:$0x4] =	wrdreg $0xC0  }
0xab: {  	_ =	task [dreg:s7], $0x5FFFF  }
0xac: {  	[dreg:$0x1] =	wrdreg $0xFFFFFFFF  }
0xad: {  	[dreg:$0x0] =	wrdreg $0x60  }
0xae: {  	[dreg:$0x2] =	wrdreg s24  }
0xaf: {  	[dreg:$0x3] =	wrdreg s2  }
0xb0: {  	[dreg:$0x4] =	wrdreg $0xB4500  }
0xb1: {  	[dreg:$0x5] =	wrdreg $0x8D400  }
0xb2: {  	[dreg:$0x6] =	wrdreg $0x9  }
0xb3: {  	_ =	task.clear_ibuf [dreg:s7], $0x7FFFF;
	_ =	strace $0x90000049  }
0xb4: {  	s29 =	simm.s32 $0x9;
	_ =	strace $0x8000004B  }
0xb5: {  	_ =	swait.ge [sflag:s29], $0x1  }
0xb6: {  	[sflag:s29] =	ssyncadd.s32 $0xFFFFFFFF  }
0xb7: {  	_ =	strace $0x9000004B  }
0xb8: {  	_ =	sfence  }
0xb9: {  	s30 =	sld [smem:$0x0];
	_ =	sdelay $0x2  }
0xba: {  	s31 =	sshll.u32 s1, $0xD;
	s1 =	sshrl.u32 s1, $0x2  }
0xbb: {  	s3 =	sand.u32 $0x4000, s31;
	s1 =	sadd.s32 s1, s30  }
0xbc: {  	s0 =	sor.u32 s3, s0;
	s1 =	sshll.u32 s1, $0x11  }
0xbd: {  	s0 =	sor.u32 s1, s0  }
0xbe: {  	s0 =	sadd.s32 $0x8F2B, s0  }
0xbf: {  	[sflag:s0] =	ssyncadd.remote.s32 $0x1  }
0xc0: {  	_ =	sfence.sel $0xFFFF  }
0xc1: {  	[dreg:$0x0] =	wrdreg $0xFFFFFFFF;
	(pc) =	sbr.abs _section_cstart, $3  }
0xc2: {  	[dreg:$0x1] =	wrdreg $0xFFFFFFFF  }
0xc3: {  	_ =	task.clear_ibuf [dreg:s7], $0x2FFFF;
	_ =	strace $0x9FFFFFFF  }
0xc4: {  	(tm) =	ssettm $0x7FFFFFFF  }
0xc5: {  	_ =	shalt  }
tec
execute0_lowered:
.L_overlay_start_1:
0x0: {  	(tag) =	ssettag $0x1  }
0x1: {  	s1 =	rddreg [dreg:$0x0]  }
0x2: {  	s0 =	srdreg.scid;
	s4 =	rddreg [dreg:$0x1]  }
0x3: {  	s2 =	rddreg [dreg:$0x2];
	s19 =	stileid.u32  }
0x4: {  	s3 =	rddreg [dreg:$0x3];
	s30 =	simm.s32 $0x0;
	s22 =	simm.s32 $0x1F8  }
0x5: {  	s23 =	simm.s32 $0x3F0;
	s24 =	simm.s32 $0x2958;
	s25 =	simm.s32 $0x5E8  }
0x6: {  	s26 =	simm.s32 $0x2B50;
	[smem:$0x7FF] =	sst s30;
	s12 =	sadd.s32 $0x16800, s1  }
0x7: {  	s14 =	simm.s32 $0x3138;
	_ =	strace $0x8000004A;
	[dreg:$0x5] =	wrdreg s12  }
0x8: {  	s15 =	simm.s32 $0xDC8;
	s18 =	simm.s32 $0x3330;
	[dreg:$0xb] =	wrdreg s22  }
0x9: {  	s31 =	simm.s32 $0x2760;
	s29 =	simm.s32 $0x17A0;
	[dreg:$0xc] =	wrdreg s23  }
0xa: {  	s28 =	simm.s32 $0x3D08;
	s17 =	simm.s32 $0x2178;
	[dreg:$0xd] =	wrdreg s24  }
0xb: {  	p0 =	por $0x0, $0x0;
	s7 =	smul.u32 $0x2710, s19;
	[dreg:$0xe] =	wrdreg s25  }
0xc: {  	s5 =	sand.u32 $0x1, s0;
	s8 =	smul.u32 $0x2800, s19;
	[dreg:$0xf] =	wrdreg s26  }
0xd: {  	s13 =	sshll.u32 s19, $0x6;
	s6 =	sshll.u32 s5, $0x4;
	[dreg:$0x15] =	wrdreg s14  }
0xe: {  	s10 =	smul.u32 $0x28000, s5;
	s12 =	simm.s32 $0xBD0;
	[dreg:$0x16] =	wrdreg s15  }
0xf: {  	[dreg:$0x17] =	wrdreg s18;
	s22 =	simm.s32 $0x3720;
	s23 =	simm.s32 $0x13B0  }
0x10: {  	s24 =	simm.s32 $0x3918;
	s25 =	simm.s32 $0x15A8;
	[dreg:$0x14] =	wrdreg s12  }
0x11: {  	s26 =	simm.s32 $0x3B10;
	s18 =	simm.s32 $0x46E0;
	[dreg:$0x1b] =	wrdreg s22  }
0x12: {  	s15 =	simm.s32 $0x48D8;
	s14 =	simm.s32 $0x2568;
	[dreg:$0x1c] =	wrdreg s23  }
0x13: {  	s6 =	sor.u32 s19, s6;
	s9 =	sshrl.u32 s7, $0x3;
	[dreg:$0x1d] =	wrdreg s24  }
0x14: {  	s7 =	sadd.s32 s7, s3;
	s19 =	simm.s32 $0xFC0;
	[dreg:$0x1e] =	wrdreg s25  }
0x15: {  	[dreg:$0x1f] =	wrdreg s26;
	s26 =	simm.s32 $0x1998;
	s25 =	simm.s32 $0x3F00  }
0x16: {  	s24 =	simm.s32 $0x1B90;
	s23 =	simm.s32 $0x40F8;
	s22 =	simm.s32 $0x1D88  }
0x17: {  	s12 =	simm.s32 $0x4CC8;
	s6 =	smul.u32 $0x4EC, s6;
	s9 =	sadd.s32 s9, s1  }
0x18: {  	s10 =	sadd.s32 s8, s10;
	s21 =	sshrl.u32 s7, $0x3;
	[dreg:$0x18] =	wrdreg s19  }
0x19: {  	s7 =	simm.s32 $0x2D48;
	s19 =	simm.s32 $0x44E8;
	[dreg:$0x9] =	wrdreg s21  }
0x1a: {  	s9 =	sadd.s32 $0x16E00, s9;
	s10 =	sshrl.u32 s10, $0x3;
	[dreg:$0x11] =	wrdreg s7  }
0x1b: {  	s21 =	simm.s32 $0x11B8;
	s7 =	simm.s32 $0x1F4;
	s11 =	sadd.s32 s6, s1  }
0x1c: {  	[dreg:$0x6] =	wrdreg s9;
	s4 =	sadd.s32 s4, s10;
	s1 =	sadd.s32 $0xC980, s1  }
0x1d: {  	s9 =	simm.s32 $0x9D8;
	s10 =	simm.s32 $0x2F40;
	[dreg:$0x1a] =	wrdreg s21  }
0x1e: {  	s21 =	simm.s32 $0x42F0;
	s1 =	sadd.s32 s6, s1;
	s6 =	ssub.s32 $0x2, s5  }
0x1f: {  	s20 =	sadd.s32 $0x2C00, s11;
	[dreg:$0x8] =	wrdreg s4;
	s5 =	sshrl.u32 s6, $0x1  }
0x20: {  	s4 =	simm.s32 $0x7E0;
	[dreg:$0x12] =	wrdreg s9;
	s5 =	ssub.s32 s6, s5  }
0x21: {  	s11 =	sadd.s32 s8, s2;
	[dreg:$0x13] =	wrdreg s10;
	s16 =	smax.u32 s5, $0x1  }
0x22: {  	s10 =	simm.s32 $0x4EC0;
	[dreg:$0x7] =	wrdreg s20;
	p1 =	sne.s32 s16, $0x1  }
.Ltmp0:
0x23: {  	s8 =	simm.s32 $0x6E00;
	[dreg:$0xa] =	wrdreg s1;
	(pc) =	sbr.rel @!p1 .LBB2_3-.Ltmp0, $4  }
0x24: {  	s9 =	simm.s32 $0x2;
	[dreg:$0x10] =	wrdreg s4;
	s4 =	sor.u32 $0x1C03, s13  }
0x25: {  	s20 =	simm.s32 $0x3528;
	s13 =	simm.s32 $0x4AD0;
	s6 =	simm.s32 $0x3  }
0x26: {  	[dreg:$0x19] =	wrdreg s20;
	s20 =	simm.s32 $0x1F80;
	s5 =	sshrl.u32 s11, $0x3  }
0x27: {  	s11 =	simm.s32 $0x1;
	s0 =	sadd.s32 $0xFFFFFFFF, s16;
	s16 =	simm.s32 $0x2370  }
0x28: {  	[smem:$0x7FD] =	sst s0  }
0x29: {  	s1 =	rddreg [dreg:$0x5]  }
0x2a: {  	[spmem:s5], [sflag:s4] =	dma.local [hbm:s1], $0x500  }
0x2b: {  	_ =	swait.ge [sflag:s6], $0x500  }
0x2c: {  	s0 =	rddreg [dreg:$0x6];
	[sflag:s6] =	ssyncset.done $0x0  }
0x2d: {  	s1 =	rddreg [dreg:$0x9];
	[sflag:s6] =	ssyncadd.s32 $0xFFFFFB00  }
0x2e: {  	[spmem:s1], [sflag:s4] =	dma.local [hbm:s0], $0x4E2  }
0x2f: {  	_ =	swait.ge [sflag:s6], $0x4E2  }
0x30: {  	[sflag:s6] =	ssyncset.done $0x0  }
0x31: {  	s1 =	rddreg [dreg:$0x7];
	[sflag:s6] =	ssyncadd.s32 $0xFFFFFB1E  }
0x32: {  	[tilespmem:s30], [sflag:$0x3] =	stream.linear.gather [hbm4b:s1+s30], $0x2760, $0x38;
	[tilespmem:$0xDC50] =	vst v63  }
0x33: {  	_ =	swait.ge [sflag:s6], $0x2760  }
0x34: {  	[sflag:s6] =	ssyncset.done $0x0  }
0x35: {  	s1 =	rddreg [dreg:$0xa];
	[sflag:s6] =	ssyncadd.s32 $0xFFFFD8A0  }
0x36: {  	[tilespmem:s31], [sflag:$0x3] =	stream.linear.gather [hbm4b:s1+s30], $0x2760, $0x38;
	[tilespmem:$0xDC50] =	vst v63  }
0x37: {  	_ =	swait.ge [sflag:s6], $0x2760  }
0x38: {  	[sflag:s6] =	ssyncset.done $0x0  }
0x39: {  	[sflag:s6] =	ssyncadd.s32 $0xFFFFD8A0  }
0x3a: {  	[bflag:$0x0] =	sbarrier.arrive $0xFFFF  }
0x3b: {  	[tilespmem:s10], [sflag:$0x1] =	stream.indirect.gather [spmem:s3], $0x10, s30, s7, $0xb8;
	[tilespmem:$0xDC50] =	vst v63  }
0x3c: {  	s1 =	rddreg [dreg:$0xb]  }
0x3d: {  	[tilespmem:s8], [sflag:$0x2] =	stream.indirect.gather [spmem:s3], $0x10, s1, s7, $0xb8;
	[tilespmem:$0xDC50] =	vst v63  }
0x3e: {  	_ =	swait.ge [sflag:s11], $0x1F40  }
0x3f: {  	[sflag:s11] =	ssyncset.done $0x0  }
0x40: {  	[sflag:s11] =	ssyncadd.s32 $0xFFFFE0C0  }
0x41: {  	[spmem:s2] =	stream.indirect.scatter.add.f32 [tilespmem:s10], [sflag:$0x1], $0x10, s31, s7, $0xb8;
	[tilespmem:$0xDC50] =	vst v63  }
0x42: {  	_ =	swait.ge [sflag:s11], $0x1F40  }
0x43: {  	[sflag:s11] =	ssyncset.done $0x0  }
0x44: {  	s1 =	rddreg [dreg:$0xc];
	[sflag:s11] =	ssyncadd.s32 $0xFFFFE0C0  }
0x45: {  	[tilespmem:s10], [sflag:$0x1] =	stream.indirect.gather [spmem:s3], $0x10, s1, s7, $0xb8;
	[tilespmem:$0xDC50] =	vst v63  }
0x46: {  	_ =	swait.ge [sflag:s9], $0x1F40  }
0x47: {  	[sflag:s9] =	ssyncset.done $0x0  }
0x48: {  	s1 =	rddreg [dreg:$0xd];
	[sflag:s9] =	ssyncadd.s32 $0xFFFFE0C0  }
0x49: {  	[spmem:s2] =	stream.indirect.scatter.add.f32 [tilespmem:s8], [sflag:$0x2], $0x10, s1, s7, $0xb8;
	[tilespmem:$0xDC50] =	vst v63  }
0x4a: {  	_ =	swait.ge [sflag:s9], $0x1F40  }
0x4b: {  	[sflag:s9] =	ssyncset.done $0x0  }
0x4c: {  	s1 =	rddreg [dreg:$0xe];
	[sflag:s9] =	ssyncadd.s32 $0xFFFFE0C0  }
0x4d: {  	[tilespmem:s8], [sflag:$0x2] =	stream.indirect.gather [spmem:s3], $0x10, s1, s7, $0xb8;
	[tilespmem:$0xDC50] =	vst v63  }
0x4e: {  	_ =	swait.ge [sflag:s11], $0x1F40  }
0x4f: {  	[sflag:s11] =	ssyncset.done $0x0  }
0x50: {  	s1 =	rddreg [dreg:$0xf];
	[sflag:s11] =	ssyncadd.s32 $0xFFFFE0C0  }
0x51: {  	[spmem:s2] =	stream.indirect.scatter.add.f32 [tilespmem:s10], [sflag:$0x1], $0x10, s1, s7, $0xb8;
	[tilespmem:$0xDC50] =	vst v63  }
0x52: {  	_ =	swait.ge [sflag:s11], $0x1F40  }
0x53: {  	[sflag:s11] =	ssyncset.done $0x0  }
0x54: {  	s1 =	rddreg [dreg:$0x10];
	[sflag:s11] =	ssyncadd.s32 $0xFFFFE0C0  }
0x55: {  	[tilespmem:s10], [sflag:$0x1] =	stream.indirect.gather [spmem:s3], $0x10, s1, s7, $0xb8;
	[tilespmem:$0xDC50] =	vst v63  }
0x56: {  	_ =	swait.ge [sflag:s9], $0x1F40  }
0x57: {  	[sflag:s9] =	ssyncset.done $0x0  }
0x58: {  	s1 =	rddreg [dreg:$0x11];
	[sflag:s9] =	ssyncadd.s32 $0xFFFFE0C0  }
0x59: {  	[spmem:s2] =	stream.indirect.scatter.add.f32 [tilespmem:s8], [sflag:$0x2], $0x10, s1, s7, $0xb8;
	[tilespmem:$0xDC50] =	vst v63  }
0x5a: {  	_ =	swait.ge [sflag:s9], $0x1F40  }
0x5b: {  	[sflag:s9] =	ssyncset.done $0x0  }
0x5c: {  	s1 =	rddreg [dreg:$0x12];
	[sflag:s9] =	ssyncadd.s32 $0xFFFFE0C0  }
0x5d: {  	[tilespmem:s8], [sflag:$0x2] =	stream.indirect.gather [spmem:s3], $0x10, s1, s7, $0xb8;
	[tilespmem:$0xDC50] =	vst v63  }
0x5e: {  	_ =	swait.ge [sflag:s11], $0x1F40  }
0x5f: {  	[sflag:s11] =	ssyncset.done $0x0  }
0x60: {  	s1 =	rddreg [dreg:$0x13];
	[sflag:s11] =	ssyncadd.s32 $0xFFFFE0C0  }
0x61: {  	[spmem:s2] =	stream.indirect.scatter.add.f32 [tilespmem:s10], [sflag:$0x1], $0x10, s1, s7, $0xb8;
	[tilespmem:$0xDC50] =	vst v63  }
0x62: {  	_ =	swait.ge [sflag:s11], $0x1F40  }
0x63: {  	[sflag:s11] =	ssyncset.done $0x0  }
0x64: {  	s1 =	rddreg [dreg:$0x14];
	[sflag:s11] =	ssyncadd.s32 $0xFFFFE0C0  }
0x65: {  	[tilespmem:s10], [sflag:$0x1] =	stream.indirect.gather [spmem:s3], $0x10, s1, s7, $0xb8;
	[tilespmem:$0xDC50] =	vst v63  }
0x66: {  	_ =	swait.ge [sflag:s9], $0x1F40  }
0x67: {  	[sflag:s9] =	ssyncset.done $0x0  }
0x68: {  	s1 =	rddreg [dreg:$0x15];
	[sflag:s9] =	ssyncadd.s32 $0xFFFFE0C0  }
0x69: {  	[spmem:s2] =	stream.indirect.scatter.add.f32 [tilespmem:s8], [sflag:$0x2], $0x10, s1, s7, $0xb8;
	[tilespmem:$0xDC50] =	vst v63  }
0x6a: {  	_ =	swait.ge [sflag:s9], $0x1F40  }
0x6b: {  	[sflag:s9] =	ssyncset.done $0x0  }
0x6c: {  	s1 =	rddreg [dreg:$0x16];
	[sflag:s9] =	ssyncadd.s32 $0xFFFFE0C0  }
0x6d: {  	[tilespmem:s8], [sflag:$0x2] =	stream.indirect.gather [spmem:s3], $0x10, s1, s7, $0xb8;
	[tilespmem:$0xDC50] =	vst v63  }
0x6e: {  	_ =	swait.ge [sflag:s11], $0x1F40  }
0x6f: {  	[sflag:s11] =	ssyncset.done $0x0  }
0x70: {  	s1 =	rddreg [dreg:$0x17];
	[sflag:s11] =	ssyncadd.s32 $0xFFFFE0C0  }
0x71: {  	[spmem:s2] =	stream.indirect.scatter.add.f32 [tilespmem:s10], [sflag:$0x1], $0x10, s1, s7, $0xb8;
	[tilespmem:$0xDC50] =	vst v63  }
0x72: {  	_ =	swait.ge [sflag:s11], $0x1F40  }
0x73: {  	[sflag:s11] =	ssyncset.done $0x0  }
0x74: {  	s1 =	rddreg [dreg:$0x18];
	[sflag:s11] =	ssyncadd.s32 $0xFFFFE0C0  }
0x75: {  	[tilespmem:s10], [sflag:$0x1] =	stream.indirect.gather [spmem:s3], $0x10, s1, s7, $0xb8;
	[tilespmem:$0xDC50] =	vst v63  }
0x76: {  	_ =	swait.ge [sflag:s9], $0x1F40  }
0x77: {  	[sflag:s9] =	ssyncset.done $0x0  }
0x78: {  	s1 =	rddreg [dreg:$0x19];
	[sflag:s9] =	ssyncadd.s32 $0xFFFFE0C0  }
0x79: {  	[spmem:s2] =	stream.indirect.scatter.add.f32 [tilespmem:s8], [sflag:$0x2], $0x10, s1, s7, $0xb8;
	[tilespmem:$0xDC50] =	vst v63  }
0x7a: {  	_ =	swait.ge [sflag:s9], $0x1F40  }
0x7b: {  	[sflag:s9] =	ssyncset.done $0x0  }
0x7c: {  	s1 =	rddreg [dreg:$0x1a];
	[sflag:s9] =	ssyncadd.s32 $0xFFFFE0C0  }
0x7d: {  	[tilespmem:s8], [sflag:$0x2] =	stream.indirect.gather [spmem:s3], $0x10, s1, s7, $0xb8;
	[tilespmem:$0xDC50] =	vst v63  }
0x7e: {  	_ =	swait.ge [sflag:s11], $0x1F40  }
0x7f: {  	[sflag:s11] =	ssyncset.done $0x0  }
0x80: {  	s1 =	rddreg [dreg:$0x1b];
	[sflag:s11] =	ssyncadd.s32 $0xFFFFE0C0  }
0x81: {  	[spmem:s2] =	stream.indirect.scatter.add.f32 [tilespmem:s10], [sflag:$0x1], $0x10, s1, s7, $0xb8;
	[tilespmem:$0xDC50] =	vst v63  }
0x82: {  	_ =	swait.ge [sflag:s11], $0x1F40  }
0x83: {  	[sflag:s11] =	ssyncset.done $0x0  }
0x84: {  	s1 =	rddreg [dreg:$0x1c];
	[sflag:s11] =	ssyncadd.s32 $0xFFFFE0C0  }
0x85: {  	[tilespmem:s10], [sflag:$0x1] =	stream.indirect.gather [spmem:s3], $0x10, s1, s7, $0xb8;
	[tilespmem:$0xDC50] =	vst v63  }
0x86: {  	_ =	swait.ge [sflag:s9], $0x1F40  }
0x87: {  	[sflag:s9] =	ssyncset.done $0x0  }
0x88: {  	s1 =	rddreg [dreg:$0x1d];
	[sflag:s9] =	ssyncadd.s32 $0xFFFFE0C0  }
0x89: {  	[spmem:s2] =	stream.indirect.scatter.add.f32 [tilespmem:s8], [sflag:$0x2], $0x10, s1, s7, $0xb8;
	[tilespmem:$0xDC50] =	vst v63  }
0x8a: {  	_ =	swait.ge [sflag:s9], $0x1F40  }
0x8b: {  	[sflag:s9] =	ssyncset.done $0x0  }
0x8c: {  	s1 =	rddreg [dreg:$0x1e];
	[sflag:s9] =	ssyncadd.s32 $0xFFFFE0C0  }
0x8d: {  	[tilespmem:s8], [sflag:$0x2] =	stream.indirect.gather [spmem:s3], $0x10, s1, s7, $0xb8;
	[tilespmem:$0xDC50] =	vst v63  }
0x8e: {  	_ =	swait.ge [sflag:s11], $0x1F40  }
0x8f: {  	[sflag:s11] =	ssyncset.done $0x0  }
0x90: {  	s1 =	rddreg [dreg:$0x1f];
	[sflag:s11] =	ssyncadd.s32 $0xFFFFE0C0  }
0x91: {  	[spmem:s2] =	stream.indirect.scatter.add.f32 [tilespmem:s10], [sflag:$0x1], $0x10, s1, s7, $0xb8;
	[tilespmem:$0xDC50] =	vst v63  }
0x92: {  	_ =	swait.ge [sflag:s11], $0x1F40  }
0x93: {  	[sflag:s11] =	ssyncset.done $0x0  }
0x94: {  	[sflag:s11] =	ssyncadd.s32 $0xFFFFE0C0  }
0x95: {  	[tilespmem:s10], [sflag:$0x1] =	stream.indirect.gather [spmem:s3], $0x10, s29, s7, $0xb8;
	[tilespmem:$0xDC50] =	vst v63  }
0x96: {  	_ =	swait.ge [sflag:s9], $0x1F40  }
0x97: {  	[sflag:s9] =	ssyncset.done $0x0  }
0x98: {  	[sflag:s9] =	ssyncadd.s32 $0xFFFFE0C0  }
0x99: {  	[spmem:s2] =	stream.indirect.scatter.add.f32 [tilespmem:s8], [sflag:$0x2], $0x10, s28, s7, $0xb8;
	[tilespmem:$0xDC50] =	vst v63  }
0x9a: {  	_ =	swait.ge [sflag:s9], $0x1F40  }
0x9b: {  	[sflag:s9] =	ssyncset.done $0x0  }
0x9c: {  	[sflag:s9] =	ssyncadd.s32 $0xFFFFE0C0  }
0x9d: {  	[tilespmem:s8], [sflag:$0x2] =	stream.indirect.gather [spmem:s3], $0x10, s26, s7, $0xb8;
	[tilespmem:$0xDC50] =	vst v63  }
0x9e: {  	_ =	swait.ge [sflag:s11], $0x1F40  }
0x9f: {  	[sflag:s11] =	ssyncset.done $0x0  }
0xa0: {  	[sflag:s11] =	ssyncadd.s32 $0xFFFFE0C0  }
0xa1: {  	[spmem:s2] =	stream.indirect.scatter.add.f32 [tilespmem:s10], [sflag:$0x1], $0x10, s25, s7, $0xb8;
	[tilespmem:$0xDC50] =	vst v63  }
0xa2: {  	_ =	swait.ge [sflag:s11], $0x1F40  }
0xa3: {  	[sflag:s11] =	ssyncset.done $0x0  }
0xa4: {  	[sflag:s11] =	ssyncadd.s32 $0xFFFFE0C0  }
0xa5: {  	[tilespmem:s10], [sflag:$0x1] =	stream.indirect.gather [spmem:s3], $0x10, s24, s7, $0xb8;
	[tilespmem:$0xDC50] =	vst v63  }
0xa6: {  	_ =	swait.ge [sflag:s9], $0x1F40  }
0xa7: {  	[sflag:s9] =	ssyncset.done $0x0  }
0xa8: {  	[sflag:s9] =	ssyncadd.s32 $0xFFFFE0C0  }
0xa9: {  	[spmem:s2] =	stream.indirect.scatter.add.f32 [tilespmem:s8], [sflag:$0x2], $0x10, s23, s7, $0xb8;
	[tilespmem:$0xDC50] =	vst v63  }
0xaa: {  	_ =	swait.ge [sflag:s9], $0x1F40  }
0xab: {  	[sflag:s9] =	ssyncset.done $0x0  }
0xac: {  	[sflag:s9] =	ssyncadd.s32 $0xFFFFE0C0  }
0xad: {  	[tilespmem:s8], [sflag:$0x2] =	stream.indirect.gather [spmem:s3], $0x10, s22, s7, $0xb8;
	[tilespmem:$0xDC50] =	vst v63  }
0xae: {  	_ =	swait.ge [sflag:s11], $0x1F40  }
0xaf: {  	[sflag:s11] =	ssyncset.done $0x0  }
0xb0: {  	[sflag:s11] =	ssyncadd.s32 $0xFFFFE0C0  }
0xb1: {  	[spmem:s2] =	stream.indirect.scatter.add.f32 [tilespmem:s10], [sflag:$0x1], $0x10, s21, s7, $0xb8;
	[tilespmem:$0xDC50] =	vst v63  }
0xb2: {  	_ =	swait.ge [sflag:s11], $0x1F40  }
0xb3: {  	[sflag:s11] =	ssyncset.done $0x0  }
0xb4: {  	[sflag:s11] =	ssyncadd.s32 $0xFFFFE0C0  }
0xb5: {  	[tilespmem:s10], [sflag:$0x1] =	stream.indirect.gather [spmem:s3], $0x10, s20, s7, $0xb8;
	[tilespmem:$0xDC50] =	vst v63  }
0xb6: {  	_ =	swait.ge [sflag:s9], $0x1F40  }
0xb7: {  	[sflag:s9] =	ssyncset.done $0x0  }
0xb8: {  	[sflag:s9] =	ssyncadd.s32 $0xFFFFE0C0  }
0xb9: {  	[spmem:s2] =	stream.indirect.scatter.add.f32 [tilespmem:s8], [sflag:$0x2], $0x10, s19, s7, $0xb8;
	[tilespmem:$0xDC50] =	vst v63  }
0xba: {  	_ =	swait.ge [sflag:s9], $0x1F40  }
0xbb: {  	[sflag:s9] =	ssyncset.done $0x0  }
0xbc: {  	[sflag:s9] =	ssyncadd.s32 $0xFFFFE0C0  }
0xbd: {  	[tilespmem:s8], [sflag:$0x2] =	stream.indirect.gather [spmem:s3], $0x10, s17, s7, $0xb8;
	[tilespmem:$0xDC50] =	vst v63  }
0xbe: {  	_ =	swait.ge [sflag:s11], $0x1F40  }
0xbf: {  	[sflag:s11] =	ssyncset.done $0x0  }
0xc0: {  	[sflag:s11] =	ssyncadd.s32 $0xFFFFE0C0  }
0xc1: {  	[spmem:s2] =	stream.indirect.scatter.add.f32 [tilespmem:s10], [sflag:$0x1], $0x10, s18, s7, $0xb8;
	[tilespmem:$0xDC50] =	vst v63  }
0xc2: {  	_ =	swait.ge [sflag:s11], $0x1F40  }
0xc3: {  	[sflag:s11] =	ssyncset.done $0x0  }
0xc4: {  	[sflag:s11] =	ssyncadd.s32 $0xFFFFE0C0  }
0xc5: {  	[tilespmem:s10], [sflag:$0x1] =	stream.indirect.gather [spmem:s3], $0x10, s16, s7, $0xb8;
	[tilespmem:$0xDC50] =	vst v63  }
0xc6: {  	_ =	swait.ge [sflag:s9], $0x1F40  }
0xc7: {  	[sflag:s9] =	ssyncset.done $0x0  }
0xc8: {  	[sflag:s9] =	ssyncadd.s32 $0xFFFFE0C0  }
0xc9: {  	[spmem:s2] =	stream.indirect.scatter.add.f32 [tilespmem:s8], [sflag:$0x2], $0x10, s15, s7, $0xb8;
	[tilespmem:$0xDC50] =	vst v63  }
0xca: {  	_ =	swait.ge [sflag:s9], $0x1F40  }
0xcb: {  	[sflag:s9] =	ssyncset.done $0x0  }
0xcc: {  	[sflag:s9] =	ssyncadd.s32 $0xFFFFE0C0  }
0xcd: {  	[tilespmem:s8], [sflag:$0x2] =	stream.indirect.gather [spmem:s3], $0x10, s14, s7, $0xb8;
	[tilespmem:$0xDC50] =	vst v63  }
0xce: {  	_ =	swait.ge [sflag:s11], $0x1F40  }
0xcf: {  	[sflag:s11] =	ssyncset.done $0x0  }
0xd0: {  	[sflag:s11] =	ssyncadd.s32 $0xFFFFE0C0  }
0xd1: {  	[spmem:s2] =	stream.indirect.scatter.add.f32 [tilespmem:s10], [sflag:$0x1], $0x10, s13, s7, $0xb8;
	[tilespmem:$0xDC50] =	vst v63  }
0xd2: {  	_ =	swait.ge [sflag:s11], $0x1F40  }
0xd3: {  	[sflag:s11] =	ssyncset.done $0x0  }
0xd4: {  	[sflag:s11] =	ssyncadd.s32 $0xFFFFE0C0  }
0xd5: {  	_ =	swait.ge [sflag:s9], $0x1F40  }
0xd6: {  	[sflag:s9] =	ssyncset.done $0x0  }
0xd7: {  	[sflag:s9] =	ssyncadd.s32 $0xFFFFE0C0  }
0xd8: {  	[spmem:s2] =	stream.indirect.scatter.add.f32 [tilespmem:s8], [sflag:$0x2], $0x10, s12, s7, $0xb8;
	[tilespmem:$0xDC50] =	vst v63  }
0xd9: {  	_ =	swait.ge [sflag:s9], $0x1F40  }
0xda: {  	[sflag:s9] =	ssyncset.done $0x0  }
0xdb: {  	[sflag:s9] =	ssyncadd.s32 $0xFFFFE0C0  }
0xdc: {  	[bflag:$0x0] =	sbarrier.arrive $0xFFFF  }
0xdd: {  	s1 =	rddreg [dreg:$0x8]  }
0xde: {  	[hbm:s1], [sflag:s4] =	dma.local [spmem:s5], $0x500  }
0xdf: {  	s0 =	sld [smem:$0x7FD];
	_ =	sdelay $0x2  }
0xe0: {  	p1 =	sne.s32 s0, $0x1  }
.Ltmp1:
0xe1: {  	_ = 	snop;
	(pc) =	sbr.rel @!p1 .LBB2_3-.Ltmp1, $2  }
0xe2: {  	_ =	sdelay $0x2  }
0xe3: {  	p0 =	por $0x1, $0x1;
	_ =	swait.ge [sflag:s6], $0x500;
	s1 =	sadd.s32 $0xFFFFFFFF, s0  }
.LBB2_2:
0xe4: {  	[sflag:s6] =	ssyncset.done $0x0  }
0xe5: {  	s0 =	rddreg [dreg:$0x5];
	[sflag:s6] =	ssyncadd.s32 $0xFFFFFB00  }
0xe6: {  	[spmem:s5], [sflag:s4] =	dma.local [hbm:s0], $0x500  }
0xe7: {  	_ =	swait.ge [sflag:s6], $0x500  }
0xe8: {  	[sflag:s6] =	ssyncset.done $0x0;
	s0 =	rddreg [dreg:$0x6]  }
0xe9: {  	s12 =	rddreg [dreg:$0x9];
	[sflag:s6] =	ssyncadd.s32 $0xFFFFFB00  }
0xea: {  	[spmem:s12], [sflag:s4] =	dma.local [hbm:s0], $0x4E2  }
0xeb: {  	_ =	swait.ge [sflag:s6], $0x4E2  }
0xec: {  	[sflag:s6] =	ssyncset.done $0x0  }
0xed: {  	s0 =	rddreg [dreg:$0x7];
	[sflag:s6] =	ssyncadd.s32 $0xFFFFFB1E  }
0xee: {  	[tilespmem:s30], [sflag:$0x3] =	stream.linear.gather [hbm4b:s0+s30], $0x2760, $0x38;
	[tilespmem:$0xDC50] =	vst v63  }
0xef: {  	_ =	swait.ge [sflag:s6], $0x2760  }
0xf0: {  	[sflag:s6] =	ssyncset.done $0x0  }
0xf1: {  	s0 =	rddreg [dreg:$0xa];
	[sflag:s6] =	ssyncadd.s32 $0xFFFFD8A0  }
0xf2: {  	[tilespmem:s31], [sflag:$0x3] =	stream.linear.gather [hbm4b:s0+s30], $0x2760, $0x38;
	[tilespmem:$0xDC50] =	vst v63  }
0xf3: {  	_ =	swait.ge [sflag:s6], $0x2760  }
0xf4: {  	[sflag:s6] =	ssyncset.done $0x0  }
0xf5: {  	[sflag:s6] =	ssyncadd.s32 $0xFFFFD8A0  }
0xf6: {  	[bflag:$0x0] =	sbarrier.arrive $0xFFFF  }
0xf7: {  	[tilespmem:s10], [sflag:$0x1] =	stream.indirect.gather [spmem:s3], $0x10, s30, s7, $0xb8;
	[tilespmem:$0xDC50] =	vst v63  }
0xf8: {  	s0 =	rddreg [dreg:$0xb]  }
0xf9: {  	[tilespmem:s8], [sflag:$0x2] =	stream.indirect.gather [spmem:s3], $0x10, s0, s7, $0xb8;
	[tilespmem:$0xDC50] =	vst v63  }
0xfa: {  	_ =	swait.ge [sflag:s11], $0x1F40  }
0xfb: {  	[sflag:s11] =	ssyncset.done $0x0  }
0xfc: {  	[sflag:s11] =	ssyncadd.s32 $0xFFFFE0C0  }
0xfd: {  	[spmem:s2] =	stream.indirect.scatter.add.f32 [tilespmem:s10], [sflag:$0x1], $0x10, s31, s7, $0xb8;
	[tilespmem:$0xDC50] =	vst v63  }
0xfe: {  	_ =	swait.ge [sflag:s11], $0x1F40  }
0xff: {  	[sflag:s11] =	ssyncset.done $0x0  }
0x100: {  	s0 =	rddreg [dreg:$0xc];
	[sflag:s11] =	ssyncadd.s32 $0xFFFFE0C0  }
0x101: {  	[tilespmem:s10], [sflag:$0x1] =	stream.indirect.gather [spmem:s3], $0x10, s0, s7, $0xb8;
	[tilespmem:$0xDC50] =	vst v63  }
0x102: {  	_ =	swait.ge [sflag:s9], $0x1F40  }
0x103: {  	[sflag:s9] =	ssyncset.done $0x0  }
0x104: {  	s0 =	rddreg [dreg:$0xd];
	[sflag:s9] =	ssyncadd.s32 $0xFFFFE0C0  }
0x105: {  	[spmem:s2] =	stream.indirect.scatter.add.f32 [tilespmem:s8], [sflag:$0x2], $0x10, s0, s7, $0xb8;
	[tilespmem:$0xDC50] =	vst v63  }
0x106: {  	_ =	swait.ge [sflag:s9], $0x1F40  }
0x107: {  	[sflag:s9] =	ssyncset.done $0x0  }
0x108: {  	s0 =	rddreg [dreg:$0xe];
	[sflag:s9] =	ssyncadd.s32 $0xFFFFE0C0  }
0x109: {  	[tilespmem:s8], [sflag:$0x2] =	stream.indirect.gather [spmem:s3], $0x10, s0, s7, $0xb8;
	[tilespmem:$0xDC50] =	vst v63  }
0x10a: {  	_ =	swait.ge [sflag:s11], $0x1F40  }
0x10b: {  	[sflag:s11] =	ssyncset.done $0x0  }
0x10c: {  	s0 =	rddreg [dreg:$0xf];
	[sflag:s11] =	ssyncadd.s32 $0xFFFFE0C0  }
0x10d: {  	[spmem:s2] =	stream.indirect.scatter.add.f32 [tilespmem:s10], [sflag:$0x1], $0x10, s0, s7, $0xb8;
	[tilespmem:$0xDC50] =	vst v63  }
0x10e: {  	_ =	swait.ge [sflag:s11], $0x1F40  }
0x10f: {  	[sflag:s11] =	ssyncset.done $0x0  }
0x110: {  	s0 =	rddreg [dreg:$0x10];
	[sflag:s11] =	ssyncadd.s32 $0xFFFFE0C0  }
0x111: {  	[tilespmem:s10], [sflag:$0x1] =	stream.indirect.gather [spmem:s3], $0x10, s0, s7, $0xb8;
	[tilespmem:$0xDC50] =	vst v63  }
0x112: {  	_ =	swait.ge [sflag:s9], $0x1F40  }
0x113: {  	[sflag:s9] =	ssyncset.done $0x0  }
0x114: {  	s0 =	rddreg [dreg:$0x11];
	[sflag:s9] =	ssyncadd.s32 $0xFFFFE0C0  }
0x115: {  	[spmem:s2] =	stream.indirect.scatter.add.f32 [tilespmem:s8], [sflag:$0x2], $0x10, s0, s7, $0xb8;
	[tilespmem:$0xDC50] =	vst v63  }
0x116: {  	_ =	swait.ge [sflag:s9], $0x1F40  }
0x117: {  	[sflag:s9] =	ssyncset.done $0x0  }
0x118: {  	s0 =	rddreg [dreg:$0x12];
	[sflag:s9] =	ssyncadd.s32 $0xFFFFE0C0  }
0x119: {  	[tilespmem:s8], [sflag:$0x2] =	stream.indirect.gather [spmem:s3], $0x10, s0, s7, $0xb8;
	[tilespmem:$0xDC50] =	vst v63  }
0x11a: {  	_ =	swait.ge [sflag:s11], $0x1F40  }
0x11b: {  	[sflag:s11] =	ssyncset.done $0x0  }
0x11c: {  	s0 =	rddreg [dreg:$0x13];
	[sflag:s11] =	ssyncadd.s32 $0xFFFFE0C0  }
0x11d: {  	[spmem:s2] =	stream.indirect.scatter.add.f32 [tilespmem:s10], [sflag:$0x1], $0x10, s0, s7, $0xb8;
	[tilespmem:$0xDC50] =	vst v63  }
0x11e: {  	_ =	swait.ge [sflag:s11], $0x1F40  }
0x11f: {  	[sflag:s11] =	ssyncset.done $0x0  }
0x120: {  	s0 =	rddreg [dreg:$0x14];
	[sflag:s11] =	ssyncadd.s32 $0xFFFFE0C0  }
0x121: {  	[tilespmem:s10], [sflag:$0x1] =	stream.indirect.gather [spmem:s3], $0x10, s0, s7, $0xb8;
	[tilespmem:$0xDC50] =	vst v63  }
0x122: {  	_ =	swait.ge [sflag:s9], $0x1F40  }
0x123: {  	[sflag:s9] =	ssyncset.done $0x0  }
0x124: {  	s0 =	rddreg [dreg:$0x15];
	[sflag:s9] =	ssyncadd.s32 $0xFFFFE0C0  }
0x125: {  	[spmem:s2] =	stream.indirect.scatter.add.f32 [tilespmem:s8], [sflag:$0x2], $0x10, s0, s7, $0xb8;
	[tilespmem:$0xDC50] =	vst v63  }
0x126: {  	_ =	swait.ge [sflag:s9], $0x1F40  }
0x127: {  	[sflag:s9] =	ssyncset.done $0x0  }
0x128: {  	s0 =	rddreg [dreg:$0x16];
	[sflag:s9] =	ssyncadd.s32 $0xFFFFE0C0  }
0x129: {  	[tilespmem:s8], [sflag:$0x2] =	stream.indirect.gather [spmem:s3], $0x10, s0, s7, $0xb8;
	[tilespmem:$0xDC50] =	vst v63  }
0x12a: {  	_ =	swait.ge [sflag:s11], $0x1F40  }
0x12b: {  	[sflag:s11] =	ssyncset.done $0x0  }
0x12c: {  	s0 =	rddreg [dreg:$0x17];
	[sflag:s11] =	ssyncadd.s32 $0xFFFFE0C0  }
0x12d: {  	[spmem:s2] =	stream.indirect.scatter.add.f32 [tilespmem:s10], [sflag:$0x1], $0x10, s0, s7, $0xb8;
	[tilespmem:$0xDC50] =	vst v63  }
0x12e: {  	_ =	swait.ge [sflag:s11], $0x1F40  }
0x12f: {  	[sflag:s11] =	ssyncset.done $0x0  }
0x130: {  	s0 =	rddreg [dreg:$0x18];
	[sflag:s11] =	ssyncadd.s32 $0xFFFFE0C0  }
0x131: {  	[tilespmem:s10], [sflag:$0x1] =	stream.indirect.gather [spmem:s3], $0x10, s0, s7, $0xb8;
	[tilespmem:$0xDC50] =	vst v63  }
0x132: {  	_ =	swait.ge [sflag:s9], $0x1F40  }
0x133: {  	[sflag:s9] =	ssyncset.done $0x0  }
0x134: {  	s0 =	rddreg [dreg:$0x19];
	[sflag:s9] =	ssyncadd.s32 $0xFFFFE0C0  }
0x135: {  	[spmem:s2] =	stream.indirect.scatter.add.f32 [tilespmem:s8], [sflag:$0x2], $0x10, s0, s7, $0xb8;
	[tilespmem:$0xDC50] =	vst v63  }
0x136: {  	_ =	swait.ge [sflag:s9], $0x1F40  }
0x137: {  	[sflag:s9] =	ssyncset.done $0x0  }
0x138: {  	s0 =	rddreg [dreg:$0x1a];
	[sflag:s9] =	ssyncadd.s32 $0xFFFFE0C0  }
0x139: {  	[tilespmem:s8], [sflag:$0x2] =	stream.indirect.gather [spmem:s3], $0x10, s0, s7, $0xb8;
	[tilespmem:$0xDC50] =	vst v63  }
0x13a: {  	_ =	swait.ge [sflag:s11], $0x1F40  }
0x13b: {  	[sflag:s11] =	ssyncset.done $0x0  }
0x13c: {  	s0 =	rddreg [dreg:$0x1b];
	[sflag:s11] =	ssyncadd.s32 $0xFFFFE0C0  }
0x13d: {  	[spmem:s2] =	stream.indirect.scatter.add.f32 [tilespmem:s10], [sflag:$0x1], $0x10, s0, s7, $0xb8;
	[tilespmem:$0xDC50] =	vst v63  }
0x13e: {  	_ =	swait.ge [sflag:s11], $0x1F40  }
0x13f: {  	[sflag:s11] =	ssyncset.done $0x0  }
0x140: {  	s0 =	rddreg [dreg:$0x1c];
	[sflag:s11] =	ssyncadd.s32 $0xFFFFE0C0  }
0x141: {  	[tilespmem:s10], [sflag:$0x1] =	stream.indirect.gather [spmem:s3], $0x10, s0, s7, $0xb8;
	[tilespmem:$0xDC50] =	vst v63  }
0x142: {  	_ =	swait.ge [sflag:s9], $0x1F40  }
0x143: {  	[sflag:s9] =	ssyncset.done $0x0  }
0x144: {  	s0 =	rddreg [dreg:$0x1d];
	[sflag:s9] =	ssyncadd.s32 $0xFFFFE0C0  }
0x145: {  	[spmem:s2] =	stream.indirect.scatter.add.f32 [tilespmem:s8], [sflag:$0x2], $0x10, s0, s7, $0xb8;
	[tilespmem:$0xDC50] =	vst v63  }
0x146: {  	_ =	swait.ge [sflag:s9], $0x1F40  }
0x147: {  	[sflag:s9] =	ssyncset.done $0x0  }
0x148: {  	s0 =	rddreg [dreg:$0x1e];
	[sflag:s9] =	ssyncadd.s32 $0xFFFFE0C0  }
0x149: {  	[tilespmem:s8], [sflag:$0x2] =	stream.indirect.gather [spmem:s3], $0x10, s0, s7, $0xb8;
	[tilespmem:$0xDC50] =	vst v63  }
0x14a: {  	_ =	swait.ge [sflag:s11], $0x1F40  }
0x14b: {  	[sflag:s11] =	ssyncset.done $0x0  }
0x14c: {  	s0 =	rddreg [dreg:$0x1f];
	[sflag:s11] =	ssyncadd.s32 $0xFFFFE0C0  }
0x14d: {  	[spmem:s2] =	stream.indirect.scatter.add.f32 [tilespmem:s10], [sflag:$0x1], $0x10, s0, s7, $0xb8;
	[tilespmem:$0xDC50] =	vst v63  }
0x14e: {  	_ =	swait.ge [sflag:s11], $0x1F40  }
0x14f: {  	[sflag:s11] =	ssyncset.done $0x0  }
0x150: {  	[sflag:s11] =	ssyncadd.s32 $0xFFFFE0C0  }
0x151: {  	[tilespmem:s10], [sflag:$0x1] =	stream.indirect.gather [spmem:s3], $0x10, s29, s7, $0xb8;
	[tilespmem:$0xDC50] =	vst v63  }
0x152: {  	_ =	swait.ge [sflag:s9], $0x1F40  }
0x153: {  	[sflag:s9] =	ssyncset.done $0x0  }
0x154: {  	[sflag:s9] =	ssyncadd.s32 $0xFFFFE0C0  }
0x155: {  	[spmem:s2] =	stream.indirect.scatter.add.f32 [tilespmem:s8], [sflag:$0x2], $0x10, s28, s7, $0xb8;
	[tilespmem:$0xDC50] =	vst v63  }
0x156: {  	_ =	swait.ge [sflag:s9], $0x1F40  }
0x157: {  	[sflag:s9] =	ssyncset.done $0x0  }
0x158: {  	[sflag:s9] =	ssyncadd.s32 $0xFFFFE0C0  }
0x159: {  	[tilespmem:s8], [sflag:$0x2] =	stream.indirect.gather [spmem:s3], $0x10, s26, s7, $0xb8;
	[tilespmem:$0xDC50] =	vst v63  }
0x15a: {  	_ =	swait.ge [sflag:s11], $0x1F40  }
0x15b: {  	[sflag:s11] =	ssyncset.done $0x0  }
0x15c: {  	[sflag:s11] =	ssyncadd.s32 $0xFFFFE0C0  }
0x15d: {  	[spmem:s2] =	stream.indirect.scatter.add.f32 [tilespmem:s10], [sflag:$0x1], $0x10, s25, s7, $0xb8;
	[tilespmem:$0xDC50] =	vst v63  }
0x15e: {  	_ =	swait.ge [sflag:s11], $0x1F40  }
0x15f: {  	[sflag:s11] =	ssyncset.done $0x0  }
0x160: {  	[sflag:s11] =	ssyncadd.s32 $0xFFFFE0C0  }
0x161: {  	[tilespmem:s10], [sflag:$0x1] =	stream.indirect.gather [spmem:s3], $0x10, s24, s7, $0xb8;
	[tilespmem:$0xDC50] =	vst v63  }
0x162: {  	_ =	swait.ge [sflag:s9], $0x1F40  }
0x163: {  	[sflag:s9] =	ssyncset.done $0x0  }
0x164: {  	[sflag:s9] =	ssyncadd.s32 $0xFFFFE0C0  }
0x165: {  	[spmem:s2] =	stream.indirect.scatter.add.f32 [tilespmem:s8], [sflag:$0x2], $0x10, s23, s7, $0xb8;
	[tilespmem:$0xDC50] =	vst v63  }
0x166: {  	_ =	swait.ge [sflag:s9], $0x1F40  }
0x167: {  	[sflag:s9] =	ssyncset.done $0x0  }
0x168: {  	[sflag:s9] =	ssyncadd.s32 $0xFFFFE0C0  }
0x169: {  	[tilespmem:s8], [sflag:$0x2] =	stream.indirect.gather [spmem:s3], $0x10, s22, s7, $0xb8;
	[tilespmem:$0xDC50] =	vst v63  }
0x16a: {  	_ =	swait.ge [sflag:s11], $0x1F40  }
0x16b: {  	[sflag:s11] =	ssyncset.done $0x0  }
0x16c: {  	[sflag:s11] =	ssyncadd.s32 $0xFFFFE0C0  }
0x16d: {  	[spmem:s2] =	stream.indirect.scatter.add.f32 [tilespmem:s10], [sflag:$0x1], $0x10, s21, s7, $0xb8;
	[tilespmem:$0xDC50] =	vst v63  }
0x16e: {  	_ =	swait.ge [sflag:s11], $0x1F40  }
0x16f: {  	[sflag:s11] =	ssyncset.done $0x0  }
0x170: {  	[sflag:s11] =	ssyncadd.s32 $0xFFFFE0C0  }
0x171: {  	[tilespmem:s10], [sflag:$0x1] =	stream.indirect.gather [spmem:s3], $0x10, s20, s7, $0xb8;
	[tilespmem:$0xDC50] =	vst v63  }
0x172: {  	_ =	swait.ge [sflag:s9], $0x1F40  }
0x173: {  	[sflag:s9] =	ssyncset.done $0x0  }
0x174: {  	[sflag:s9] =	ssyncadd.s32 $0xFFFFE0C0  }
0x175: {  	[spmem:s2] =	stream.indirect.scatter.add.f32 [tilespmem:s8], [sflag:$0x2], $0x10, s19, s7, $0xb8;
	[tilespmem:$0xDC50] =	vst v63  }
0x176: {  	_ =	swait.ge [sflag:s9], $0x1F40  }
0x177: {  	[sflag:s9] =	ssyncset.done $0x0  }
0x178: {  	[sflag:s9] =	ssyncadd.s32 $0xFFFFE0C0  }
0x179: {  	[tilespmem:s8], [sflag:$0x2] =	stream.indirect.gather [spmem:s3], $0x10, s17, s7, $0xb8;
	[tilespmem:$0xDC50] =	vst v63  }
0x17a: {  	_ =	swait.ge [sflag:s11], $0x1F40  }
0x17b: {  	[sflag:s11] =	ssyncset.done $0x0  }
0x17c: {  	[sflag:s11] =	ssyncadd.s32 $0xFFFFE0C0  }
0x17d: {  	[spmem:s2] =	stream.indirect.scatter.add.f32 [tilespmem:s10], [sflag:$0x1], $0x10, s18, s7, $0xb8;
	[tilespmem:$0xDC50] =	vst v63  }
0x17e: {  	_ =	swait.ge [sflag:s11], $0x1F40  }
0x17f: {  	[sflag:s11] =	ssyncset.done $0x0  }
0x180: {  	[sflag:s11] =	ssyncadd.s32 $0xFFFFE0C0  }
0x181: {  	[tilespmem:s10], [sflag:$0x1] =	stream.indirect.gather [spmem:s3], $0x10, s16, s7, $0xb8;
	[tilespmem:$0xDC50] =	vst v63  }
0x182: {  	_ =	swait.ge [sflag:s9], $0x1F40  }
0x183: {  	[sflag:s9] =	ssyncset.done $0x0  }
0x184: {  	[sflag:s9] =	ssyncadd.s32 $0xFFFFE0C0  }
0x185: {  	[spmem:s2] =	stream.indirect.scatter.add.f32 [tilespmem:s8], [sflag:$0x2], $0x10, s15, s7, $0xb8;
	[tilespmem:$0xDC50] =	vst v63  }
0x186: {  	_ =	swait.ge [sflag:s9], $0x1F40  }
0x187: {  	[sflag:s9] =	ssyncset.done $0x0  }
0x188: {  	[sflag:s9] =	ssyncadd.s32 $0xFFFFE0C0  }
0x189: {  	[tilespmem:s8], [sflag:$0x2] =	stream.indirect.gather [spmem:s3], $0x10, s14, s7, $0xb8;
	[tilespmem:$0xDC50] =	vst v63  }
0x18a: {  	_ =	swait.ge [sflag:s11], $0x1F40  }
0x18b: {  	[sflag:s11] =	ssyncset.done $0x0  }
0x18c: {  	[sflag:s11] =	ssyncadd.s32 $0xFFFFE0C0  }
0x18d: {  	[spmem:s2] =	stream.indirect.scatter.add.f32 [tilespmem:s10], [sflag:$0x1], $0x10, s13, s7, $0xb8;
	[tilespmem:$0xDC50] =	vst v63  }
0x18e: {  	_ =	swait.ge [sflag:s11], $0x1F40  }
0x18f: {  	[sflag:s11] =	ssyncset.done $0x0  }
0x190: {  	[sflag:s11] =	ssyncadd.s32 $0xFFFFE0C0  }
0x191: {  	_ =	swait.ge [sflag:s9], $0x1F40  }
0x192: {  	[sflag:s9] =	ssyncset.done $0x0  }
0x193: {  	s12 =	simm.s32 $0x4CC8;
	[sflag:s9] =	ssyncadd.s32 $0xFFFFE0C0  }
0x194: {  	[spmem:s2] =	stream.indirect.scatter.add.f32 [tilespmem:s8], [sflag:$0x2], $0x10, s12, s7, $0xb8;
	[tilespmem:$0xDC50] =	vst v63  }
0x195: {  	_ =	swait.ge [sflag:s9], $0x1F40  }
0x196: {  	p1 =	sne.s32 s1, $0x1;
	[sflag:s9] =	ssyncset.done $0x0  }
.Ltmp2:
0x197: {  	[sflag:s9] =	ssyncadd.s32 $0xFFFFE0C0;
	(pc) =	sbr.rel @p1 .LBB2_2-.Ltmp2, $4  }
0x198: {  	[bflag:$0x0] =	sbarrier.arrive $0xFFFF  }
0x199: {  	s0 =	rddreg [dreg:$0x8]  }
0x19a: {  	[hbm:s0], [sflag:s4] =	dma.local [spmem:s5], $0x500  }
0x19b: {  	s1 =	sadd.s32 $0xFFFFFFFF, s1;
	_ =	swait.ge [sflag:s6], $0x500  }
.LBB2_3:
0x19c: {  	[sflag:s6] =	ssyncset.done @p0 $0x0  }
0x19d: {  	s0 =	rddreg [dreg:$0x5];
	[sflag:s6] =	ssyncadd.s32 @p0 $0xFFFFFB00  }
0x19e: {  	[spmem:s5], [sflag:s4] =	dma.local [hbm:s0], $0x500  }
0x19f: {  	_ =	swait.ge [sflag:s6], $0x500  }
0x1a0: {  	s0 =	rddreg [dreg:$0x6];
	[sflag:s6] =	ssyncset.done $0x0  }
0x1a1: {  	s1 =	rddreg [dreg:$0x9];
	[sflag:s6] =	ssyncadd.s32 $0xFFFFFB00  }
0x1a2: {  	[spmem:s1], [sflag:s4] =	dma.local [hbm:s0], $0x4E2  }
0x1a3: {  	_ =	swait.ge [sflag:s6], $0x4E2  }
0x1a4: {  	[sflag:s6] =	ssyncset.done $0x0  }
0x1a5: {  	s1 =	rddreg [dreg:$0x7];
	[sflag:s6] =	ssyncadd.s32 $0xFFFFFB1E  }
0x1a6: {  	[tilespmem:s30], [sflag:$0x3] =	stream.linear.gather [hbm4b:s1+s30], $0x2760, $0x38;
	[tilespmem:$0xDC50] =	vst v63  }
0x1a7: {  	_ =	swait.ge [sflag:s6], $0x2760  }
0x1a8: {  	[sflag:s6] =	ssyncset.done $0x0  }
0x1a9: {  	s1 =	rddreg [dreg:$0xa];
	[sflag:s6] =	ssyncadd.s32 $0xFFFFD8A0  }
0x1aa: {  	[tilespmem:s31], [sflag:$0x3] =	stream.linear.gather [hbm4b:s1+s30], $0x2760, $0x38;
	[tilespmem:$0xDC50] =	vst v63  }
0x1ab: {  	_ =	swait.ge [sflag:s6], $0x2760  }
0x1ac: {  	[sflag:s6] =	ssyncset.done $0x0  }
0x1ad: {  	[sflag:s6] =	ssyncadd.s32 $0xFFFFD8A0  }
0x1ae: {  	[bflag:$0x0] =	sbarrier.arrive $0xFFFF  }
0x1af: {  	[tilespmem:s10], [sflag:$0x1] =	stream.indirect.gather [spmem:s3], $0x10, s30, s7, $0xb8;
	[tilespmem:$0xDC50] =	vst v63  }
0x1b0: {  	s1 =	rddreg [dreg:$0xb]  }
0x1b1: {  	[tilespmem:s8], [sflag:$0x2] =	stream.indirect.gather [spmem:s3], $0x10, s1, s7, $0xb8;
	[tilespmem:$0xDC50] =	vst v63  }
0x1b2: {  	_ =	swait.ge [sflag:s11], $0x1F40  }
0x1b3: {  	[sflag:s11] =	ssyncset.done $0x0  }
0x1b4: {  	[sflag:s11] =	ssyncadd.s32 $0xFFFFE0C0  }
0x1b5: {  	[spmem:s2] =	stream.indirect.scatter.add.f32 [tilespmem:s10], [sflag:$0x1], $0x10, s31, s7, $0xb8;
	[tilespmem:$0xDC50] =	vst v63  }
0x1b6: {  	_ =	swait.ge [sflag:s11], $0x1F40  }
0x1b7: {  	[sflag:s11] =	ssyncset.done $0x0  }
0x1b8: {  	s31 =	rddreg [dreg:$0xc];
	[sflag:s11] =	ssyncadd.s32 $0xFFFFE0C0  }
0x1b9: {  	[tilespmem:s10], [sflag:$0x1] =	stream.indirect.gather [spmem:s3], $0x10, s31, s7, $0xb8;
	[tilespmem:$0xDC50] =	vst v63  }
0x1ba: {  	_ =	swait.ge [sflag:s9], $0x1F40  }
0x1bb: {  	[sflag:s9] =	ssyncset.done $0x0  }
0x1bc: {  	s1 =	rddreg [dreg:$0xd];
	[sflag:s9] =	ssyncadd.s32 $0xFFFFE0C0  }
0x1bd: {  	[spmem:s2] =	stream.indirect.scatter.add.f32 [tilespmem:s8], [sflag:$0x2], $0x10, s1, s7, $0xb8;
	[tilespmem:$0xDC50] =	vst v63  }
0x1be: {  	_ =	swait.ge [sflag:s9], $0x1F40  }
0x1bf: {  	[sflag:s9] =	ssyncset.done $0x0  }
0x1c0: {  	s30 =	rddreg [dreg:$0xe];
	[sflag:s9] =	ssyncadd.s32 $0xFFFFE0C0  }
0x1c1: {  	[tilespmem:s8], [sflag:$0x2] =	stream.indirect.gather [spmem:s3], $0x10, s30, s7, $0xb8;
	[tilespmem:$0xDC50] =	vst v63  }
0x1c2: {  	_ =	swait.ge [sflag:s11], $0x1F40  }
0x1c3: {  	[sflag:s11] =	ssyncset.done $0x0  }
0x1c4: {  	s31 =	rddreg [dreg:$0xf];
	[sflag:s11] =	ssyncadd.s32 $0xFFFFE0C0  }
0x1c5: {  	[spmem:s2] =	stream.indirect.scatter.add.f32 [tilespmem:s10], [sflag:$0x1], $0x10, s31, s7, $0xb8;
	[tilespmem:$0xDC50] =	vst v63  }
0x1c6: {  	_ =	swait.ge [sflag:s11], $0x1F40  }
0x1c7: {  	[sflag:s11] =	ssyncset.done $0x0  }
0x1c8: {  	s1 =	rddreg [dreg:$0x10];
	[sflag:s11] =	ssyncadd.s32 $0xFFFFE0C0  }
0x1c9: {  	[tilespmem:s10], [sflag:$0x1] =	stream.indirect.gather [spmem:s3], $0x10, s1, s7, $0xb8;
	[tilespmem:$0xDC50] =	vst v63  }
0x1ca: {  	_ =	swait.ge [sflag:s9], $0x1F40  }
0x1cb: {  	[sflag:s9] =	ssyncset.done $0x0  }
0x1cc: {  	s30 =	rddreg [dreg:$0x11];
	[sflag:s9] =	ssyncadd.s32 $0xFFFFE0C0  }
0x1cd: {  	[spmem:s2] =	stream.indirect.scatter.add.f32 [tilespmem:s8], [sflag:$0x2], $0x10, s30, s7, $0xb8;
	[tilespmem:$0xDC50] =	vst v63  }
0x1ce: {  	_ =	swait.ge [sflag:s9], $0x1F40  }
0x1cf: {  	[sflag:s9] =	ssyncset.done $0x0  }
0x1d0: {  	s31 =	rddreg [dreg:$0x12];
	[sflag:s9] =	ssyncadd.s32 $0xFFFFE0C0  }
0x1d1: {  	[tilespmem:s8], [sflag:$0x2] =	stream.indirect.gather [spmem:s3], $0x10, s31, s7, $0xb8;
	[tilespmem:$0xDC50] =	vst v63  }
0x1d2: {  	_ =	swait.ge [sflag:s11], $0x1F40  }
0x1d3: {  	[sflag:s11] =	ssyncset.done $0x0  }
0x1d4: {  	s1 =	rddreg [dreg:$0x13];
	[sflag:s11] =	ssyncadd.s32 $0xFFFFE0C0  }
0x1d5: {  	[spmem:s2] =	stream.indirect.scatter.add.f32 [tilespmem:s10], [sflag:$0x1], $0x10, s1, s7, $0xb8;
	[tilespmem:$0xDC50] =	vst v63  }
0x1d6: {  	_ =	swait.ge [sflag:s11], $0x1F40  }
0x1d7: {  	[sflag:s11] =	ssyncset.done $0x0  }
0x1d8: {  	s30 =	rddreg [dreg:$0x14];
	[sflag:s11] =	ssyncadd.s32 $0xFFFFE0C0  }
0x1d9: {  	[tilespmem:s10], [sflag:$0x1] =	stream.indirect.gather [spmem:s3], $0x10, s30, s7, $0xb8;
	[tilespmem:$0xDC50] =	vst v63  }
0x1da: {  	_ =	swait.ge [sflag:s9], $0x1F40  }
0x1db: {  	[sflag:s9] =	ssyncset.done $0x0  }
0x1dc: {  	s31 =	rddreg [dreg:$0x15];
	[sflag:s9] =	ssyncadd.s32 $0xFFFFE0C0  }
0x1dd: {  	[spmem:s2] =	stream.indirect.scatter.add.f32 [tilespmem:s8], [sflag:$0x2], $0x10, s31, s7, $0xb8;
	[tilespmem:$0xDC50] =	vst v63  }
0x1de: {  	_ =	swait.ge [sflag:s9], $0x1F40  }
0x1df: {  	[sflag:s9] =	ssyncset.done $0x0  }
0x1e0: {  	s1 =	rddreg [dreg:$0x16];
	[sflag:s9] =	ssyncadd.s32 $0xFFFFE0C0  }
0x1e1: {  	[tilespmem:s8], [sflag:$0x2] =	stream.indirect.gather [spmem:s3], $0x10, s1, s7, $0xb8;
	[tilespmem:$0xDC50] =	vst v63  }
0x1e2: {  	_ =	swait.ge [sflag:s11], $0x1F40  }
0x1e3: {  	[sflag:s11] =	ssyncset.done $0x0  }
0x1e4: {  	s30 =	rddreg [dreg:$0x17];
	[sflag:s11] =	ssyncadd.s32 $0xFFFFE0C0  }
0x1e5: {  	[spmem:s2] =	stream.indirect.scatter.add.f32 [tilespmem:s10], [sflag:$0x1], $0x10, s30, s7, $0xb8;
	[tilespmem:$0xDC50] =	vst v63  }
0x1e6: {  	_ =	swait.ge [sflag:s11], $0x1F40  }
0x1e7: {  	[sflag:s11] =	ssyncset.done $0x0  }
0x1e8: {  	s31 =	rddreg [dreg:$0x18];
	[sflag:s11] =	ssyncadd.s32 $0xFFFFE0C0  }
0x1e9: {  	[tilespmem:s10], [sflag:$0x1] =	stream.indirect.gather [spmem:s3], $0x10, s31, s7, $0xb8;
	[tilespmem:$0xDC50] =	vst v63  }
0x1ea: {  	_ =	swait.ge [sflag:s9], $0x1F40  }
0x1eb: {  	[sflag:s9] =	ssyncset.done $0x0  }
0x1ec: {  	s1 =	rddreg [dreg:$0x19];
	[sflag:s9] =	ssyncadd.s32 $0xFFFFE0C0  }
0x1ed: {  	[spmem:s2] =	stream.indirect.scatter.add.f32 [tilespmem:s8], [sflag:$0x2], $0x10, s1, s7, $0xb8;
	[tilespmem:$0xDC50] =	vst v63  }
0x1ee: {  	_ =	swait.ge [sflag:s9], $0x1F40  }
0x1ef: {  	[sflag:s9] =	ssyncset.done $0x0  }
0x1f0: {  	s30 =	rddreg [dreg:$0x1a];
	[sflag:s9] =	ssyncadd.s32 $0xFFFFE0C0  }
0x1f1: {  	[tilespmem:s8], [sflag:$0x2] =	stream.indirect.gather [spmem:s3], $0x10, s30, s7, $0xb8;
	[tilespmem:$0xDC50] =	vst v63  }
0x1f2: {  	_ =	swait.ge [sflag:s11], $0x1F40  }
0x1f3: {  	[sflag:s11] =	ssyncset.done $0x0  }
0x1f4: {  	s31 =	rddreg [dreg:$0x1b];
	[sflag:s11] =	ssyncadd.s32 $0xFFFFE0C0  }
0x1f5: {  	[spmem:s2] =	stream.indirect.scatter.add.f32 [tilespmem:s10], [sflag:$0x1], $0x10, s31, s7, $0xb8;
	[tilespmem:$0xDC50] =	vst v63  }
0x1f6: {  	_ =	swait.ge [sflag:s11], $0x1F40  }
0x1f7: {  	[sflag:s11] =	ssyncset.done $0x0  }
0x1f8: {  	s1 =	rddreg [dreg:$0x1c];
	[sflag:s11] =	ssyncadd.s32 $0xFFFFE0C0  }
0x1f9: {  	[tilespmem:s10], [sflag:$0x1] =	stream.indirect.gather [spmem:s3], $0x10, s1, s7, $0xb8;
	[tilespmem:$0xDC50] =	vst v63  }
0x1fa: {  	_ =	swait.ge [sflag:s9], $0x1F40  }
0x1fb: {  	[sflag:s9] =	ssyncset.done $0x0  }
0x1fc: {  	s30 =	rddreg [dreg:$0x1d];
	[sflag:s9] =	ssyncadd.s32 $0xFFFFE0C0  }
0x1fd: {  	[spmem:s2] =	stream.indirect.scatter.add.f32 [tilespmem:s8], [sflag:$0x2], $0x10, s30, s7, $0xb8;
	[tilespmem:$0xDC50] =	vst v63  }
0x1fe: {  	_ =	swait.ge [sflag:s9], $0x1F40  }
0x1ff: {  	[sflag:s9] =	ssyncset.done $0x0  }
0x200: {  	s31 =	rddreg [dreg:$0x1e];
	[sflag:s9] =	ssyncadd.s32 $0xFFFFE0C0  }
0x201: {  	[tilespmem:s8], [sflag:$0x2] =	stream.indirect.gather [spmem:s3], $0x10, s31, s7, $0xb8;
	[tilespmem:$0xDC50] =	vst v63  }
0x202: {  	_ =	swait.ge [sflag:s11], $0x1F40  }
0x203: {  	[sflag:s11] =	ssyncset.done $0x0  }
0x204: {  	s1 =	rddreg [dreg:$0x1f];
	[sflag:s11] =	ssyncadd.s32 $0xFFFFE0C0  }
0x205: {  	[spmem:s2] =	stream.indirect.scatter.add.f32 [tilespmem:s10], [sflag:$0x1], $0x10, s1, s7, $0xb8;
	[tilespmem:$0xDC50] =	vst v63  }
0x206: {  	_ =	swait.ge [sflag:s11], $0x1F40  }
0x207: {  	[sflag:s11] =	ssyncset.done $0x0  }
0x208: {  	[sflag:s11] =	ssyncadd.s32 $0xFFFFE0C0  }
0x209: {  	[tilespmem:s10], [sflag:$0x1] =	stream.indirect.gather [spmem:s3], $0x10, s29, s7, $0xb8;
	[tilespmem:$0xDC50] =	vst v63  }
0x20a: {  	_ =	swait.ge [sflag:s9], $0x1F40  }
0x20b: {  	[sflag:s9] =	ssyncset.done $0x0  }
0x20c: {  	[sflag:s9] =	ssyncadd.s32 $0xFFFFE0C0  }
0x20d: {  	[spmem:s2] =	stream.indirect.scatter.add.f32 [tilespmem:s8], [sflag:$0x2], $0x10, s28, s7, $0xb8;
	[tilespmem:$0xDC50] =	vst v63  }
0x20e: {  	_ =	swait.ge [sflag:s9], $0x1F40  }
0x20f: {  	[sflag:s9] =	ssyncset.done $0x0  }
0x210: {  	[sflag:s9] =	ssyncadd.s32 $0xFFFFE0C0  }
0x211: {  	[tilespmem:s8], [sflag:$0x2] =	stream.indirect.gather [spmem:s3], $0x10, s26, s7, $0xb8;
	[tilespmem:$0xDC50] =	vst v63  }
0x212: {  	_ =	swait.ge [sflag:s11], $0x1F40  }
0x213: {  	[sflag:s11] =	ssyncset.done $0x0  }
0x214: {  	[sflag:s11] =	ssyncadd.s32 $0xFFFFE0C0  }
0x215: {  	[spmem:s2] =	stream.indirect.scatter.add.f32 [tilespmem:s10], [sflag:$0x1], $0x10, s25, s7, $0xb8;
	[tilespmem:$0xDC50] =	vst v63  }
0x216: {  	_ =	swait.ge [sflag:s11], $0x1F40  }
0x217: {  	[sflag:s11] =	ssyncset.done $0x0  }
0x218: {  	[sflag:s11] =	ssyncadd.s32 $0xFFFFE0C0  }
0x219: {  	[tilespmem:s10], [sflag:$0x1] =	stream.indirect.gather [spmem:s3], $0x10, s24, s7, $0xb8;
	[tilespmem:$0xDC50] =	vst v63  }
0x21a: {  	_ =	swait.ge [sflag:s9], $0x1F40  }
0x21b: {  	[sflag:s9] =	ssyncset.done $0x0  }
0x21c: {  	[sflag:s9] =	ssyncadd.s32 $0xFFFFE0C0  }
0x21d: {  	[spmem:s2] =	stream.indirect.scatter.add.f32 [tilespmem:s8], [sflag:$0x2], $0x10, s23, s7, $0xb8;
	[tilespmem:$0xDC50] =	vst v63  }
0x21e: {  	_ =	swait.ge [sflag:s9], $0x1F40  }
0x21f: {  	[sflag:s9] =	ssyncset.done $0x0  }
0x220: {  	[sflag:s9] =	ssyncadd.s32 $0xFFFFE0C0  }
0x221: {  	[tilespmem:s8], [sflag:$0x2] =	stream.indirect.gather [spmem:s3], $0x10, s22, s7, $0xb8;
	[tilespmem:$0xDC50] =	vst v63  }
0x222: {  	_ =	swait.ge [sflag:s11], $0x1F40  }
0x223: {  	[sflag:s11] =	ssyncset.done $0x0  }
0x224: {  	[sflag:s11] =	ssyncadd.s32 $0xFFFFE0C0  }
0x225: {  	[spmem:s2] =	stream.indirect.scatter.add.f32 [tilespmem:s10], [sflag:$0x1], $0x10, s21, s7, $0xb8;
	[tilespmem:$0xDC50] =	vst v63  }
0x226: {  	_ =	swait.ge [sflag:s11], $0x1F40  }
0x227: {  	[sflag:s11] =	ssyncset.done $0x0  }
0x228: {  	[sflag:s11] =	ssyncadd.s32 $0xFFFFE0C0  }
0x229: {  	[tilespmem:s10], [sflag:$0x1] =	stream.indirect.gather [spmem:s3], $0x10, s20, s7, $0xb8;
	[tilespmem:$0xDC50] =	vst v63  }
0x22a: {  	_ =	swait.ge [sflag:s9], $0x1F40  }
0x22b: {  	[sflag:s9] =	ssyncset.done $0x0  }
0x22c: {  	[sflag:s9] =	ssyncadd.s32 $0xFFFFE0C0  }
0x22d: {  	[spmem:s2] =	stream.indirect.scatter.add.f32 [tilespmem:s8], [sflag:$0x2], $0x10, s19, s7, $0xb8;
	[tilespmem:$0xDC50] =	vst v63  }
0x22e: {  	_ =	swait.ge [sflag:s9], $0x1F40  }
0x22f: {  	[sflag:s9] =	ssyncset.done $0x0  }
0x230: {  	[sflag:s9] =	ssyncadd.s32 $0xFFFFE0C0  }
0x231: {  	[tilespmem:s8], [sflag:$0x2] =	stream.indirect.gather [spmem:s3], $0x10, s17, s7, $0xb8;
	[tilespmem:$0xDC50] =	vst v63  }
0x232: {  	_ =	swait.ge [sflag:s11], $0x1F40  }
0x233: {  	[sflag:s11] =	ssyncset.done $0x0  }
0x234: {  	[sflag:s11] =	ssyncadd.s32 $0xFFFFE0C0  }
0x235: {  	[spmem:s2] =	stream.indirect.scatter.add.f32 [tilespmem:s10], [sflag:$0x1], $0x10, s18, s7, $0xb8;
	[tilespmem:$0xDC50] =	vst v63  }
0x236: {  	_ =	swait.ge [sflag:s11], $0x1F40  }
0x237: {  	[sflag:s11] =	ssyncset.done $0x0  }
0x238: {  	[sflag:s11] =	ssyncadd.s32 $0xFFFFE0C0  }
0x239: {  	[tilespmem:s10], [sflag:$0x1] =	stream.indirect.gather [spmem:s3], $0x10, s16, s7, $0xb8;
	[tilespmem:$0xDC50] =	vst v63  }
0x23a: {  	_ =	swait.ge [sflag:s9], $0x1F40  }
0x23b: {  	[sflag:s9] =	ssyncset.done $0x0  }
0x23c: {  	[sflag:s9] =	ssyncadd.s32 $0xFFFFE0C0  }
0x23d: {  	[spmem:s2] =	stream.indirect.scatter.add.f32 [tilespmem:s8], [sflag:$0x2], $0x10, s15, s7, $0xb8;
	[tilespmem:$0xDC50] =	vst v63  }
0x23e: {  	_ =	swait.ge [sflag:s9], $0x1F40  }
0x23f: {  	[sflag:s9] =	ssyncset.done $0x0  }
0x240: {  	[sflag:s9] =	ssyncadd.s32 $0xFFFFE0C0  }
0x241: {  	[tilespmem:s8], [sflag:$0x2] =	stream.indirect.gather [spmem:s3], $0x10, s14, s7, $0xb8;
	[tilespmem:$0xDC50] =	vst v63  }
0x242: {  	_ =	swait.ge [sflag:s11], $0x1F40  }
0x243: {  	[sflag:s11] =	ssyncset.done $0x0  }
0x244: {  	[sflag:s11] =	ssyncadd.s32 $0xFFFFE0C0  }
0x245: {  	[spmem:s2] =	stream.indirect.scatter.add.f32 [tilespmem:s10], [sflag:$0x1], $0x10, s13, s7, $0xb8;
	[tilespmem:$0xDC50] =	vst v63  }
0x246: {  	_ =	swait.ge [sflag:s11], $0x1F40  }
0x247: {  	[sflag:s11] =	ssyncset.done $0x0  }
0x248: {  	[sflag:s11] =	ssyncadd.s32 $0xFFFFE0C0  }
0x249: {  	_ =	swait.ge [sflag:s9], $0x1F40  }
0x24a: {  	[sflag:s9] =	ssyncset.done $0x0  }
0x24b: {  	[sflag:s9] =	ssyncadd.s32 $0xFFFFE0C0  }
0x24c: {  	[spmem:s2] =	stream.indirect.scatter.add.f32 [tilespmem:s8], [sflag:$0x2], $0x10, s12, s7, $0xb8;
	[tilespmem:$0xDC50] =	vst v63  }
0x24d: {  	_ =	swait.ge [sflag:s9], $0x1F40  }
0x24e: {  	[sflag:s9] =	ssyncset.done $0x0  }
0x24f: {  	[sflag:s9] =	ssyncadd.s32 $0xFFFFE0C0  }
0x250: {  	[bflag:$0x0] =	sbarrier.arrive $0xFFFF  }
0x251: {  	s30 =	rddreg [dreg:$0x8]  }
0x252: {  	[hbm:s30], [sflag:s4] =	dma.local [spmem:s5], $0x500  }
0x253: {  	_ =	swait.ge [sflag:s6], $0x500  }
0x254: {  	[sflag:s6] =	ssyncset.done $0x0  }
0x255: {  	[sflag:s6] =	ssyncadd.s32 $0xFFFFFB00  }
0x256: {  	_ =	sfence.sel $0x180000  }
0x257: {  	[bflag:$0x0] =	sbarrier.arrive $0xFFFF  }
0x258: {  	_ =	strace $0x9000004A  }
0x259: {  	s31 =	stileid.u32;
	[bflag:$0x2] =	sbarrier.arrive $0xFFFF  }
0x25a: {  	p0 =	sne.s32 s31, $0x0;
	s0 =	rddreg [dreg:$0x4]  }
0x25b: {  	s0 =	sadd.s32 @!p0 $0x100000, s0  }
0x25c: {  	[sflag:s0] =	ssyncadd.tile.s32 @!p0 $0x1;
	_ =	shalt  }
.Lfunc_end2:
_tile_overlayer_lowered:
.L_overlay_start_2:
0x25d: {  	(tag) =	ssettag $0x2  }
0x25e: {  	s0 =	rddreg [dreg:$0x0];
	s2 =	stileid.u32  }
0x25f: {  	s1 =	rddreg [dreg:$0x1];
	p0 =	sne.s32 s2, $0x0  }
0x260: {  	s3 =	rddreg [dreg:$0x2];
	[bflag:$0x3] =	sbarrier.arrive $0xFFFF;
	s2 =	simm.s32 @!p0 $0x1C03  }
0x261: {  	[timem:s3], [sflag:s2] =	dma.local @!p0 [hbm:s0], s1  }
0x262: {  	s0 =	simm.s32 @!p0 $0x3  }
0x263: {  	_ =	swait.ge @!p0 [sflag:s0], s1  }
0x264: {  	s1 =	ssub.s32 @!p0 $0x0, s1;
	[sflag:s0] =	ssyncset.done @!p0 $0x0  }
0x265: {  	[sflag:s0] =	ssyncadd.s32 @!p0 s1  }
0x266: {  	[bflag:$0x3] =	sbarrier.arrive $0xFFFF  }
0x267: {  	_ =	shalt  }

// kernel: kernel.15.cloned.1.call-start
scs
__scs_entry_jumppad:
0x0: {  	(pc) =	sbr.rel $0x88, $3  }
0x1: {  	(tag) =	ssettag $0x0;
	lr =	simm.s32 $0x1  }
0x2: {  	[smem:$0x3F9B] =	sst lr;
	_ =	strace $0xD0000000  }
0x3: {  	_ = 	snop  }
0x4: {  	_ = 	snop  }
0x5: {  	_ = 	snop  }
0x6: {  	_ = 	snop  }
0x7: {  	_ = 	snop  }
__scs_overlays_trampoline_lowered:
0x8: {  	[smem:$0x3FAA] =	sst s0  }
0x9: {  	[smem:$0x3FAB] =	sst s1  }
0xa: {  	[smem:$0x3FAC] =	sst s2  }
0xb: {  	[smem:$0x3FAD] =	sst s3  }
0xc: {  	[smem:$0x3FAE] =	sst s4  }
0xd: {  	[smem:$0x3FAF] =	sst s5  }
0xe: {  	[smem:$0x3FB0] =	sst s6  }
0xf: {  	[smem:$0x3FB1] =	sst s7  }
0x10: {  	[smem:$0x3FB2] =	sst s8  }
0x11: {  	[smem:$0x3FB3] =	sst s9;
	s0 =	simm.s32 @!p0 $0x0  }
0x12: {  	s1 =	sld [smem:$0x3F99];
	s0 =	simm.s32 @p0 $0x1  }
0x13: {  	[smem:$0x3FB4] =	sst s0;
	s0 =	simm.s32 @!p1 $0x0  }
0x14: {  	s2 =	sld [smem:$0x3F98];
	s0 =	simm.s32 @p1 $0x1  }
0x15: {  	[smem:$0x3FB5] =	sst s0;
	s0 =	simm.s32 @!p2 $0x0  }
0x16: {  	s3 =	sld [smem:$0x3FDB];
	s0 =	simm.s32 @p2 $0x1  }
0x17: {  	s4 =	simm.s32 $0x1BF5;
	[smem:$0x3FB7] =	sst s0  }
0x18: {  	s0 =	sld [smem:$0x3F9A];
	_ =	swait.ge [sflag:s4], $0x0  }
0x19: {  	s7 =	sld [smem:$0x3F9B]  }
0x1a: {  	s8 =	sadd.s32 $0xFFFFE003, lr  }
0x1b: {  	s9 =	sadd.s32 $0xFFFFFEF7, lr;
	s5 =	simm.s32 $0xFFFFFFFF;
	p2 =	slt.u32 s8, $0xFFFFF086  }
0x1c: {  	p1 =	slt.u32 s9, $0xF7A;
	s5 =	simm.s32 @!p2 $0x0  }
0x1d: {  	s5 =	simm.s32 @p1 $0x1;
	p0 =	seq.s32 s7, s2  }
0x1e: {  	s7 =	smul.u32 @!p0 $0xF7A, s2;
	p2 =	seq.s32 @!p0 s5, $0x0  }
0x1f: {  	s9 =	smul.u32 $0xF7A, s1;
	s8 =	simm.s32 @!p0 $0x1BF5;
	p2 =	por !p2, p0  }
0x20: {  	[sflag:s8] =	ssyncset.s32 @!p0 $0xFFFFF086;
	s6 =	sadd.s32 @!p0 s3, s7;
	s7 =	simm.s32 @!p0 $0x108  }
0x21: {  	s3 =	sadd.s32 s3, s9;
	s6 =	sadd.s32 @!p0 $0x88, s6;
	s7 =	simm.s32 @p2 $0x1082  }
0x22: {  	[simem:s7], [sflag:s8] =	dma.local @!p0 [hbm:s6], $0xF7A  }
0x23: {  	s9 =	sor.u32 $0xD0000000, s2;
	s6 =	simm.s32 $0x108;
	_ =	swait.ge @!p0 [sflag:s8], $0x0  }
0x24: {  	s3 =	sadd.s32 $0x88, s3;
	s6 =	simm.s32 @!p1 $0x1082;
	[sflag:s4] =	ssyncset.s32 $0xFFFFF086  }
0x25: {  	[simem:s6], [sflag:s4] =	dma.local [hbm:s3], $0xF7A  }
0x26: {  	[smem:$0x3F9B] =	sst s1;
	(tag) =	ssettag s2;
	_ =	strace s9  }
0x27: {  	s1 =	sld [smem:$0x3FAB]  }
0x28: {  	s2 =	sld [smem:$0x3FAC]  }
0x29: {  	s4 =	sld [smem:$0x3FAE]  }
0x2a: {  	p0 =	seq.s32 s5, $0x0;
	s5 =	sld [smem:$0x3FAF]  }
0x2b: {  	s6 =	sld [smem:$0x3FB0]  }
0x2c: {  	s7 =	sld [smem:$0x3FB1]  }
0x2d: {  	s3 =	simm.s32 $0x108;
	s8 =	sld [smem:$0x3FB2]  }
0x2e: {  	s3 =	simm.s32 @!p0 $0x1082;
	s9 =	sld [smem:$0x3FB3]  }
0x2f: {  	lr =	sadd.s32 s0, s3;
	s0 =	sld [smem:$0x3FAA]  }
0x30: {  	s3 =	sld [smem:$0x3FAD]  }
0x31: {  	[smem:$0x3FB6] =	sst s10  }
0x32: {  	s10 =	sld [smem:$0x3FB4];
	_ =	sdelay $0x3  }
0x33: {  	p0 =	seq.s32 s10, $0x1;
	s10 =	sld [smem:$0x3FB6];
	_ =	sdelay $0x3  }
0x34: {  	[smem:$0x3FB6] =	sst s10  }
0x35: {  	s10 =	sld [smem:$0x3FB5];
	_ =	sdelay $0x3  }
0x36: {  	p1 =	seq.s32 s10, $0x1;
	s10 =	sld [smem:$0x3FB6];
	_ =	sdelay $0x3  }
0x37: {  	[smem:$0x3FB6] =	sst s10  }
0x38: {  	s10 =	sld [smem:$0x3FB7]  }
0x39: {  	_ = 	snop;
	(pc) =	sbr.ind lr, $3  }
0x3a: {  	_ = 	snop  }
0x3b: {  	_ = 	snop  }
0x3c: {  	p2 =	seq.s32 s10, $0x1;
	s10 =	sld [smem:$0x3FB6]  }
0x3d: {  	_ =	shalt  }
0x3e: {  	_ =	shalt  }
0x3f: {  	_ =	shalt  }
0x40: {  	_ =	shalt  }
0x41: {  	_ =	shalt  }
0x42: {  	_ =	shalt  }
0x43: {  	_ =	shalt  }
0x44: {  	_ =	shalt  }
0x45: {  	_ =	shalt  }
0x46: {  	_ =	shalt  }
0x47: {  	_ =	shalt  }
0x48: {  	_ =	shalt  }
0x49: {  	_ =	shalt  }
0x4a: {  	_ =	shalt  }
0x4b: {  	_ =	shalt  }
0x4c: {  	_ =	shalt  }
0x4d: {  	_ =	shalt  }
0x4e: {  	_ =	shalt  }
0x4f: {  	_ =	shalt  }
0x50: {  	_ =	shalt  }
0x51: {  	_ =	shalt  }
0x52: {  	_ =	shalt  }
0x53: {  	_ =	shalt  }
0x54: {  	_ =	shalt  }
0x55: {  	_ =	shalt  }
0x56: {  	_ =	shalt  }
0x57: {  	_ =	shalt  }
0x58: {  	_ =	shalt  }
0x59: {  	_ =	shalt  }
0x5a: {  	_ =	shalt  }
0x5b: {  	_ =	shalt  }
0x5c: {  	_ =	shalt  }
0x5d: {  	_ =	shalt  }
0x5e: {  	_ =	shalt  }
0x5f: {  	_ =	shalt  }
0x60: {  	_ =	shalt  }
0x61: {  	_ =	shalt  }
0x62: {  	_ =	shalt  }
0x63: {  	_ =	shalt  }
0x64: {  	_ =	shalt  }
0x65: {  	_ =	shalt  }
0x66: {  	_ =	shalt  }
0x67: {  	_ =	shalt  }
0x68: {  	_ =	shalt  }
0x69: {  	_ =	shalt  }
0x6a: {  	_ =	shalt  }
0x6b: {  	_ =	shalt  }
0x6c: {  	_ =	shalt  }
0x6d: {  	_ =	shalt  }
0x6e: {  	_ =	shalt  }
0x6f: {  	_ =	shalt  }
0x70: {  	_ =	shalt  }
0x71: {  	_ =	shalt  }
0x72: {  	_ =	shalt  }
0x73: {  	_ =	shalt  }
0x74: {  	_ =	shalt  }
0x75: {  	_ =	shalt  }
0x76: {  	_ =	shalt  }
0x77: {  	_ =	shalt  }
0x78: {  	_ =	shalt  }
0x79: {  	_ =	shalt  }
0x7a: {  	_ =	shalt  }
0x7b: {  	_ =	shalt  }
0x7c: {  	_ =	shalt  }
0x7d: {  	_ =	shalt  }
0x7e: {  	_ =	shalt  }
0x7f: {  	_ =	shalt  }
0x80: {  	_ =	shalt  }
0x81: {  	_ =	shalt  }
0x82: {  	_ =	shalt  }
0x83: {  	_ =	shalt  }
0x84: {  	_ =	shalt  }
0x85: {  	_ =	shalt  }
0x86: {  	_ =	shalt  }
0x87: {  	_ =	shalt  }
.Lfunc_end0:
.L_simem_size_0:
called_computation.2_lowered:
.L_overlay_start_0:
0x88: {  	s2 =	sld [smem:$0x3FD9]  }
0x89: {  	s3 =	sld [smem:$0x3FFE];
	_ =	sdelay $0x1  }
0x8a: {  	s1 =	srdreg.scid  }
0x8b: {  	s0 =	sand.u32 $0x1, s1  }
0x8c: {  	s17 =	sshll.u32 s0, $0xA;
	s2 =	sadd.s32 s3, s2  }
0x8d: {  	s2 =	sadd.s32 s2, s17  }
0x8e: {  	[smem:$0x3FC2] =	sst s2  }
0x8f: {  	_ = 	snop  }
0x90: {  	s2 =	sld [smem:$0x3FD0];
	(tm) =	ssettm $0x1  }
0x91: {  	s18 =	sld [smem:$0x3FFB];
	_ =	sdelay $0x3  }
0x92: {  	_ =	strace s18  }
0x93: {  	s3 =	sld [smem:$0x3FFC];
	_ =	sdelay $0x3  }
0x94: {  	_ =	strace s3  }
0x95: {  	s3 =	sld [smem:$0x3FFD];
	_ =	sdelay $0x3  }
0x96: {  	_ =	strace s3  }
0x97: {  	_ =	strace $0x8FFFFFFF  }
0x98: {  	s19 =	sld [smem:$0x3FDB];
	_ =	sdelay $0x1  }
0x99: {  	s4 =	simm.s32 $_scs_section_size  }
0x9a: {  	s5 =	simm.s32 $_size__tile_overlayer_lowered;
	s6 =	simm.s32 $_tile_overlayer_lowered  }
0x9b: {  	s22 =	simm.s32 $0x1BFF;
	s21 =	sshll.u32 s6, $0x1;
	s3 =	sadd.s32 s4, s19  }
0x9c: {  	s7 =	simm.s32 $0x0;
	s20 =	sshll.u32 s5, $0x1;
	s5 =	sadd.s32 s21, s3  }
0x9d: {  	[timem:s7], [sflag:s22] =	dma.local [hbm:s5], s20  }
0x9e: {  	_ =	swait.ge [sflag:s22], s20  }
0x9f: {  	s4 =	ssub.s32 $0x0, s20;
	[sflag:s22] =	ssyncset.done $0x0  }
0xa0: {  	[sflag:s22] =	ssyncadd.s32 s4;
	_ =	sdelay $0x1  }
0xa1: {  	s23 =	simm.s32 $0x1B8B  }
0xa2: {  	_ =	swait.ge [sflag:s23], $0x1  }
0xa3: {  	[sflag:s23] =	ssyncset.done $0x0  }
0xa4: {  	s25 =	simm.s32 $0x1B8E;
	s24 =	sld [smem:$0x3FFE];
	[sflag:s23] =	ssyncadd.s32 $0xFFFFFFFF  }
0xa5: {  	s26 =	simm.s32 $execute0_lowered;
	[smem:$0x3FD2] =	sst s25  }
0xa6: {  	s5 =	sshll.u32 s26, $0x1;
	_ =	strace $0x8000004C;
	[dreg:$0x1] =	wrdreg $0xFFFFFFFF  }
0xa7: {  	s28 =	simm.s32 $_size_execute0_lowered;
	s3 =	sadd.s32 s3, s5;
	[dreg:$0x0] =	wrdreg $0x0  }
0xa8: {  	s5 =	sshll.u32 s28, $0x1;
	[dreg:$0x2] =	wrdreg s3  }
0xa9: {  	[dreg:$0x3] =	wrdreg s5  }
0xaa: {  	[dreg:$0x4] =	wrdreg $0xC0  }
0xab: {  	_ =	task [dreg:s7], $0x5FFFF  }
0xac: {  	[dreg:$0x1] =	wrdreg $0xFFFFFFFF  }
0xad: {  	[dreg:$0x0] =	wrdreg $0x60  }
0xae: {  	[dreg:$0x2] =	wrdreg s24  }
0xaf: {  	[dreg:$0x3] =	wrdreg s2  }
0xb0: {  	[dreg:$0x4] =	wrdreg $0xB4500  }
0xb1: {  	[dreg:$0x5] =	wrdreg $0x8D400  }
0xb2: {  	[dreg:$0x6] =	wrdreg $0x9  }
0xb3: {  	_ =	task.clear_ibuf [dreg:s7], $0x7FFFF;
	_ =	strace $0x9000004C  }
0xb4: {  	s29 =	simm.s32 $0x9;
	_ =	strace $0x8000004E  }
0xb5: {  	_ =	swait.ge [sflag:s29], $0x1  }
0xb6: {  	[sflag:s29] =	ssyncadd.s32 $0xFFFFFFFF  }
0xb7: {  	_ =	strace $0x9000004E  }
0xb8: {  	_ =	sfence  }
0xb9: {  	s30 =	sld [smem:$0x0];
	_ =	sdelay $0x2  }
0xba: {  	s31 =	sshll.u32 s1, $0xD;
	s1 =	sshrl.u32 s1, $0x2  }
0xbb: {  	s3 =	sand.u32 $0x4000, s31;
	s1 =	sadd.s32 s1, s30  }
0xbc: {  	s0 =	sor.u32 s3, s0;
	s1 =	sshll.u32 s1, $0x11  }
0xbd: {  	s0 =	sor.u32 s1, s0  }
0xbe: {  	s0 =	sadd.s32 $0x8F2B, s0  }
0xbf: {  	[sflag:s0] =	ssyncadd.remote.s32 $0x1  }
0xc0: {  	_ =	sfence.sel $0xFFFF  }
0xc1: {  	[dreg:$0x0] =	wrdreg $0xFFFFFFFF;
	(pc) =	sbr.abs _section_cstart, $3  }
0xc2: {  	[dreg:$0x1] =	wrdreg $0xFFFFFFFF  }
0xc3: {  	_ =	task.clear_ibuf [dreg:s7], $0x2FFFF;
	_ =	strace $0x9FFFFFFF  }
0xc4: {  	(tm) =	ssettm $0x7FFFFFFF  }
0xc5: {  	_ =	shalt  }
tec
execute0_lowered:
.L_overlay_start_1:
0x0: {  	(tag) =	ssettag $0x1  }
0x1: {  	s1 =	rddreg [dreg:$0x0]  }
0x2: {  	s0 =	srdreg.scid;
	s4 =	rddreg [dreg:$0x1]  }
0x3: {  	s2 =	rddreg [dreg:$0x2];
	s19 =	stileid.u32  }
0x4: {  	s3 =	rddreg [dreg:$0x3];
	s30 =	simm.s32 $0x0;
	s22 =	simm.s32 $0x1F8  }
0x5: {  	s23 =	simm.s32 $0x3F0;
	s24 =	simm.s32 $0x2958;
	s25 =	simm.s32 $0x5E8  }
0x6: {  	s26 =	simm.s32 $0x2B50;
	[smem:$0x7FF] =	sst s30;
	s12 =	sadd.s32 $0x16800, s1  }
0x7: {  	s14 =	simm.s32 $0x3138;
	_ =	strace $0x8000004D;
	[dreg:$0x5] =	wrdreg s12  }
0x8: {  	s15 =	simm.s32 $0xDC8;
	s18 =	simm.s32 $0x3330;
	[dreg:$0xb] =	wrdreg s22  }
0x9: {  	s31 =	simm.s32 $0x2760;
	s29 =	simm.s32 $0x17A0;
	[dreg:$0xc] =	wrdreg s23  }
0xa: {  	s28 =	simm.s32 $0x3D08;
	s17 =	simm.s32 $0x2178;
	[dreg:$0xd] =	wrdreg s24  }
0xb: {  	p0 =	por $0x0, $0x0;
	s7 =	smul.u32 $0x2710, s19;
	[dreg:$0xe] =	wrdreg s25  }
0xc: {  	s5 =	sand.u32 $0x1, s0;
	s8 =	smul.u32 $0x2800, s19;
	[dreg:$0xf] =	wrdreg s26  }
0xd: {  	s13 =	sshll.u32 s19, $0x6;
	s6 =	sshll.u32 s5, $0x4;
	[dreg:$0x15] =	wrdreg s14  }
0xe: {  	s10 =	smul.u32 $0x28000, s5;
	s12 =	simm.s32 $0xBD0;
	[dreg:$0x16] =	wrdreg s15  }
0xf: {  	[dreg:$0x17] =	wrdreg s18;
	s22 =	simm.s32 $0x3720;
	s23 =	simm.s32 $0x13B0  }
0x10: {  	s24 =	simm.s32 $0x3918;
	s25 =	simm.s32 $0x15A8;
	[dreg:$0x14] =	wrdreg s12  }
0x11: {  	s26 =	simm.s32 $0x3B10;
	s18 =	simm.s32 $0x46E0;
	[dreg:$0x1b] =	wrdreg s22  }
0x12: {  	s15 =	simm.s32 $0x48D8;
	s14 =	simm.s32 $0x2568;
	[dreg:$0x1c] =	wrdreg s23  }
0x13: {  	s6 =	sor.u32 s19, s6;
	s9 =	sshrl.u32 s7, $0x3;
	[dreg:$0x1d] =	wrdreg s24  }
0x14: {  	s7 =	sadd.s32 s7, s3;
	s19 =	simm.s32 $0xFC0;
	[dreg:$0x1e] =	wrdreg s25  }
0x15: {  	[dreg:$0x1f] =	wrdreg s26;
	s26 =	simm.s32 $0x1998;
	s25 =	simm.s32 $0x3F00  }
0x16: {  	s24 =	simm.s32 $0x1B90;
	s23 =	simm.s32 $0x40F8;
	s22 =	simm.s32 $0x1D88  }
0x17: {  	s12 =	simm.s32 $0x4CC8;
	s6 =	smul.u32 $0x4EC, s6;
	s9 =	sadd.s32 s9, s1  }
0x18: {  	s10 =	sadd.s32 s8, s10;
	s21 =	sshrl.u32 s7, $0x3;
	[dreg:$0x18] =	wrdreg s19  }
0x19: {  	s7 =	simm.s32 $0x2D48;
	s19 =	simm.s32 $0x44E8;
	[dreg:$0x9] =	wrdreg s21  }
0x1a: {  	s9 =	sadd.s32 $0x16E00, s9;
	s10 =	sshrl.u32 s10, $0x3;
	[dreg:$0x11] =	wrdreg s7  }
0x1b: {  	s21 =	simm.s32 $0x11B8;
	s7 =	simm.s32 $0x1F4;
	s11 =	sadd.s32 s6, s1  }
0x1c: {  	[dreg:$0x6] =	wrdreg s9;
	s4 =	sadd.s32 s4, s10;
	s1 =	sadd.s32 $0xC980, s1  }
0x1d: {  	s9 =	simm.s32 $0x9D8;
	s10 =	simm.s32 $0x2F40;
	[dreg:$0x1a] =	wrdreg s21  }
0x1e: {  	s21 =	simm.s32 $0x42F0;
	s1 =	sadd.s32 s6, s1;
	s6 =	ssub.s32 $0x2, s5  }
0x1f: {  	s20 =	sadd.s32 $0x2C00, s11;
	[dreg:$0x8] =	wrdreg s4;
	s5 =	sshrl.u32 s6, $0x1  }
0x20: {  	s4 =	simm.s32 $0x7E0;
	[dreg:$0x12] =	wrdreg s9;
	s5 =	ssub.s32 s6, s5  }
0x21: {  	s11 =	sadd.s32 s8, s2;
	[dreg:$0x13] =	wrdreg s10;
	s16 =	smax.u32 s5, $0x1  }
0x22: {  	s10 =	simm.s32 $0x4EC0;
	[dreg:$0x7] =	wrdreg s20;
	p1 =	sne.s32 s16, $0x1  }
.Ltmp0:
0x23: {  	s8 =	simm.s32 $0x6E00;
	[dreg:$0xa] =	wrdreg s1;
	(pc) =	sbr.rel @!p1 .LBB2_3-.Ltmp0, $4  }
0x24: {  	s9 =	simm.s32 $0x2;
	[dreg:$0x10] =	wrdreg s4;
	s4 =	sor.u32 $0x1C03, s13  }
0x25: {  	s20 =	simm.s32 $0x3528;
	s13 =	simm.s32 $0x4AD0;
	s6 =	simm.s32 $0x3  }
0x26: {  	[dreg:$0x19] =	wrdreg s20;
	s20 =	simm.s32 $0x1F80;
	s5 =	sshrl.u32 s11, $0x3  }
0x27: {  	s11 =	simm.s32 $0x1;
	s0 =	sadd.s32 $0xFFFFFFFF, s16;
	s16 =	simm.s32 $0x2370  }
0x28: {  	[smem:$0x7FD] =	sst s0  }
0x29: {  	s1 =	rddreg [dreg:$0x5]  }
0x2a: {  	[spmem:s5], [sflag:s4] =	dma.local [hbm:s1], $0x500  }
0x2b: {  	_ =	swait.ge [sflag:s6], $0x500  }
0x2c: {  	s0 =	rddreg [dreg:$0x6];
	[sflag:s6] =	ssyncset.done $0x0  }
0x2d: {  	s1 =	rddreg [dreg:$0x9];
	[sflag:s6] =	ssyncadd.s32 $0xFFFFFB00  }
0x2e: {  	[spmem:s1], [sflag:s4] =	dma.local [hbm:s0], $0x4E2  }
0x2f: {  	_ =	swait.ge [sflag:s6], $0x4E2  }
0x30: {  	[sflag:s6] =	ssyncset.done $0x0  }
0x31: {  	s1 =	rddreg [dreg:$0x7];
	[sflag:s6] =	ssyncadd.s32 $0xFFFFFB1E  }
0x32: {  	[tilespmem:s30], [sflag:$0x3] =	stream.linear.gather [hbm4b:s1+s30], $0x2760, $0x38;
	[tilespmem:$0xDC50] =	vst v63  }
0x33: {  	_ =	swait.ge [sflag:s6], $0x2760  }
0x34: {  	[sflag:s6] =	ssyncset.done $0x0  }
0x35: {  	s1 =	rddreg [dreg:$0xa];
	[sflag:s6] =	ssyncadd.s32 $0xFFFFD8A0  }
0x36: {  	[tilespmem:s31], [sflag:$0x3] =	stream.linear.gather [hbm4b:s1+s30], $0x2760, $0x38;
	[tilespmem:$0xDC50] =	vst v63  }
0x37: {  	_ =	swait.ge [sflag:s6], $0x2760  }
0x38: {  	[sflag:s6] =	ssyncset.done $0x0  }
0x39: {  	[sflag:s6] =	ssyncadd.s32 $0xFFFFD8A0  }
0x3a: {  	[bflag:$0x0] =	sbarrier.arrive $0xFFFF  }
0x3b: {  	[tilespmem:s10], [sflag:$0x1] =	stream.indirect.gather [spmem:s3], $0x10, s30, s7, $0xb8;
	[tilespmem:$0xDC50] =	vst v63  }
0x3c: {  	s1 =	rddreg [dreg:$0xb]  }
0x3d: {  	[tilespmem:s8], [sflag:$0x2] =	stream.indirect.gather [spmem:s3], $0x10, s1, s7, $0xb8;
	[tilespmem:$0xDC50] =	vst v63  }
0x3e: {  	_ =	swait.ge [sflag:s11], $0x1F40  }
0x3f: {  	[sflag:s11] =	ssyncset.done $0x0  }
0x40: {  	[sflag:s11] =	ssyncadd.s32 $0xFFFFE0C0  }
0x41: {  	[spmem:s2] =	stream.indirect.scatter.add.f32 [tilespmem:s10], [sflag:$0x1], $0x10, s31, s7, $0xb8;
	[tilespmem:$0xDC50] =	vst v63  }
0x42: {  	_ =	swait.ge [sflag:s11], $0x1F40  }
0x43: {  	[sflag:s11] =	ssyncset.done $0x0  }
0x44: {  	s1 =	rddreg [dreg:$0xc];
	[sflag:s11] =	ssyncadd.s32 $0xFFFFE0C0  }
0x45: {  	[tilespmem:s10], [sflag:$0x1] =	stream.indirect.gather [spmem:s3], $0x10, s1, s7, $0xb8;
	[tilespmem:$0xDC50] =	vst v63  }
0x46: {  	_ =	swait.ge [sflag:s9], $0x1F40  }
0x47: {  	[sflag:s9] =	ssyncset.done $0x0  }
0x48: {  	s1 =	rddreg [dreg:$0xd];
	[sflag:s9] =	ssyncadd.s32 $0xFFFFE0C0  }
0x49: {  	[spmem:s2] =	stream.indirect.scatter.add.f32 [tilespmem:s8], [sflag:$0x2], $0x10, s1, s7, $0xb8;
	[tilespmem:$0xDC50] =	vst v63  }
0x4a: {  	_ =	swait.ge [sflag:s9], $0x1F40  }
0x4b: {  	[sflag:s9] =	ssyncset.done $0x0  }
0x4c: {  	s1 =	rddreg [dreg:$0xe];
	[sflag:s9] =	ssyncadd.s32 $0xFFFFE0C0  }
0x4d: {  	[tilespmem:s8], [sflag:$0x2] =	stream.indirect.gather [spmem:s3], $0x10, s1, s7, $0xb8;
	[tilespmem:$0xDC50] =	vst v63  }
0x4e: {  	_ =	swait.ge [sflag:s11], $0x1F40  }
0x4f: {  	[sflag:s11] =	ssyncset.done $0x0  }
0x50: {  	s1 =	rddreg [dreg:$0xf];
	[sflag:s11] =	ssyncadd.s32 $0xFFFFE0C0  }
0x51: {  	[spmem:s2] =	stream.indirect.scatter.add.f32 [tilespmem:s10], [sflag:$0x1], $0x10, s1, s7, $0xb8;
	[tilespmem:$0xDC50] =	vst v63  }
0x52: {  	_ =	swait.ge [sflag:s11], $0x1F40  }
0x53: {  	[sflag:s11] =	ssyncset.done $0x0  }
0x54: {  	s1 =	rddreg [dreg:$0x10];
	[sflag:s11] =	ssyncadd.s32 $0xFFFFE0C0  }
0x55: {  	[tilespmem:s10], [sflag:$0x1] =	stream.indirect.gather [spmem:s3], $0x10, s1, s7, $0xb8;
	[tilespmem:$0xDC50] =	vst v63  }
0x56: {  	_ =	swait.ge [sflag:s9], $0x1F40  }
0x57: {  	[sflag:s9] =	ssyncset.done $0x0  }
0x58: {  	s1 =	rddreg [dreg:$0x11];
	[sflag:s9] =	ssyncadd.s32 $0xFFFFE0C0  }
0x59: {  	[spmem:s2] =	stream.indirect.scatter.add.f32 [tilespmem:s8], [sflag:$0x2], $0x10, s1, s7, $0xb8;
	[tilespmem:$0xDC50] =	vst v63  }
0x5a: {  	_ =	swait.ge [sflag:s9], $0x1F40  }
0x5b: {  	[sflag:s9] =	ssyncset.done $0x0  }
0x5c: {  	s1 =	rddreg [dreg:$0x12];
	[sflag:s9] =	ssyncadd.s32 $0xFFFFE0C0  }
0x5d: {  	[tilespmem:s8], [sflag:$0x2] =	stream.indirect.gather [spmem:s3], $0x10, s1, s7, $0xb8;
	[tilespmem:$0xDC50] =	vst v63  }
0x5e: {  	_ =	swait.ge [sflag:s11], $0x1F40  }
0x5f: {  	[sflag:s11] =	ssyncset.done $0x0  }
0x60: {  	s1 =	rddreg [dreg:$0x13];
	[sflag:s11] =	ssyncadd.s32 $0xFFFFE0C0  }
0x61: {  	[spmem:s2] =	stream.indirect.scatter.add.f32 [tilespmem:s10], [sflag:$0x1], $0x10, s1, s7, $0xb8;
	[tilespmem:$0xDC50] =	vst v63  }
0x62: {  	_ =	swait.ge [sflag:s11], $0x1F40  }
0x63: {  	[sflag:s11] =	ssyncset.done $0x0  }
0x64: {  	s1 =	rddreg [dreg:$0x14];
	[sflag:s11] =	ssyncadd.s32 $0xFFFFE0C0  }
0x65: {  	[tilespmem:s10], [sflag:$0x1] =	stream.indirect.gather [spmem:s3], $0x10, s1, s7, $0xb8;
	[tilespmem:$0xDC50] =	vst v63  }
0x66: {  	_ =	swait.ge [sflag:s9], $0x1F40  }
0x67: {  	[sflag:s9] =	ssyncset.done $0x0  }
0x68: {  	s1 =	rddreg [dreg:$0x15];
	[sflag:s9] =	ssyncadd.s32 $0xFFFFE0C0  }
0x69: {  	[spmem:s2] =	stream.indirect.scatter.add.f32 [tilespmem:s8], [sflag:$0x2], $0x10, s1, s7, $0xb8;
	[tilespmem:$0xDC50] =	vst v63  }
0x6a: {  	_ =	swait.ge [sflag:s9], $0x1F40  }
0x6b: {  	[sflag:s9] =	ssyncset.done $0x0  }
0x6c: {  	s1 =	rddreg [dreg:$0x16];
	[sflag:s9] =	ssyncadd.s32 $0xFFFFE0C0  }
0x6d: {  	[tilespmem:s8], [sflag:$0x2] =	stream.indirect.gather [spmem:s3], $0x10, s1, s7, $0xb8;
	[tilespmem:$0xDC50] =	vst v63  }
0x6e: {  	_ =	swait.ge [sflag:s11], $0x1F40  }
0x6f: {  	[sflag:s11] =	ssyncset.done $0x0  }
0x70: {  	s1 =	rddreg [dreg:$0x17];
	[sflag:s11] =	ssyncadd.s32 $0xFFFFE0C0  }
0x71: {  	[spmem:s2] =	stream.indirect.scatter.add.f32 [tilespmem:s10], [sflag:$0x1], $0x10, s1, s7, $0xb8;
	[tilespmem:$0xDC50] =	vst v63  }
0x72: {  	_ =	swait.ge [sflag:s11], $0x1F40  }
0x73: {  	[sflag:s11] =	ssyncset.done $0x0  }
0x74: {  	s1 =	rddreg [dreg:$0x18];
	[sflag:s11] =	ssyncadd.s32 $0xFFFFE0C0  }
0x75: {  	[tilespmem:s10], [sflag:$0x1] =	stream.indirect.gather [spmem:s3], $0x10, s1, s7, $0xb8;
	[tilespmem:$0xDC50] =	vst v63  }
0x76: {  	_ =	swait.ge [sflag:s9], $0x1F40  }
0x77: {  	[sflag:s9] =	ssyncset.done $0x0  }
0x78: {  	s1 =	rddreg [dreg:$0x19];
	[sflag:s9] =	ssyncadd.s32 $0xFFFFE0C0  }
0x79: {  	[spmem:s2] =	stream.indirect.scatter.add.f32 [tilespmem:s8], [sflag:$0x2], $0x10, s1, s7, $0xb8;
	[tilespmem:$0xDC50] =	vst v63  }
0x7a: {  	_ =	swait.ge [sflag:s9], $0x1F40  }
0x7b: {  	[sflag:s9] =	ssyncset.done $0x0  }
0x7c: {  	s1 =	rddreg [dreg:$0x1a];
	[sflag:s9] =	ssyncadd.s32 $0xFFFFE0C0  }
0x7d: {  	[tilespmem:s8], [sflag:$0x2] =	stream.indirect.gather [spmem:s3], $0x10, s1, s7, $0xb8;
	[tilespmem:$0xDC50] =	vst v63  }
0x7e: {  	_ =	swait.ge [sflag:s11], $0x1F40  }
0x7f: {  	[sflag:s11] =	ssyncset.done $0x0  }
0x80: {  	s1 =	rddreg [dreg:$0x1b];
	[sflag:s11] =	ssyncadd.s32 $0xFFFFE0C0  }
0x81: {  	[spmem:s2] =	stream.indirect.scatter.add.f32 [tilespmem:s10], [sflag:$0x1], $0x10, s1, s7, $0xb8;
	[tilespmem:$0xDC50] =	vst v63  }
0x82: {  	_ =	swait.ge [sflag:s11], $0x1F40  }
0x83: {  	[sflag:s11] =	ssyncset.done $0x0  }
0x84: {  	s1 =	rddreg [dreg:$0x1c];
	[sflag:s11] =	ssyncadd.s32 $0xFFFFE0C0  }
0x85: {  	[tilespmem:s10], [sflag:$0x1] =	stream.indirect.gather [spmem:s3], $0x10, s1, s7, $0xb8;
	[tilespmem:$0xDC50] =	vst v63  }
0x86: {  	_ =	swait.ge [sflag:s9], $0x1F40  }
0x87: {  	[sflag:s9] =	ssyncset.done $0x0  }
0x88: {  	s1 =	rddreg [dreg:$0x1d];
	[sflag:s9] =	ssyncadd.s32 $0xFFFFE0C0  }
0x89: {  	[spmem:s2] =	stream.indirect.scatter.add.f32 [tilespmem:s8], [sflag:$0x2], $0x10, s1, s7, $0xb8;
	[tilespmem:$0xDC50] =	vst v63  }
0x8a: {  	_ =	swait.ge [sflag:s9], $0x1F40  }
0x8b: {  	[sflag:s9] =	ssyncset.done $0x0  }
0x8c: {  	s1 =	rddreg [dreg:$0x1e];
	[sflag:s9] =	ssyncadd.s32 $0xFFFFE0C0  }
0x8d: {  	[tilespmem:s8], [sflag:$0x2] =	stream.indirect.gather [spmem:s3], $0x10, s1, s7, $0xb8;
	[tilespmem:$0xDC50] =	vst v63  }
0x8e: {  	_ =	swait.ge [sflag:s11], $0x1F40  }
0x8f: {  	[sflag:s11] =	ssyncset.done $0x0  }
0x90: {  	s1 =	rddreg [dreg:$0x1f];
	[sflag:s11] =	ssyncadd.s32 $0xFFFFE0C0  }
0x91: {  	[spmem:s2] =	stream.indirect.scatter.add.f32 [tilespmem:s10], [sflag:$0x1], $0x10, s1, s7, $0xb8;
	[tilespmem:$0xDC50] =	vst v63  }
0x92: {  	_ =	swait.ge [sflag:s11], $0x1F40  }
0x93: {  	[sflag:s11] =	ssyncset.done $0x0  }
0x94: {  	[sflag:s11] =	ssyncadd.s32 $0xFFFFE0C0  }
0x95: {  	[tilespmem:s10], [sflag:$0x1] =	stream.indirect.gather [spmem:s3], $0x10, s29, s7, $0xb8;
	[tilespmem:$0xDC50] =	vst v63  }
0x96: {  	_ =	swait.ge [sflag:s9], $0x1F40  }
0x97: {  	[sflag:s9] =	ssyncset.done $0x0  }
0x98: {  	[sflag:s9] =	ssyncadd.s32 $0xFFFFE0C0  }
0x99: {  	[spmem:s2] =	stream.indirect.scatter.add.f32 [tilespmem:s8], [sflag:$0x2], $0x10, s28, s7, $0xb8;
	[tilespmem:$0xDC50] =	vst v63  }
0x9a: {  	_ =	swait.ge [sflag:s9], $0x1F40  }
0x9b: {  	[sflag:s9] =	ssyncset.done $0x0  }
0x9c: {  	[sflag:s9] =	ssyncadd.s32 $0xFFFFE0C0  }
0x9d: {  	[tilespmem:s8], [sflag:$0x2] =	stream.indirect.gather [spmem:s3], $0x10, s26, s7, $0xb8;
	[tilespmem:$0xDC50] =	vst v63  }
0x9e: {  	_ =	swait.ge [sflag:s11], $0x1F40  }
0x9f: {  	[sflag:s11] =	ssyncset.done $0x0  }
0xa0: {  	[sflag:s11] =	ssyncadd.s32 $0xFFFFE0C0  }
0xa1: {  	[spmem:s2] =	stream.indirect.scatter.add.f32 [tilespmem:s10], [sflag:$0x1], $0x10, s25, s7, $0xb8;
	[tilespmem:$0xDC50] =	vst v63  }
0xa2: {  	_ =	swait.ge [sflag:s11], $0x1F40  }
0xa3: {  	[sflag:s11] =	ssyncset.done $0x0  }
0xa4: {  	[sflag:s11] =	ssyncadd.s32 $0xFFFFE0C0  }
0xa5: {  	[tilespmem:s10], [sflag:$0x1] =	stream.indirect.gather [spmem:s3], $0x10, s24, s7, $0xb8;
	[tilespmem:$0xDC50] =	vst v63  }
0xa6: {  	_ =	swait.ge [sflag:s9], $0x1F40  }
0xa7: {  	[sflag:s9] =	ssyncset.done $0x0  }
0xa8: {  	[sflag:s9] =	ssyncadd.s32 $0xFFFFE0C0  }
0xa9: {  	[spmem:s2] =	stream.indirect.scatter.add.f32 [tilespmem:s8], [sflag:$0x2], $0x10, s23, s7, $0xb8;
	[tilespmem:$0xDC50] =	vst v63  }
0xaa: {  	_ =	swait.ge [sflag:s9], $0x1F40  }
0xab: {  	[sflag:s9] =	ssyncset.done $0x0  }
0xac: {  	[sflag:s9] =	ssyncadd.s32 $0xFFFFE0C0  }
0xad: {  	[tilespmem:s8], [sflag:$0x2] =	stream.indirect.gather [spmem:s3], $0x10, s22, s7, $0xb8;
	[tilespmem:$0xDC50] =	vst v63  }
0xae: {  	_ =	swait.ge [sflag:s11], $0x1F40  }
0xaf: {  	[sflag:s11] =	ssyncset.done $0x0  }
0xb0: {  	[sflag:s11] =	ssyncadd.s32 $0xFFFFE0C0  }
0xb1: {  	[spmem:s2] =	stream.indirect.scatter.add.f32 [tilespmem:s10], [sflag:$0x1], $0x10, s21, s7, $0xb8;
	[tilespmem:$0xDC50] =	vst v63  }
0xb2: {  	_ =	swait.ge [sflag:s11], $0x1F40  }
0xb3: {  	[sflag:s11] =	ssyncset.done $0x0  }
0xb4: {  	[sflag:s11] =	ssyncadd.s32 $0xFFFFE0C0  }
0xb5: {  	[tilespmem:s10], [sflag:$0x1] =	stream.indirect.gather [spmem:s3], $0x10, s20, s7, $0xb8;
	[tilespmem:$0xDC50] =	vst v63  }
0xb6: {  	_ =	swait.ge [sflag:s9], $0x1F40  }
0xb7: {  	[sflag:s9] =	ssyncset.done $0x0  }
0xb8: {  	[sflag:s9] =	ssyncadd.s32 $0xFFFFE0C0  }
0xb9: {  	[spmem:s2] =	stream.indirect.scatter.add.f32 [tilespmem:s8], [sflag:$0x2], $0x10, s19, s7, $0xb8;
	[tilespmem:$0xDC50] =	vst v63  }
0xba: {  	_ =	swait.ge [sflag:s9], $0x1F40  }
0xbb: {  	[sflag:s9] =	ssyncset.done $0x0  }
0xbc: {  	[sflag:s9] =	ssyncadd.s32 $0xFFFFE0C0  }
0xbd: {  	[tilespmem:s8], [sflag:$0x2] =	stream.indirect.gather [spmem:s3], $0x10, s17, s7, $0xb8;
	[tilespmem:$0xDC50] =	vst v63  }
0xbe: {  	_ =	swait.ge [sflag:s11], $0x1F40  }
0xbf: {  	[sflag:s11] =	ssyncset.done $0x0  }
0xc0: {  	[sflag:s11] =	ssyncadd.s32 $0xFFFFE0C0  }
0xc1: {  	[spmem:s2] =	stream.indirect.scatter.add.f32 [tilespmem:s10], [sflag:$0x1], $0x10, s18, s7, $0xb8;
	[tilespmem:$0xDC50] =	vst v63  }
0xc2: {  	_ =	swait.ge [sflag:s11], $0x1F40  }
0xc3: {  	[sflag:s11] =	ssyncset.done $0x0  }
0xc4: {  	[sflag:s11] =	ssyncadd.s32 $0xFFFFE0C0  }
0xc5: {  	[tilespmem:s10], [sflag:$0x1] =	stream.indirect.gather [spmem:s3], $0x10, s16, s7, $0xb8;
	[tilespmem:$0xDC50] =	vst v63  }
0xc6: {  	_ =	swait.ge [sflag:s9], $0x1F40  }
0xc7: {  	[sflag:s9] =	ssyncset.done $0x0  }
0xc8: {  	[sflag:s9] =	ssyncadd.s32 $0xFFFFE0C0  }
0xc9: {  	[spmem:s2] =	stream.indirect.scatter.add.f32 [tilespmem:s8], [sflag:$0x2], $0x10, s15, s7, $0xb8;
	[tilespmem:$0xDC50] =	vst v63  }
0xca: {  	_ =	swait.ge [sflag:s9], $0x1F40  }
0xcb: {  	[sflag:s9] =	ssyncset.done $0x0  }
0xcc: {  	[sflag:s9] =	ssyncadd.s32 $0xFFFFE0C0  }
0xcd: {  	[tilespmem:s8], [sflag:$0x2] =	stream.indirect.gather [spmem:s3], $0x10, s14, s7, $0xb8;
	[tilespmem:$0xDC50] =	vst v63  }
0xce: {  	_ =	swait.ge [sflag:s11], $0x1F40  }
0xcf: {  	[sflag:s11] =	ssyncset.done $0x0  }
0xd0: {  	[sflag:s11] =	ssyncadd.s32 $0xFFFFE0C0  }
0xd1: {  	[spmem:s2] =	stream.indirect.scatter.add.f32 [tilespmem:s10], [sflag:$0x1], $0x10, s13, s7, $0xb8;
	[tilespmem:$0xDC50] =	vst v63  }
0xd2: {  	_ =	swait.ge [sflag:s11], $0x1F40  }
0xd3: {  	[sflag:s11] =	ssyncset.done $0x0  }
0xd4: {  	[sflag:s11] =	ssyncadd.s32 $0xFFFFE0C0  }
0xd5: {  	_ =	swait.ge [sflag:s9], $0x1F40  }
0xd6: {  	[sflag:s9] =	ssyncset.done $0x0  }
0xd7: {  	[sflag:s9] =	ssyncadd.s32 $0xFFFFE0C0  }
0xd8: {  	[spmem:s2] =	stream.indirect.scatter.add.f32 [tilespmem:s8], [sflag:$0x2], $0x10, s12, s7, $0xb8;
	[tilespmem:$0xDC50] =	vst v63  }
0xd9: {  	_ =	swait.ge [sflag:s9], $0x1F40  }
0xda: {  	[sflag:s9] =	ssyncset.done $0x0  }
0xdb: {  	[sflag:s9] =	ssyncadd.s32 $0xFFFFE0C0  }
0xdc: {  	[bflag:$0x0] =	sbarrier.arrive $0xFFFF  }
0xdd: {  	s1 =	rddreg [dreg:$0x8]  }
0xde: {  	[hbm:s1], [sflag:s4] =	dma.local [spmem:s5], $0x500  }
0xdf: {  	s0 =	sld [smem:$0x7FD];
	_ =	sdelay $0x2  }
0xe0: {  	p1 =	sne.s32 s0, $0x1  }
.Ltmp1:
0xe1: {  	_ = 	snop;
	(pc) =	sbr.rel @!p1 .LBB2_3-.Ltmp1, $2  }
0xe2: {  	_ =	sdelay $0x2  }
0xe3: {  	p0 =	por $0x1, $0x1;
	_ =	swait.ge [sflag:s6], $0x500;
	s1 =	sadd.s32 $0xFFFFFFFF, s0  }
.LBB2_2:
0xe4: {  	[sflag:s6] =	ssyncset.done $0x0  }
0xe5: {  	s0 =	rddreg [dreg:$0x5];
	[sflag:s6] =	ssyncadd.s32 $0xFFFFFB00  }
0xe6: {  	[spmem:s5], [sflag:s4] =	dma.local [hbm:s0], $0x500  }
0xe7: {  	_ =	swait.ge [sflag:s6], $0x500  }
0xe8: {  	[sflag:s6] =	ssyncset.done $0x0;
	s0 =	rddreg [dreg:$0x6]  }
0xe9: {  	s12 =	rddreg [dreg:$0x9];
	[sflag:s6] =	ssyncadd.s32 $0xFFFFFB00  }
0xea: {  	[spmem:s12], [sflag:s4] =	dma.local [hbm:s0], $0x4E2  }
0xeb: {  	_ =	swait.ge [sflag:s6], $0x4E2  }
0xec: {  	[sflag:s6] =	ssyncset.done $0x0  }
0xed: {  	s0 =	rddreg [dreg:$0x7];
	[sflag:s6] =	ssyncadd.s32 $0xFFFFFB1E  }
0xee: {  	[tilespmem:s30], [sflag:$0x3] =	stream.linear.gather [hbm4b:s0+s30], $0x2760, $0x38;
	[tilespmem:$0xDC50] =	vst v63  }
0xef: {  	_ =	swait.ge [sflag:s6], $0x2760  }
0xf0: {  	[sflag:s6] =	ssyncset.done $0x0  }
0xf1: {  	s0 =	rddreg [dreg:$0xa];
	[sflag:s6] =	ssyncadd.s32 $0xFFFFD8A0  }
0xf2: {  	[tilespmem:s31], [sflag:$0x3] =	stream.linear.gather [hbm4b:s0+s30], $0x2760, $0x38;
	[tilespmem:$0xDC50] =	vst v63  }
0xf3: {  	_ =	swait.ge [sflag:s6], $0x2760  }
0xf4: {  	[sflag:s6] =	ssyncset.done $0x0  }
0xf5: {  	[sflag:s6] =	ssyncadd.s32 $0xFFFFD8A0  }
0xf6: {  	[bflag:$0x0] =	sbarrier.arrive $0xFFFF  }
0xf7: {  	[tilespmem:s10], [sflag:$0x1] =	stream.indirect.gather [spmem:s3], $0x10, s30, s7, $0xb8;
	[tilespmem:$0xDC50] =	vst v63  }
0xf8: {  	s0 =	rddreg [dreg:$0xb]  }
0xf9: {  	[tilespmem:s8], [sflag:$0x2] =	stream.indirect.gather [spmem:s3], $0x10, s0, s7, $0xb8;
	[tilespmem:$0xDC50] =	vst v63  }
0xfa: {  	_ =	swait.ge [sflag:s11], $0x1F40  }
0xfb: {  	[sflag:s11] =	ssyncset.done $0x0  }
0xfc: {  	[sflag:s11] =	ssyncadd.s32 $0xFFFFE0C0  }
0xfd: {  	[spmem:s2] =	stream.indirect.scatter.add.f32 [tilespmem:s10], [sflag:$0x1], $0x10, s31, s7, $0xb8;
	[tilespmem:$0xDC50] =	vst v63  }
0xfe: {  	_ =	swait.ge [sflag:s11], $0x1F40  }
0xff: {  	[sflag:s11] =	ssyncset.done $0x0  }
0x100: {  	s0 =	rddreg [dreg:$0xc];
	[sflag:s11] =	ssyncadd.s32 $0xFFFFE0C0  }
0x101: {  	[tilespmem:s10], [sflag:$0x1] =	stream.indirect.gather [spmem:s3], $0x10, s0, s7, $0xb8;
	[tilespmem:$0xDC50] =	vst v63  }
0x102: {  	_ =	swait.ge [sflag:s9], $0x1F40  }
0x103: {  	[sflag:s9] =	ssyncset.done $0x0  }
0x104: {  	s0 =	rddreg [dreg:$0xd];
	[sflag:s9] =	ssyncadd.s32 $0xFFFFE0C0  }
0x105: {  	[spmem:s2] =	stream.indirect.scatter.add.f32 [tilespmem:s8], [sflag:$0x2], $0x10, s0, s7, $0xb8;
	[tilespmem:$0xDC50] =	vst v63  }
0x106: {  	_ =	swait.ge [sflag:s9], $0x1F40  }
0x107: {  	[sflag:s9] =	ssyncset.done $0x0  }
0x108: {  	s0 =	rddreg [dreg:$0xe];
	[sflag:s9] =	ssyncadd.s32 $0xFFFFE0C0  }
0x109: {  	[tilespmem:s8], [sflag:$0x2] =	stream.indirect.gather [spmem:s3], $0x10, s0, s7, $0xb8;
	[tilespmem:$0xDC50] =	vst v63  }
0x10a: {  	_ =	swait.ge [sflag:s11], $0x1F40  }
0x10b: {  	[sflag:s11] =	ssyncset.done $0x0  }
0x10c: {  	s0 =	rddreg [dreg:$0xf];
	[sflag:s11] =	ssyncadd.s32 $0xFFFFE0C0  }
0x10d: {  	[spmem:s2] =	stream.indirect.scatter.add.f32 [tilespmem:s10], [sflag:$0x1], $0x10, s0, s7, $0xb8;
	[tilespmem:$0xDC50] =	vst v63  }
0x10e: {  	_ =	swait.ge [sflag:s11], $0x1F40  }
0x10f: {  	[sflag:s11] =	ssyncset.done $0x0  }
0x110: {  	s0 =	rddreg [dreg:$0x10];
	[sflag:s11] =	ssyncadd.s32 $0xFFFFE0C0  }
0x111: {  	[tilespmem:s10], [sflag:$0x1] =	stream.indirect.gather [spmem:s3], $0x10, s0, s7, $0xb8;
	[tilespmem:$0xDC50] =	vst v63  }
0x112: {  	_ =	swait.ge [sflag:s9], $0x1F40  }
0x113: {  	[sflag:s9] =	ssyncset.done $0x0  }
0x114: {  	s0 =	rddreg [dreg:$0x11];
	[sflag:s9] =	ssyncadd.s32 $0xFFFFE0C0  }
0x115: {  	[spmem:s2] =	stream.indirect.scatter.add.f32 [tilespmem:s8], [sflag:$0x2], $0x10, s0, s7, $0xb8;
	[tilespmem:$0xDC50] =	vst v63  }
0x116: {  	_ =	swait.ge [sflag:s9], $0x1F40  }
0x117: {  	[sflag:s9] =	ssyncset.done $0x0  }
0x118: {  	s0 =	rddreg [dreg:$0x12];
	[sflag:s9] =	ssyncadd.s32 $0xFFFFE0C0  }
0x119: {  	[tilespmem:s8], [sflag:$0x2] =	stream.indirect.gather [spmem:s3], $0x10, s0, s7, $0xb8;
	[tilespmem:$0xDC50] =	vst v63  }
0x11a: {  	_ =	swait.ge [sflag:s11], $0x1F40  }
0x11b: {  	[sflag:s11] =	ssyncset.done $0x0  }
0x11c: {  	s0 =	rddreg [dreg:$0x13];
	[sflag:s11] =	ssyncadd.s32 $0xFFFFE0C0  }
0x11d: {  	[spmem:s2] =	stream.indirect.scatter.add.f32 [tilespmem:s10], [sflag:$0x1], $0x10, s0, s7, $0xb8;
	[tilespmem:$0xDC50] =	vst v63  }
0x11e: {  	_ =	swait.ge [sflag:s11], $0x1F40  }
0x11f: {  	[sflag:s11] =	ssyncset.done $0x0  }
0x120: {  	s0 =	rddreg [dreg:$0x14];
	[sflag:s11] =	ssyncadd.s32 $0xFFFFE0C0  }
0x121: {  	[tilespmem:s10], [sflag:$0x1] =	stream.indirect.gather [spmem:s3], $0x10, s0, s7, $0xb8;
	[tilespmem:$0xDC50] =	vst v63  }
0x122: {  	_ =	swait.ge [sflag:s9], $0x1F40  }
0x123: {  	[sflag:s9] =	ssyncset.done $0x0  }
0x124: {  	s0 =	rddreg [dreg:$0x15];
	[sflag:s9] =	ssyncadd.s32 $0xFFFFE0C0  }
0x125: {  	[spmem:s2] =	stream.indirect.scatter.add.f32 [tilespmem:s8], [sflag:$0x2], $0x10, s0, s7, $0xb8;
	[tilespmem:$0xDC50] =	vst v63  }
0x126: {  	_ =	swait.ge [sflag:s9], $0x1F40  }
0x127: {  	[sflag:s9] =	ssyncset.done $0x0  }
0x128: {  	s0 =	rddreg [dreg:$0x16];
	[sflag:s9] =	ssyncadd.s32 $0xFFFFE0C0  }
0x129: {  	[tilespmem:s8], [sflag:$0x2] =	stream.indirect.gather [spmem:s3], $0x10, s0, s7, $0xb8;
	[tilespmem:$0xDC50] =	vst v63  }
0x12a: {  	_ =	swait.ge [sflag:s11], $0x1F40  }
0x12b: {  	[sflag:s11] =	ssyncset.done $0x0  }
0x12c: {  	s0 =	rddreg [dreg:$0x17];
	[sflag:s11] =	ssyncadd.s32 $0xFFFFE0C0  }
0x12d: {  	[spmem:s2] =	stream.indirect.scatter.add.f32 [tilespmem:s10], [sflag:$0x1], $0x10, s0, s7, $0xb8;
	[tilespmem:$0xDC50] =	vst v63  }
0x12e: {  	_ =	swait.ge [sflag:s11], $0x1F40  }
0x12f: {  	[sflag:s11] =	ssyncset.done $0x0  }
0x130: {  	s0 =	rddreg [dreg:$0x18];
	[sflag:s11] =	ssyncadd.s32 $0xFFFFE0C0  }
0x131: {  	[tilespmem:s10], [sflag:$0x1] =	stream.indirect.gather [spmem:s3], $0x10, s0, s7, $0xb8;
	[tilespmem:$0xDC50] =	vst v63  }
0x132: {  	_ =	swait.ge [sflag:s9], $0x1F40  }
0x133: {  	[sflag:s9] =	ssyncset.done $0x0  }
0x134: {  	s0 =	rddreg [dreg:$0x19];
	[sflag:s9] =	ssyncadd.s32 $0xFFFFE0C0  }
0x135: {  	[spmem:s2] =	stream.indirect.scatter.add.f32 [tilespmem:s8], [sflag:$0x2], $0x10, s0, s7, $0xb8;
	[tilespmem:$0xDC50] =	vst v63  }
0x136: {  	_ =	swait.ge [sflag:s9], $0x1F40  }
0x137: {  	[sflag:s9] =	ssyncset.done $0x0  }
0x138: {  	s0 =	rddreg [dreg:$0x1a];
	[sflag:s9] =	ssyncadd.s32 $0xFFFFE0C0  }
0x139: {  	[tilespmem:s8], [sflag:$0x2] =	stream.indirect.gather [spmem:s3], $0x10, s0, s7, $0xb8;
	[tilespmem:$0xDC50] =	vst v63  }
0x13a: {  	_ =	swait.ge [sflag:s11], $0x1F40  }
0x13b: {  	[sflag:s11] =	ssyncset.done $0x0  }
0x13c: {  	s0 =	rddreg [dreg:$0x1b];
	[sflag:s11] =	ssyncadd.s32 $0xFFFFE0C0  }
0x13d: {  	[spmem:s2] =	stream.indirect.scatter.add.f32 [tilespmem:s10], [sflag:$0x1], $0x10, s0, s7, $0xb8;
	[tilespmem:$0xDC50] =	vst v63  }
0x13e: {  	_ =	swait.ge [sflag:s11], $0x1F40  }
0x13f: {  	[sflag:s11] =	ssyncset.done $0x0  }
0x140: {  	s0 =	rddreg [dreg:$0x1c];
	[sflag:s11] =	ssyncadd.s32 $0xFFFFE0C0  }
0x141: {  	[tilespmem:s10], [sflag:$0x1] =	stream.indirect.gather [spmem:s3], $0x10, s0, s7, $0xb8;
	[tilespmem:$0xDC50] =	vst v63  }
0x142: {  	_ =	swait.ge [sflag:s9], $0x1F40  }
0x143: {  	[sflag:s9] =	ssyncset.done $0x0  }
0x144: {  	s0 =	rddreg [dreg:$0x1d];
	[sflag:s9] =	ssyncadd.s32 $0xFFFFE0C0  }
0x145: {  	[spmem:s2] =	stream.indirect.scatter.add.f32 [tilespmem:s8], [sflag:$0x2], $0x10, s0, s7, $0xb8;
	[tilespmem:$0xDC50] =	vst v63  }
0x146: {  	_ =	swait.ge [sflag:s9], $0x1F40  }
0x147: {  	[sflag:s9] =	ssyncset.done $0x0  }
0x148: {  	s0 =	rddreg [dreg:$0x1e];
	[sflag:s9] =	ssyncadd.s32 $0xFFFFE0C0  }
0x149: {  	[tilespmem:s8], [sflag:$0x2] =	stream.indirect.gather [spmem:s3], $0x10, s0, s7, $0xb8;
	[tilespmem:$0xDC50] =	vst v63  }
0x14a: {  	_ =	swait.ge [sflag:s11], $0x1F40  }
0x14b: {  	[sflag:s11] =	ssyncset.done $0x0  }
0x14c: {  	s0 =	rddreg [dreg:$0x1f];
	[sflag:s11] =	ssyncadd.s32 $0xFFFFE0C0  }
0x14d: {  	[spmem:s2] =	stream.indirect.scatter.add.f32 [tilespmem:s10], [sflag:$0x1], $0x10, s0, s7, $0xb8;
	[tilespmem:$0xDC50] =	vst v63  }
0x14e: {  	_ =	swait.ge [sflag:s11], $0x1F40  }
0x14f: {  	[sflag:s11] =	ssyncset.done $0x0  }
0x150: {  	[sflag:s11] =	ssyncadd.s32 $0xFFFFE0C0  }
0x151: {  	[tilespmem:s10], [sflag:$0x1] =	stream.indirect.gather [spmem:s3], $0x10, s29, s7, $0xb8;
	[tilespmem:$0xDC50] =	vst v63  }
0x152: {  	_ =	swait.ge [sflag:s9], $0x1F40  }
0x153: {  	[sflag:s9] =	ssyncset.done $0x0  }
0x154: {  	[sflag:s9] =	ssyncadd.s32 $0xFFFFE0C0  }
0x155: {  	[spmem:s2] =	stream.indirect.scatter.add.f32 [tilespmem:s8], [sflag:$0x2], $0x10, s28, s7, $0xb8;
	[tilespmem:$0xDC50] =	vst v63  }
0x156: {  	_ =	swait.ge [sflag:s9], $0x1F40  }
0x157: {  	[sflag:s9] =	ssyncset.done $0x0  }
0x158: {  	[sflag:s9] =	ssyncadd.s32 $0xFFFFE0C0  }
0x159: {  	[tilespmem:s8], [sflag:$0x2] =	stream.indirect.gather [spmem:s3], $0x10, s26, s7, $0xb8;
	[tilespmem:$0xDC50] =	vst v63  }
0x15a: {  	_ =	swait.ge [sflag:s11], $0x1F40  }
0x15b: {  	[sflag:s11] =	ssyncset.done $0x0  }
0x15c: {  	[sflag:s11] =	ssyncadd.s32 $0xFFFFE0C0  }
0x15d: {  	[spmem:s2] =	stream.indirect.scatter.add.f32 [tilespmem:s10], [sflag:$0x1], $0x10, s25, s7, $0xb8;
	[tilespmem:$0xDC50] =	vst v63  }
0x15e: {  	_ =	swait.ge [sflag:s11], $0x1F40  }
0x15f: {  	[sflag:s11] =	ssyncset.done $0x0  }
0x160: {  	[sflag:s11] =	ssyncadd.s32 $0xFFFFE0C0  }
0x161: {  	[tilespmem:s10], [sflag:$0x1] =	stream.indirect.gather [spmem:s3], $0x10, s24, s7, $0xb8;
	[tilespmem:$0xDC50] =	vst v63  }
0x162: {  	_ =	swait.ge [sflag:s9], $0x1F40  }
0x163: {  	[sflag:s9] =	ssyncset.done $0x0  }
0x164: {  	[sflag:s9] =	ssyncadd.s32 $0xFFFFE0C0  }
0x165: {  	[spmem:s2] =	stream.indirect.scatter.add.f32 [tilespmem:s8], [sflag:$0x2], $0x10, s23, s7, $0xb8;
	[tilespmem:$0xDC50] =	vst v63  }
0x166: {  	_ =	swait.ge [sflag:s9], $0x1F40  }
0x167: {  	[sflag:s9] =	ssyncset.done $0x0  }
0x168: {  	[sflag:s9] =	ssyncadd.s32 $0xFFFFE0C0  }
0x169: {  	[tilespmem:s8], [sflag:$0x2] =	stream.indirect.gather [spmem:s3], $0x10, s22, s7, $0xb8;
	[tilespmem:$0xDC50] =	vst v63  }
0x16a: {  	_ =	swait.ge [sflag:s11], $0x1F40  }
0x16b: {  	[sflag:s11] =	ssyncset.done $0x0  }
0x16c: {  	[sflag:s11] =	ssyncadd.s32 $0xFFFFE0C0  }
0x16d: {  	[spmem:s2] =	stream.indirect.scatter.add.f32 [tilespmem:s10], [sflag:$0x1], $0x10, s21, s7, $0xb8;
	[tilespmem:$0xDC50] =	vst v63  }
0x16e: {  	_ =	swait.ge [sflag:s11], $0x1F40  }
0x16f: {  	[sflag:s11] =	ssyncset.done $0x0  }
0x170: {  	[sflag:s11] =	ssyncadd.s32 $0xFFFFE0C0  }
0x171: {  	[tilespmem:s10], [sflag:$0x1] =	stream.indirect.gather [spmem:s3], $0x10, s20, s7, $0xb8;
	[tilespmem:$0xDC50] =	vst v63  }
0x172: {  	_ =	swait.ge [sflag:s9], $0x1F40  }
0x173: {  	[sflag:s9] =	ssyncset.done $0x0  }
0x174: {  	[sflag:s9] =	ssyncadd.s32 $0xFFFFE0C0  }
0x175: {  	[spmem:s2] =	stream.indirect.scatter.add.f32 [tilespmem:s8], [sflag:$0x2], $0x10, s19, s7, $0xb8;
	[tilespmem:$0xDC50] =	vst v63  }
0x176: {  	_ =	swait.ge [sflag:s9], $0x1F40  }
0x177: {  	[sflag:s9] =	ssyncset.done $0x0  }
0x178: {  	[sflag:s9] =	ssyncadd.s32 $0xFFFFE0C0  }
0x179: {  	[tilespmem:s8], [sflag:$0x2] =	stream.indirect.gather [spmem:s3], $0x10, s17, s7, $0xb8;
	[tilespmem:$0xDC50] =	vst v63  }
0x17a: {  	_ =	swait.ge [sflag:s11], $0x1F40  }
0x17b: {  	[sflag:s11] =	ssyncset.done $0x0  }
0x17c: {  	[sflag:s11] =	ssyncadd.s32 $0xFFFFE0C0  }
0x17d: {  	[spmem:s2] =	stream.indirect.scatter.add.f32 [tilespmem:s10], [sflag:$0x1], $0x10, s18, s7, $0xb8;
	[tilespmem:$0xDC50] =	vst v63  }
0x17e: {  	_ =	swait.ge [sflag:s11], $0x1F40  }
0x17f: {  	[sflag:s11] =	ssyncset.done $0x0  }
0x180: {  	[sflag:s11] =	ssyncadd.s32 $0xFFFFE0C0  }
0x181: {  	[tilespmem:s10], [sflag:$0x1] =	stream.indirect.gather [spmem:s3], $0x10, s16, s7, $0xb8;
	[tilespmem:$0xDC50] =	vst v63  }
0x182: {  	_ =	swait.ge [sflag:s9], $0x1F40  }
0x183: {  	[sflag:s9] =	ssyncset.done $0x0  }
0x184: {  	[sflag:s9] =	ssyncadd.s32 $0xFFFFE0C0  }
0x185: {  	[spmem:s2] =	stream.indirect.scatter.add.f32 [tilespmem:s8], [sflag:$0x2], $0x10, s15, s7, $0xb8;
	[tilespmem:$0xDC50] =	vst v63  }
0x186: {  	_ =	swait.ge [sflag:s9], $0x1F40  }
0x187: {  	[sflag:s9] =	ssyncset.done $0x0  }
0x188: {  	[sflag:s9] =	ssyncadd.s32 $0xFFFFE0C0  }
0x189: {  	[tilespmem:s8], [sflag:$0x2] =	stream.indirect.gather [spmem:s3], $0x10, s14, s7, $0xb8;
	[tilespmem:$0xDC50] =	vst v63  }
0x18a: {  	_ =	swait.ge [sflag:s11], $0x1F40  }
0x18b: {  	[sflag:s11] =	ssyncset.done $0x0  }
0x18c: {  	[sflag:s11] =	ssyncadd.s32 $0xFFFFE0C0  }
0x18d: {  	[spmem:s2] =	stream.indirect.scatter.add.f32 [tilespmem:s10], [sflag:$0x1], $0x10, s13, s7, $0xb8;
	[tilespmem:$0xDC50] =	vst v63  }
0x18e: {  	_ =	swait.ge [sflag:s11], $0x1F40  }
0x18f: {  	[sflag:s11] =	ssyncset.done $0x0  }
0x190: {  	[sflag:s11] =	ssyncadd.s32 $0xFFFFE0C0  }
0x191: {  	_ =	swait.ge [sflag:s9], $0x1F40  }
0x192: {  	[sflag:s9] =	ssyncset.done $0x0  }
0x193: {  	s12 =	simm.s32 $0x4CC8;
	[sflag:s9] =	ssyncadd.s32 $0xFFFFE0C0  }
0x194: {  	[spmem:s2] =	stream.indirect.scatter.add.f32 [tilespmem:s8], [sflag:$0x2], $0x10, s12, s7, $0xb8;
	[tilespmem:$0xDC50] =	vst v63  }
0x195: {  	_ =	swait.ge [sflag:s9], $0x1F40  }
0x196: {  	p1 =	sne.s32 s1, $0x1;
	[sflag:s9] =	ssyncset.done $0x0  }
.Ltmp2:
0x197: {  	[sflag:s9] =	ssyncadd.s32 $0xFFFFE0C0;
	(pc) =	sbr.rel @p1 .LBB2_2-.Ltmp2, $4  }
0x198: {  	[bflag:$0x0] =	sbarrier.arrive $0xFFFF  }
0x199: {  	s0 =	rddreg [dreg:$0x8]  }
0x19a: {  	[hbm:s0], [sflag:s4] =	dma.local [spmem:s5], $0x500  }
0x19b: {  	s1 =	sadd.s32 $0xFFFFFFFF, s1;
	_ =	swait.ge [sflag:s6], $0x500  }
.LBB2_3:
0x19c: {  	[sflag:s6] =	ssyncset.done @p0 $0x0  }
0x19d: {  	s0 =	rddreg [dreg:$0x5];
	[sflag:s6] =	ssyncadd.s32 @p0 $0xFFFFFB00  }
0x19e: {  	[spmem:s5], [sflag:s4] =	dma.local [hbm:s0], $0x500  }
0x19f: {  	_ =	swait.ge [sflag:s6], $0x500  }
0x1a0: {  	s0 =	rddreg [dreg:$0x6];
	[sflag:s6] =	ssyncset.done $0x0  }
0x1a1: {  	s1 =	rddreg [dreg:$0x9];
	[sflag:s6] =	ssyncadd.s32 $0xFFFFFB00  }
0x1a2: {  	[spmem:s1], [sflag:s4] =	dma.local [hbm:s0], $0x4E2  }
0x1a3: {  	_ =	swait.ge [sflag:s6], $0x4E2  }
0x1a4: {  	[sflag:s6] =	ssyncset.done $0x0  }
0x1a5: {  	s1 =	rddreg [dreg:$0x7];
	[sflag:s6] =	ssyncadd.s32 $0xFFFFFB1E  }
0x1a6: {  	[tilespmem:s30], [sflag:$0x3] =	stream.linear.gather [hbm4b:s1+s30], $0x2760, $0x38;
	[tilespmem:$0xDC50] =	vst v63  }
0x1a7: {  	_ =	swait.ge [sflag:s6], $0x2760  }
0x1a8: {  	[sflag:s6] =	ssyncset.done $0x0  }
0x1a9: {  	s1 =	rddreg [dreg:$0xa];
	[sflag:s6] =	ssyncadd.s32 $0xFFFFD8A0  }
0x1aa: {  	[tilespmem:s31], [sflag:$0x3] =	stream.linear.gather [hbm4b:s1+s30], $0x2760, $0x38;
	[tilespmem:$0xDC50] =	vst v63  }
0x1ab: {  	_ =	swait.ge [sflag:s6], $0x2760  }
0x1ac: {  	[sflag:s6] =	ssyncset.done $0x0  }
0x1ad: {  	[sflag:s6] =	ssyncadd.s32 $0xFFFFD8A0  }
0x1ae: {  	[bflag:$0x0] =	sbarrier.arrive $0xFFFF  }
0x1af: {  	[tilespmem:s10], [sflag:$0x1] =	stream.indirect.gather [spmem:s3], $0x10, s30, s7, $0xb8;
	[tilespmem:$0xDC50] =	vst v63  }
0x1b0: {  	s1 =	rddreg [dreg:$0xb]  }
0x1b1: {  	[tilespmem:s8], [sflag:$0x2] =	stream.indirect.gather [spmem:s3], $0x10, s1, s7, $0xb8;
	[tilespmem:$0xDC50] =	vst v63  }
0x1b2: {  	_ =	swait.ge [sflag:s11], $0x1F40  }
0x1b3: {  	[sflag:s11] =	ssyncset.done $0x0  }
0x1b4: {  	[sflag:s11] =	ssyncadd.s32 $0xFFFFE0C0  }
0x1b5: {  	[spmem:s2] =	stream.indirect.scatter.add.f32 [tilespmem:s10], [sflag:$0x1], $0x10, s31, s7, $0xb8;
	[tilespmem:$0xDC50] =	vst v63  }
0x1b6: {  	_ =	swait.ge [sflag:s11], $0x1F40  }
0x1b7: {  	[sflag:s11] =	ssyncset.done $0x0  }
0x1b8: {  	s31 =	rddreg [dreg:$0xc];
	[sflag:s11] =	ssyncadd.s32 $0xFFFFE0C0  }
0x1b9: {  	[tilespmem:s10], [sflag:$0x1] =	stream.indirect.gather [spmem:s3], $0x10, s31, s7, $0xb8;
	[tilespmem:$0xDC50] =	vst v63  }
0x1ba: {  	_ =	swait.ge [sflag:s9], $0x1F40  }
0x1bb: {  	[sflag:s9] =	ssyncset.done $0x0  }
0x1bc: {  	s1 =	rddreg [dreg:$0xd];
	[sflag:s9] =	ssyncadd.s32 $0xFFFFE0C0  }
0x1bd: {  	[spmem:s2] =	stream.indirect.scatter.add.f32 [tilespmem:s8], [sflag:$0x2], $0x10, s1, s7, $0xb8;
	[tilespmem:$0xDC50] =	vst v63  }
0x1be: {  	_ =	swait.ge [sflag:s9], $0x1F40  }
0x1bf: {  	[sflag:s9] =	ssyncset.done $0x0  }
0x1c0: {  	s30 =	rddreg [dreg:$0xe];
	[sflag:s9] =	ssyncadd.s32 $0xFFFFE0C0  }
0x1c1: {  	[tilespmem:s8], [sflag:$0x2] =	stream.indirect.gather [spmem:s3], $0x10, s30, s7, $0xb8;
	[tilespmem:$0xDC50] =	vst v63  }
0x1c2: {  	_ =	swait.ge [sflag:s11], $0x1F40  }
0x1c3: {  	[sflag:s11] =	ssyncset.done $0x0  }
0x1c4: {  	s31 =	rddreg [dreg:$0xf];
	[sflag:s11] =	ssyncadd.s32 $0xFFFFE0C0  }
0x1c5: {  	[spmem:s2] =	stream.indirect.scatter.add.f32 [tilespmem:s10], [sflag:$0x1], $0x10, s31, s7, $0xb8;
	[tilespmem:$0xDC50] =	vst v63  }
0x1c6: {  	_ =	swait.ge [sflag:s11], $0x1F40  }
0x1c7: {  	[sflag:s11] =	ssyncset.done $0x0  }
0x1c8: {  	s1 =	rddreg [dreg:$0x10];
	[sflag:s11] =	ssyncadd.s32 $0xFFFFE0C0  }
0x1c9: {  	[tilespmem:s10], [sflag:$0x1] =	stream.indirect.gather [spmem:s3], $0x10, s1, s7, $0xb8;
	[tilespmem:$0xDC50] =	vst v63  }
0x1ca: {  	_ =	swait.ge [sflag:s9], $0x1F40  }
0x1cb: {  	[sflag:s9] =	ssyncset.done $0x0  }
0x1cc: {  	s30 =	rddreg [dreg:$0x11];
	[sflag:s9] =	ssyncadd.s32 $0xFFFFE0C0  }
0x1cd: {  	[spmem:s2] =	stream.indirect.scatter.add.f32 [tilespmem:s8], [sflag:$0x2], $0x10, s30, s7, $0xb8;
	[tilespmem:$0xDC50] =	vst v63  }
0x1ce: {  	_ =	swait.ge [sflag:s9], $0x1F40  }
0x1cf: {  	[sflag:s9] =	ssyncset.done $0x0  }
0x1d0: {  	s31 =	rddreg [dreg:$0x12];
	[sflag:s9] =	ssyncadd.s32 $0xFFFFE0C0  }
0x1d1: {  	[tilespmem:s8], [sflag:$0x2] =	stream.indirect.gather [spmem:s3], $0x10, s31, s7, $0xb8;
	[tilespmem:$0xDC50] =	vst v63  }
0x1d2: {  	_ =	swait.ge [sflag:s11], $0x1F40  }
0x1d3: {  	[sflag:s11] =	ssyncset.done $0x0  }
0x1d4: {  	s1 =	rddreg [dreg:$0x13];
	[sflag:s11] =	ssyncadd.s32 $0xFFFFE0C0  }
0x1d5: {  	[spmem:s2] =	stream.indirect.scatter.add.f32 [tilespmem:s10], [sflag:$0x1], $0x10, s1, s7, $0xb8;
	[tilespmem:$0xDC50] =	vst v63  }
0x1d6: {  	_ =	swait.ge [sflag:s11], $0x1F40  }
0x1d7: {  	[sflag:s11] =	ssyncset.done $0x0  }
0x1d8: {  	s30 =	rddreg [dreg:$0x14];
	[sflag:s11] =	ssyncadd.s32 $0xFFFFE0C0  }
0x1d9: {  	[tilespmem:s10], [sflag:$0x1] =	stream.indirect.gather [spmem:s3], $0x10, s30, s7, $0xb8;
	[tilespmem:$0xDC50] =	vst v63  }
0x1da: {  	_ =	swait.ge [sflag:s9], $0x1F40  }
0x1db: {  	[sflag:s9] =	ssyncset.done $0x0  }
0x1dc: {  	s31 =	rddreg [dreg:$0x15];
	[sflag:s9] =	ssyncadd.s32 $0xFFFFE0C0  }
0x1dd: {  	[spmem:s2] =	stream.indirect.scatter.add.f32 [tilespmem:s8], [sflag:$0x2], $0x10, s31, s7, $0xb8;
	[tilespmem:$0xDC50] =	vst v63  }
0x1de: {  	_ =	swait.ge [sflag:s9], $0x1F40  }
0x1df: {  	[sflag:s9] =	ssyncset.done $0x0  }
0x1e0: {  	s1 =	rddreg [dreg:$0x16];
	[sflag:s9] =	ssyncadd.s32 $0xFFFFE0C0  }
0x1e1: {  	[tilespmem:s8], [sflag:$0x2] =	stream.indirect.gather [spmem:s3], $0x10, s1, s7, $0xb8;
	[tilespmem:$0xDC50] =	vst v63  }
0x1e2: {  	_ =	swait.ge [sflag:s11], $0x1F40  }
0x1e3: {  	[sflag:s11] =	ssyncset.done $0x0  }
0x1e4: {  	s30 =	rddreg [dreg:$0x17];
	[sflag:s11] =	ssyncadd.s32 $0xFFFFE0C0  }
0x1e5: {  	[spmem:s2] =	stream.indirect.scatter.add.f32 [tilespmem:s10], [sflag:$0x1], $0x10, s30, s7, $0xb8;
	[tilespmem:$0xDC50] =	vst v63  }
0x1e6: {  	_ =	swait.ge [sflag:s11], $0x1F40  }
0x1e7: {  	[sflag:s11] =	ssyncset.done $0x0  }
0x1e8: {  	s31 =	rddreg [dreg:$0x18];
	[sflag:s11] =	ssyncadd.s32 $0xFFFFE0C0  }
0x1e9: {  	[tilespmem:s10], [sflag:$0x1] =	stream.indirect.gather [spmem:s3], $0x10, s31, s7, $0xb8;
	[tilespmem:$0xDC50] =	vst v63  }
0x1ea: {  	_ =	swait.ge [sflag:s9], $0x1F40  }
0x1eb: {  	[sflag:s9] =	ssyncset.done $0x0  }
0x1ec: {  	s1 =	rddreg [dreg:$0x19];
	[sflag:s9] =	ssyncadd.s32 $0xFFFFE0C0  }
0x1ed: {  	[spmem:s2] =	stream.indirect.scatter.add.f32 [tilespmem:s8], [sflag:$0x2], $0x10, s1, s7, $0xb8;
	[tilespmem:$0xDC50] =	vst v63  }
0x1ee: {  	_ =	swait.ge [sflag:s9], $0x1F40  }
0x1ef: {  	[sflag:s9] =	ssyncset.done $0x0  }
0x1f0: {  	s30 =	rddreg [dreg:$0x1a];
	[sflag:s9] =	ssyncadd.s32 $0xFFFFE0C0  }
0x1f1: {  	[tilespmem:s8], [sflag:$0x2] =	stream.indirect.gather [spmem:s3], $0x10, s30, s7, $0xb8;
	[tilespmem:$0xDC50] =	vst v63  }
0x1f2: {  	_ =	swait.ge [sflag:s11], $0x1F40  }
0x1f3: {  	[sflag:s11] =	ssyncset.done $0x0  }
0x1f4: {  	s31 =	rddreg [dreg:$0x1b];
	[sflag:s11] =	ssyncadd.s32 $0xFFFFE0C0  }
0x1f5: {  	[spmem:s2] =	stream.indirect.scatter.add.f32 [tilespmem:s10], [sflag:$0x1], $0x10, s31, s7, $0xb8;
	[tilespmem:$0xDC50] =	vst v63  }
0x1f6: {  	_ =	swait.ge [sflag:s11], $0x1F40  }
0x1f7: {  	[sflag:s11] =	ssyncset.done $0x0  }
0x1f8: {  	s1 =	rddreg [dreg:$0x1c];
	[sflag:s11] =	ssyncadd.s32 $0xFFFFE0C0  }
0x1f9: {  	[tilespmem:s10], [sflag:$0x1] =	stream.indirect.gather [spmem:s3], $0x10, s1, s7, $0xb8;
	[tilespmem:$0xDC50] =	vst v63  }
0x1fa: {  	_ =	swait.ge [sflag:s9], $0x1F40  }
0x1fb: {  	[sflag:s9] =	ssyncset.done $0x0  }
0x1fc: {  	s30 =	rddreg [dreg:$0x1d];
	[sflag:s9] =	ssyncadd.s32 $0xFFFFE0C0  }
0x1fd: {  	[spmem:s2] =	stream.indirect.scatter.add.f32 [tilespmem:s8], [sflag:$0x2], $0x10, s30, s7, $0xb8;
	[tilespmem:$0xDC50] =	vst v63  }
0x1fe: {  	_ =	swait.ge [sflag:s9], $0x1F40  }
0x1ff: {  	[sflag:s9] =	ssyncset.done $0x0  }
0x200: {  	s31 =	rddreg [dreg:$0x1e];
	[sflag:s9] =	ssyncadd.s32 $0xFFFFE0C0  }
0x201: {  	[tilespmem:s8], [sflag:$0x2] =	stream.indirect.gather [spmem:s3], $0x10, s31, s7, $0xb8;
	[tilespmem:$0xDC50] =	vst v63  }
0x202: {  	_ =	swait.ge [sflag:s11], $0x1F40  }
0x203: {  	[sflag:s11] =	ssyncset.done $0x0  }
0x204: {  	s1 =	rddreg [dreg:$0x1f];
	[sflag:s11] =	ssyncadd.s32 $0xFFFFE0C0  }
0x205: {  	[spmem:s2] =	stream.indirect.scatter.add.f32 [tilespmem:s10], [sflag:$0x1], $0x10, s1, s7, $0xb8;
	[tilespmem:$0xDC50] =	vst v63  }
0x206: {  	_ =	swait.ge [sflag:s11], $0x1F40  }
0x207: {  	[sflag:s11] =	ssyncset.done $0x0  }
0x208: {  	[sflag:s11] =	ssyncadd.s32 $0xFFFFE0C0  }
0x209: {  	[tilespmem:s10], [sflag:$0x1] =	stream.indirect.gather [spmem:s3], $0x10, s29, s7, $0xb8;
	[tilespmem:$0xDC50] =	vst v63  }
0x20a: {  	_ =	swait.ge [sflag:s9], $0x1F40  }
0x20b: {  	[sflag:s9] =	ssyncset.done $0x0  }
0x20c: {  	[sflag:s9] =	ssyncadd.s32 $0xFFFFE0C0  }
0x20d: {  	[spmem:s2] =	stream.indirect.scatter.add.f32 [tilespmem:s8], [sflag:$0x2], $0x10, s28, s7, $0xb8;
	[tilespmem:$0xDC50] =	vst v63  }
0x20e: {  	_ =	swait.ge [sflag:s9], $0x1F40  }
0x20f: {  	[sflag:s9] =	ssyncset.done $0x0  }
0x210: {  	[sflag:s9] =	ssyncadd.s32 $0xFFFFE0C0  }
0x211: {  	[tilespmem:s8], [sflag:$0x2] =	stream.indirect.gather [spmem:s3], $0x10, s26, s7, $0xb8;
	[tilespmem:$0xDC50] =	vst v63  }
0x212: {  	_ =	swait.ge [sflag:s11], $0x1F40  }
0x213: {  	[sflag:s11] =	ssyncset.done $0x0  }
0x214: {  	[sflag:s11] =	ssyncadd.s32 $0xFFFFE0C0  }
0x215: {  	[spmem:s2] =	stream.indirect.scatter.add.f32 [tilespmem:s10], [sflag:$0x1], $0x10, s25, s7, $0xb8;
	[tilespmem:$0xDC50] =	vst v63  }
0x216: {  	_ =	swait.ge [sflag:s11], $0x1F40  }
0x217: {  	[sflag:s11] =	ssyncset.done $0x0  }
0x218: {  	[sflag:s11] =	ssyncadd.s32 $0xFFFFE0C0  }
0x219: {  	[tilespmem:s10], [sflag:$0x1] =	stream.indirect.gather [spmem:s3], $0x10, s24, s7, $0xb8;
	[tilespmem:$0xDC50] =	vst v63  }
0x21a: {  	_ =	swait.ge [sflag:s9], $0x1F40  }
0x21b: {  	[sflag:s9] =	ssyncset.done $0x0  }
0x21c: {  	[sflag:s9] =	ssyncadd.s32 $0xFFFFE0C0  }
0x21d: {  	[spmem:s2] =	stream.indirect.scatter.add.f32 [tilespmem:s8], [sflag:$0x2], $0x10, s23, s7, $0xb8;
	[tilespmem:$0xDC50] =	vst v63  }
0x21e: {  	_ =	swait.ge [sflag:s9], $0x1F40  }
0x21f: {  	[sflag:s9] =	ssyncset.done $0x0  }
0x220: {  	[sflag:s9] =	ssyncadd.s32 $0xFFFFE0C0  }
0x221: {  	[tilespmem:s8], [sflag:$0x2] =	stream.indirect.gather [spmem:s3], $0x10, s22, s7, $0xb8;
	[tilespmem:$0xDC50] =	vst v63  }
0x222: {  	_ =	swait.ge [sflag:s11], $0x1F40  }
0x223: {  	[sflag:s11] =	ssyncset.done $0x0  }
0x224: {  	[sflag:s11] =	ssyncadd.s32 $0xFFFFE0C0  }
0x225: {  	[spmem:s2] =	stream.indirect.scatter.add.f32 [tilespmem:s10], [sflag:$0x1], $0x10, s21, s7, $0xb8;
	[tilespmem:$0xDC50] =	vst v63  }
0x226: {  	_ =	swait.ge [sflag:s11], $0x1F40  }
0x227: {  	[sflag:s11] =	ssyncset.done $0x0  }
0x228: {  	[sflag:s11] =	ssyncadd.s32 $0xFFFFE0C0  }
0x229: {  	[tilespmem:s10], [sflag:$0x1] =	stream.indirect.gather [spmem:s3], $0x10, s20, s7, $0xb8;
	[tilespmem:$0xDC50] =	vst v63  }
0x22a: {  	_ =	swait.ge [sflag:s9], $0x1F40  }
0x22b: {  	[sflag:s9] =	ssyncset.done $0x0  }
0x22c: {  	[sflag:s9] =	ssyncadd.s32 $0xFFFFE0C0  }
0x22d: {  	[spmem:s2] =	stream.indirect.scatter.add.f32 [tilespmem:s8], [sflag:$0x2], $0x10, s19, s7, $0xb8;
	[tilespmem:$0xDC50] =	vst v63  }
0x22e: {  	_ =	swait.ge [sflag:s9], $0x1F40  }
0x22f: {  	[sflag:s9] =	ssyncset.done $0x0  }
0x230: {  	[sflag:s9] =	ssyncadd.s32 $0xFFFFE0C0  }
0x231: {  	[tilespmem:s8], [sflag:$0x2] =	stream.indirect.gather [spmem:s3], $0x10, s17, s7, $0xb8;
	[tilespmem:$0xDC50] =	vst v63  }
0x232: {  	_ =	swait.ge [sflag:s11], $0x1F40  }
0x233: {  	[sflag:s11] =	ssyncset.done $0x0  }
0x234: {  	[sflag:s11] =	ssyncadd.s32 $0xFFFFE0C0  }
0x235: {  	[spmem:s2] =	stream.indirect.scatter.add.f32 [tilespmem:s10], [sflag:$0x1], $0x10, s18, s7, $0xb8;
	[tilespmem:$0xDC50] =	vst v63  }
0x236: {  	_ =	swait.ge [sflag:s11], $0x1F40  }
0x237: {  	[sflag:s11] =	ssyncset.done $0x0  }
0x238: {  	[sflag:s11] =	ssyncadd.s32 $0xFFFFE0C0  }
0x239: {  	[tilespmem:s10], [sflag:$0x1] =	stream.indirect.gather [spmem:s3], $0x10, s16, s7, $0xb8;
	[tilespmem:$0xDC50] =	vst v63  }
0x23a: {  	_ =	swait.ge [sflag:s9], $0x1F40  }
0x23b: {  	[sflag:s9] =	ssyncset.done $0x0  }
0x23c: {  	[sflag:s9] =	ssyncadd.s32 $0xFFFFE0C0  }
0x23d: {  	[spmem:s2] =	stream.indirect.scatter.add.f32 [tilespmem:s8], [sflag:$0x2], $0x10, s15, s7, $0xb8;
	[tilespmem:$0xDC50] =	vst v63  }
0x23e: {  	_ =	swait.ge [sflag:s9], $0x1F40  }
0x23f: {  	[sflag:s9] =	ssyncset.done $0x0  }
0x240: {  	[sflag:s9] =	ssyncadd.s32 $0xFFFFE0C0  }
0x241: {  	[tilespmem:s8], [sflag:$0x2] =	stream.indirect.gather [spmem:s3], $0x10, s14, s7, $0xb8;
	[tilespmem:$0xDC50] =	vst v63  }
0x242: {  	_ =	swait.ge [sflag:s11], $0x1F40  }
0x243: {  	[sflag:s11] =	ssyncset.done $0x0  }
0x244: {  	[sflag:s11] =	ssyncadd.s32 $0xFFFFE0C0  }
0x245: {  	[spmem:s2] =	stream.indirect.scatter.add.f32 [tilespmem:s10], [sflag:$0x1], $0x10, s13, s7, $0xb8;
	[tilespmem:$0xDC50] =	vst v63  }
0x246: {  	_ =	swait.ge [sflag:s11], $0x1F40  }
0x247: {  	[sflag:s11] =	ssyncset.done $0x0  }
0x248: {  	[sflag:s11] =	ssyncadd.s32 $0xFFFFE0C0  }
0x249: {  	_ =	swait.ge [sflag:s9], $0x1F40  }
0x24a: {  	[sflag:s9] =	ssyncset.done $0x0  }
0x24b: {  	[sflag:s9] =	ssyncadd.s32 $0xFFFFE0C0  }
0x24c: {  	[spmem:s2] =	stream.indirect.scatter.add.f32 [tilespmem:s8], [sflag:$0x2], $0x10, s12, s7, $0xb8;
	[tilespmem:$0xDC50] =	vst v63  }
0x24d: {  	_ =	swait.ge [sflag:s9], $0x1F40  }
0x24e: {  	[sflag:s9] =	ssyncset.done $0x0  }
0x24f: {  	[sflag:s9] =	ssyncadd.s32 $0xFFFFE0C0  }
0x250: {  	[bflag:$0x0] =	sbarrier.arrive $0xFFFF  }
0x251: {  	s30 =	rddreg [dreg:$0x8]  }
0x252: {  	[hbm:s30], [sflag:s4] =	dma.local [spmem:s5], $0x500  }
0x253: {  	_ =	swait.ge [sflag:s6], $0x500  }
0x254: {  	[sflag:s6] =	ssyncset.done $0x0  }
0x255: {  	[sflag:s6] =	ssyncadd.s32 $0xFFFFFB00  }
0x256: {  	_ =	sfence.sel $0x180000  }
0x257: {  	[bflag:$0x0] =	sbarrier.arrive $0xFFFF  }
0x258: {  	_ =	strace $0x9000004D  }
0x259: {  	s31 =	stileid.u32;
	[bflag:$0x2] =	sbarrier.arrive $0xFFFF  }
0x25a: {  	p0 =	sne.s32 s31, $0x0;
	s0 =	rddreg [dreg:$0x4]  }
0x25b: {  	s0 =	sadd.s32 @!p0 $0x100000, s0  }
0x25c: {  	[sflag:s0] =	ssyncadd.tile.s32 @!p0 $0x1;
	_ =	shalt  }
.Lfunc_end2:
_tile_overlayer_lowered:
.L_overlay_start_2:
0x25d: {  	(tag) =	ssettag $0x2  }
0x25e: {  	s0 =	rddreg [dreg:$0x0];
	s2 =	stileid.u32  }
0x25f: {  	s1 =	rddreg [dreg:$0x1];
	p0 =	sne.s32 s2, $0x0  }
0x260: {  	s3 =	rddreg [dreg:$0x2];
	[bflag:$0x3] =	sbarrier.arrive $0xFFFF;
	s2 =	simm.s32 @!p0 $0x1C03  }
0x261: {  	[timem:s3], [sflag:s2] =	dma.local @!p0 [hbm:s0], s1  }
0x262: {  	s0 =	simm.s32 @!p0 $0x3  }
0x263: {  	_ =	swait.ge @!p0 [sflag:s0], s1  }
0x264: {  	s1 =	ssub.s32 @!p0 $0x0, s1;
	[sflag:s0] =	ssyncset.done @!p0 $0x0  }
0x265: {  	[sflag:s0] =	ssyncadd.s32 @!p0 s1  }
0x266: {  	[bflag:$0x3] =	sbarrier.arrive $0xFFFF  }
0x267: {  	_ =	shalt  }

// kernel: kernel.9.cloned.1.call-start
scs
__scs_entry_jumppad:
0x0: {  	(pc) =	sbr.rel $0x88, $3  }
0x1: {  	(tag) =	ssettag $0x0;
	lr =	simm.s32 $0x1  }
0x2: {  	[smem:$0x3F9B] =	sst lr;
	_ =	strace $0xD0000000  }
0x3: {  	_ = 	snop  }
0x4: {  	_ = 	snop  }
0x5: {  	_ = 	snop  }
0x6: {  	_ = 	snop  }
0x7: {  	_ = 	snop  }
__scs_overlays_trampoline_lowered:
0x8: {  	[smem:$0x3FAA] =	sst s0  }
0x9: {  	[smem:$0x3FAB] =	sst s1  }
0xa: {  	[smem:$0x3FAC] =	sst s2  }
0xb: {  	[smem:$0x3FAD] =	sst s3  }
0xc: {  	[smem:$0x3FAE] =	sst s4  }
0xd: {  	[smem:$0x3FAF] =	sst s5  }
0xe: {  	[smem:$0x3FB0] =	sst s6  }
0xf: {  	[smem:$0x3FB1] =	sst s7  }
0x10: {  	[smem:$0x3FB2] =	sst s8  }
0x11: {  	[smem:$0x3FB3] =	sst s9;
	s0 =	simm.s32 @!p0 $0x0  }
0x12: {  	s1 =	sld [smem:$0x3F99];
	s0 =	simm.s32 @p0 $0x1  }
0x13: {  	[smem:$0x3FB4] =	sst s0;
	s0 =	simm.s32 @!p1 $0x0  }
0x14: {  	s2 =	sld [smem:$0x3F98];
	s0 =	simm.s32 @p1 $0x1  }
0x15: {  	[smem:$0x3FB5] =	sst s0;
	s0 =	simm.s32 @!p2 $0x0  }
0x16: {  	s3 =	sld [smem:$0x3FDB];
	s0 =	simm.s32 @p2 $0x1  }
0x17: {  	s4 =	simm.s32 $0x1BF5;
	[smem:$0x3FB7] =	sst s0  }
0x18: {  	s0 =	sld [smem:$0x3F9A];
	_ =	swait.ge [sflag:s4], $0x0  }
0x19: {  	s7 =	sld [smem:$0x3F9B]  }
0x1a: {  	s8 =	sadd.s32 $0xFFFFE003, lr  }
0x1b: {  	s9 =	sadd.s32 $0xFFFFFEF7, lr;
	s5 =	simm.s32 $0xFFFFFFFF;
	p2 =	slt.u32 s8, $0xFFFFF086  }
0x1c: {  	p1 =	slt.u32 s9, $0xF7A;
	s5 =	simm.s32 @!p2 $0x0  }
0x1d: {  	s5 =	simm.s32 @p1 $0x1;
	p0 =	seq.s32 s7, s2  }
0x1e: {  	s7 =	smul.u32 @!p0 $0xF7A, s2;
	p2 =	seq.s32 @!p0 s5, $0x0  }
0x1f: {  	s9 =	smul.u32 $0xF7A, s1;
	s8 =	simm.s32 @!p0 $0x1BF5;
	p2 =	por !p2, p0  }
0x20: {  	[sflag:s8] =	ssyncset.s32 @!p0 $0xFFFFF086;
	s6 =	sadd.s32 @!p0 s3, s7;
	s7 =	simm.s32 @!p0 $0x108  }
0x21: {  	s3 =	sadd.s32 s3, s9;
	s6 =	sadd.s32 @!p0 $0x88, s6;
	s7 =	simm.s32 @p2 $0x1082  }
0x22: {  	[simem:s7], [sflag:s8] =	dma.local @!p0 [hbm:s6], $0xF7A  }
0x23: {  	s9 =	sor.u32 $0xD0000000, s2;
	s6 =	simm.s32 $0x108;
	_ =	swait.ge @!p0 [sflag:s8], $0x0  }
0x24: {  	s3 =	sadd.s32 $0x88, s3;
	s6 =	simm.s32 @!p1 $0x1082;
	[sflag:s4] =	ssyncset.s32 $0xFFFFF086  }
0x25: {  	[simem:s6], [sflag:s4] =	dma.local [hbm:s3], $0xF7A  }
0x26: {  	[smem:$0x3F9B] =	sst s1;
	(tag) =	ssettag s2;
	_ =	strace s9  }
0x27: {  	s1 =	sld [smem:$0x3FAB]  }
0x28: {  	s2 =	sld [smem:$0x3FAC]  }
0x29: {  	s4 =	sld [smem:$0x3FAE]  }
0x2a: {  	p0 =	seq.s32 s5, $0x0;
	s5 =	sld [smem:$0x3FAF]  }
0x2b: {  	s6 =	sld [smem:$0x3FB0]  }
0x2c: {  	s7 =	sld [smem:$0x3FB1]  }
0x2d: {  	s3 =	simm.s32 $0x108;
	s8 =	sld [smem:$0x3FB2]  }
0x2e: {  	s3 =	simm.s32 @!p0 $0x1082;
	s9 =	sld [smem:$0x3FB3]  }
0x2f: {  	lr =	sadd.s32 s0, s3;
	s0 =	sld [smem:$0x3FAA]  }
0x30: {  	s3 =	sld [smem:$0x3FAD]  }
0x31: {  	[smem:$0x3FB6] =	sst s10  }
0x32: {  	s10 =	sld [smem:$0x3FB4];
	_ =	sdelay $0x3  }
0x33: {  	p0 =	seq.s32 s10, $0x1;
	s10 =	sld [smem:$0x3FB6];
	_ =	sdelay $0x3  }
0x34: {  	[smem:$0x3FB6] =	sst s10  }
0x35: {  	s10 =	sld [smem:$0x3FB5];
	_ =	sdelay $0x3  }
0x36: {  	p1 =	seq.s32 s10, $0x1;
	s10 =	sld [smem:$0x3FB6];
	_ =	sdelay $0x3  }
0x37: {  	[smem:$0x3FB6] =	sst s10  }
0x38: {  	s10 =	sld [smem:$0x3FB7]  }
0x39: {  	_ = 	snop;
	(pc) =	sbr.ind lr, $3  }
0x3a: {  	_ = 	snop  }
0x3b: {  	_ = 	snop  }
0x3c: {  	p2 =	seq.s32 s10, $0x1;
	s10 =	sld [smem:$0x3FB6]  }
0x3d: {  	_ =	shalt  }
0x3e: {  	_ =	shalt  }
0x3f: {  	_ =	shalt  }
0x40: {  	_ =	shalt  }
0x41: {  	_ =	shalt  }
0x42: {  	_ =	shalt  }
0x43: {  	_ =	shalt  }
0x44: {  	_ =	shalt  }
0x45: {  	_ =	shalt  }
0x46: {  	_ =	shalt  }
0x47: {  	_ =	shalt  }
0x48: {  	_ =	shalt  }
0x49: {  	_ =	shalt  }
0x4a: {  	_ =	shalt  }
0x4b: {  	_ =	shalt  }
0x4c: {  	_ =	shalt  }
0x4d: {  	_ =	shalt  }
0x4e: {  	_ =	shalt  }
0x4f: {  	_ =	shalt  }
0x50: {  	_ =	shalt  }
0x51: {  	_ =	shalt  }
0x52: {  	_ =	shalt  }
0x53: {  	_ =	shalt  }
0x54: {  	_ =	shalt  }
0x55: {  	_ =	shalt  }
0x56: {  	_ =	shalt  }
0x57: {  	_ =	shalt  }
0x58: {  	_ =	shalt  }
0x59: {  	_ =	shalt  }
0x5a: {  	_ =	shalt  }
0x5b: {  	_ =	shalt  }
0x5c: {  	_ =	shalt  }
0x5d: {  	_ =	shalt  }
0x5e: {  	_ =	shalt  }
0x5f: {  	_ =	shalt  }
0x60: {  	_ =	shalt  }
0x61: {  	_ =	shalt  }
0x62: {  	_ =	shalt  }
0x63: {  	_ =	shalt  }
0x64: {  	_ =	shalt  }
0x65: {  	_ =	shalt  }
0x66: {  	_ =	shalt  }
0x67: {  	_ =	shalt  }
0x68: {  	_ =	shalt  }
0x69: {  	_ =	shalt  }
0x6a: {  	_ =	shalt  }
0x6b: {  	_ =	shalt  }
0x6c: {  	_ =	shalt  }
0x6d: {  	_ =	shalt  }
0x6e: {  	_ =	shalt  }
0x6f: {  	_ =	shalt  }
0x70: {  	_ =	shalt  }
0x71: {  	_ =	shalt  }
0x72: {  	_ =	shalt  }
0x73: {  	_ =	shalt  }
0x74: {  	_ =	shalt  }
0x75: {  	_ =	shalt  }
0x76: {  	_ =	shalt  }
0x77: {  	_ =	shalt  }
0x78: {  	_ =	shalt  }
0x79: {  	_ =	shalt  }
0x7a: {  	_ =	shalt  }
0x7b: {  	_ =	shalt  }
0x7c: {  	_ =	shalt  }
0x7d: {  	_ =	shalt  }
0x7e: {  	_ =	shalt  }
0x7f: {  	_ =	shalt  }
0x80: {  	_ =	shalt  }
0x81: {  	_ =	shalt  }
0x82: {  	_ =	shalt  }
0x83: {  	_ =	shalt  }
0x84: {  	_ =	shalt  }
0x85: {  	_ =	shalt  }
0x86: {  	_ =	shalt  }
0x87: {  	_ =	shalt  }
.Lfunc_end0:
.L_simem_size_0:
called_computation_lowered:
.L_overlay_start_0:
0x88: {  	s2 =	sld [smem:$0x3FD9]  }
0x89: {  	s3 =	sld [smem:$0x3FFE];
	_ =	sdelay $0x1  }
0x8a: {  	s1 =	srdreg.scid  }
0x8b: {  	s0 =	sand.u32 $0x1, s1  }
0x8c: {  	s17 =	sshll.u32 s0, $0xA;
	s2 =	sadd.s32 s3, s2  }
0x8d: {  	s2 =	sadd.s32 s2, s17  }
0x8e: {  	[smem:$0x3FC2] =	sst s2  }
0x8f: {  	_ = 	snop  }
0x90: {  	s2 =	sld [smem:$0x3FD0];
	(tm) =	ssettm $0x1  }
0x91: {  	s18 =	sld [smem:$0x3FFB];
	_ =	sdelay $0x3  }
0x92: {  	_ =	strace s18  }
0x93: {  	s3 =	sld [smem:$0x3FFC];
	_ =	sdelay $0x3  }
0x94: {  	_ =	strace s3  }
0x95: {  	s3 =	sld [smem:$0x3FFD];
	_ =	sdelay $0x3  }
0x96: {  	_ =	strace s3  }
0x97: {  	_ =	strace $0x8FFFFFFF  }
0x98: {  	s19 =	sld [smem:$0x3FDB];
	_ =	sdelay $0x1  }
0x99: {  	s4 =	simm.s32 $_scs_section_size  }
0x9a: {  	s5 =	simm.s32 $_size__tile_overlayer_lowered;
	s6 =	simm.s32 $_tile_overlayer_lowered  }
0x9b: {  	s22 =	simm.s32 $0x1BFF;
	s21 =	sshll.u32 s6, $0x1;
	s3 =	sadd.s32 s4, s19  }
0x9c: {  	s7 =	simm.s32 $0x0;
	s20 =	sshll.u32 s5, $0x1;
	s5 =	sadd.s32 s21, s3  }
0x9d: {  	[timem:s7], [sflag:s22] =	dma.local [hbm:s5], s20  }
0x9e: {  	_ =	swait.ge [sflag:s22], s20  }
0x9f: {  	s4 =	ssub.s32 $0x0, s20;
	[sflag:s22] =	ssyncset.done $0x0  }
0xa0: {  	[sflag:s22] =	ssyncadd.s32 s4;
	_ =	sdelay $0x1  }
0xa1: {  	s23 =	simm.s32 $0x1B8B  }
0xa2: {  	_ =	swait.ge [sflag:s23], $0x1  }
0xa3: {  	[sflag:s23] =	ssyncset.done $0x0  }
0xa4: {  	s25 =	simm.s32 $0x1B8E;
	s24 =	sld [smem:$0x3FFE];
	[sflag:s23] =	ssyncadd.s32 $0xFFFFFFFF  }
0xa5: {  	s26 =	simm.s32 $execute0_lowered;
	[smem:$0x3FD2] =	sst s25  }
0xa6: {  	s5 =	sshll.u32 s26, $0x1;
	_ =	strace $0x80000046;
	[dreg:$0x1] =	wrdreg $0xFFFFFFFF  }
0xa7: {  	s28 =	simm.s32 $_size_execute0_lowered;
	s3 =	sadd.s32 s3, s5;
	[dreg:$0x0] =	wrdreg $0x0  }
0xa8: {  	s5 =	sshll.u32 s28, $0x1;
	[dreg:$0x2] =	wrdreg s3  }
0xa9: {  	[dreg:$0x3] =	wrdreg s5  }
0xaa: {  	[dreg:$0x4] =	wrdreg $0xC0  }
0xab: {  	_ =	task [dreg:s7], $0x5FFFF  }
0xac: {  	[dreg:$0x1] =	wrdreg $0xFFFFFFFF  }
0xad: {  	[dreg:$0x0] =	wrdreg $0x60  }
0xae: {  	[dreg:$0x2] =	wrdreg s24  }
0xaf: {  	[dreg:$0x3] =	wrdreg s2  }
0xb0: {  	[dreg:$0x4] =	wrdreg $0x46A00  }
0xb1: {  	[dreg:$0x5] =	wrdreg $0x9  }
0xb2: {  	_ =	task.clear_ibuf [dreg:s7], $0x6FFFF;
	_ =	strace $0x90000046  }
0xb3: {  	s29 =	simm.s32 $0x9;
	_ =	strace $0x80000048  }
0xb4: {  	_ =	swait.ge [sflag:s29], $0x1  }
0xb5: {  	[sflag:s29] =	ssyncadd.s32 $0xFFFFFFFF  }
0xb6: {  	_ =	strace $0x90000048  }
0xb7: {  	_ =	sfence  }
0xb8: {  	s30 =	sld [smem:$0x0];
	_ =	sdelay $0x2  }
0xb9: {  	s31 =	sshll.u32 s1, $0xD;
	s1 =	sshrl.u32 s1, $0x2  }
0xba: {  	s3 =	sand.u32 $0x4000, s31;
	s1 =	sadd.s32 s1, s30  }
0xbb: {  	s0 =	sor.u32 s3, s0;
	s1 =	sshll.u32 s1, $0x11  }
0xbc: {  	s0 =	sor.u32 s1, s0  }
0xbd: {  	s0 =	sadd.s32 $0x8F2B, s0  }
0xbe: {  	[sflag:s0] =	ssyncadd.remote.s32 $0x1  }
0xbf: {  	_ =	sfence.sel $0xFFFF  }
0xc0: {  	[dreg:$0x0] =	wrdreg $0xFFFFFFFF;
	(pc) =	sbr.abs _section_cstart, $3  }
0xc1: {  	[dreg:$0x1] =	wrdreg $0xFFFFFFFF  }
0xc2: {  	_ =	task.clear_ibuf [dreg:s7], $0x2FFFF;
	_ =	strace $0x9FFFFFFF  }
0xc3: {  	(tm) =	ssettm $0x7FFFFFFF  }
tec
execute0_lowered:
.L_overlay_start_1:
0x0: {  	(tag) =	ssettag $0x1  }
0x1: {  	s9 =	rddreg [dreg:$0x0]  }
0x2: {  	s2 =	rddreg [dreg:$0x2]  }
0x3: {  	s3 =	simm.s32 $0x0;
	s1 =	stileid.u32;
	s7 =	srdreg.scid  }
0x4: {  	[smem:$0x7FF] =	sst s3;
	s31 =	smul.u32 $0x2800, s1  }
0x5: {  	s0 =	sadd.s32 $0x16800, s9;
	s5 =	sshll.u32 s1, $0x6;
	_ =	strace $0x80000047  }
0x6: {  	[dreg:$0x4] =	wrdreg s0;
	s5 =	sor.u32 $0x1C01, s5;
	s4 =	sadd.s32 s31, s2  }
0x7: {  	s0 =	rddreg [dreg:$0x4];
	s6 =	sshrl.u32 s4, $0x3;
	s4 =	simm.s32 $0x1  }
0x8: {  	[spmem:s6], [sflag:s5] =	dma.local [hbm:s0], $0x500  }
0x9: {  	s0 =	sand.u32 $0x1, s7;
	_ =	swait.ge [sflag:s4], $0x500  }
0xa: {  	s7 =	sadd.s32 $0x16E00, s9;
	s8 =	sshll.u32 s0, $0x4;
	[sflag:s4] =	ssyncset.done $0x0  }
0xb: {  	s10 =	sor.u32 s1, s8;
	s8 =	simm.s32 $0x2760;
	[sflag:s4] =	ssyncadd.s32 $0xFFFFFB00  }
0xc: {  	[tilespmem:s8], [sflag:$0x1] =	stream.linear.gather [hbm4b:s7+s3], $0x1F40, $0x38;
	[tilespmem:$0x6EA0] =	vst v63  }
0xd: {  	s10 =	smul.u32 $0x4EC, s10;
	_ =	swait.ge [sflag:s4], $0x1F40  }
0xe: {  	s9 =	sadd.s32 $0xC980, s9;
	[sflag:s4] =	ssyncset.done $0x0  }
0xf: {  	s9 =	sadd.s32 s10, s9;
	[sflag:s4] =	ssyncadd.s32 $0xFFFFE0C0  }
0x10: {  	[tilespmem:s3], [sflag:$0x1] =	stream.linear.gather [hbm4b:s9+s3], $0x2760, $0x38;
	[tilespmem:$0x6EA0] =	vst v63  }
0x11: {  	_ =	swait.ge [sflag:s4], $0x2760  }
0x12: {  	[sflag:s4] =	ssyncset.done $0x0  }
0x13: {  	[sflag:s4] =	ssyncadd.s32 $0xFFFFD8A0  }
0x14: {  	s10 =	simm.s32 $0x1F4;
	[bflag:$0x0] =	sbarrier.arrive $0xFFFF  }
0x15: {  	[spmem:s2] =	stream.indirect.scatter.add.f32 [tilespmem:s8], [sflag:$0x1], $0x10, s3, s10, $0xb8;
	[tilespmem:$0x6EA0] =	vst v63  }
0x16: {  	_ =	swait.ge [sflag:s4], $0x1F40  }
0x17: {  	[sflag:s4] =	ssyncset.done $0x0  }
0x18: {  	s11 =	simm.s32 $0x1F8;
	[sflag:s4] =	ssyncadd.s32 $0xFFFFE0C0  }
0x19: {  	[spmem:s2] =	stream.indirect.scatter.add.f32 [tilespmem:s8], [sflag:$0x1], $0x10, s11, s10, $0xb8;
	[tilespmem:$0x6EA0] =	vst v63  }
0x1a: {  	_ =	swait.ge [sflag:s4], $0x1F40  }
0x1b: {  	[sflag:s4] =	ssyncset.done $0x0  }
0x1c: {  	s12 =	simm.s32 $0x3F0;
	[sflag:s4] =	ssyncadd.s32 $0xFFFFE0C0  }
0x1d: {  	[spmem:s2] =	stream.indirect.scatter.add.f32 [tilespmem:s8], [sflag:$0x1], $0x10, s12, s10, $0xb8;
	[tilespmem:$0x6EA0] =	vst v63  }
0x1e: {  	_ =	swait.ge [sflag:s4], $0x1F40  }
0x1f: {  	[sflag:s4] =	ssyncset.done $0x0  }
0x20: {  	s13 =	simm.s32 $0x5E8;
	[sflag:s4] =	ssyncadd.s32 $0xFFFFE0C0  }
0x21: {  	[spmem:s2] =	stream.indirect.scatter.add.f32 [tilespmem:s8], [sflag:$0x1], $0x10, s13, s10, $0xb8;
	[tilespmem:$0x6EA0] =	vst v63  }
0x22: {  	_ =	swait.ge [sflag:s4], $0x1F40  }
0x23: {  	[sflag:s4] =	ssyncset.done $0x0  }
0x24: {  	s14 =	simm.s32 $0x7E0;
	[sflag:s4] =	ssyncadd.s32 $0xFFFFE0C0  }
0x25: {  	[spmem:s2] =	stream.indirect.scatter.add.f32 [tilespmem:s8], [sflag:$0x1], $0x10, s14, s10, $0xb8;
	[tilespmem:$0x6EA0] =	vst v63  }
0x26: {  	_ =	swait.ge [sflag:s4], $0x1F40  }
0x27: {  	[sflag:s4] =	ssyncset.done $0x0  }
0x28: {  	s15 =	simm.s32 $0x9D8;
	[sflag:s4] =	ssyncadd.s32 $0xFFFFE0C0  }
0x29: {  	[spmem:s2] =	stream.indirect.scatter.add.f32 [tilespmem:s8], [sflag:$0x1], $0x10, s15, s10, $0xb8;
	[tilespmem:$0x6EA0] =	vst v63  }
0x2a: {  	_ =	swait.ge [sflag:s4], $0x1F40  }
0x2b: {  	[sflag:s4] =	ssyncset.done $0x0  }
0x2c: {  	s16 =	simm.s32 $0xBD0;
	[sflag:s4] =	ssyncadd.s32 $0xFFFFE0C0  }
0x2d: {  	[spmem:s2] =	stream.indirect.scatter.add.f32 [tilespmem:s8], [sflag:$0x1], $0x10, s16, s10, $0xb8;
	[tilespmem:$0x6EA0] =	vst v63  }
0x2e: {  	_ =	swait.ge [sflag:s4], $0x1F40  }
0x2f: {  	[sflag:s4] =	ssyncset.done $0x0  }
0x30: {  	s17 =	simm.s32 $0xDC8;
	[sflag:s4] =	ssyncadd.s32 $0xFFFFE0C0  }
0x31: {  	[spmem:s2] =	stream.indirect.scatter.add.f32 [tilespmem:s8], [sflag:$0x1], $0x10, s17, s10, $0xb8;
	[tilespmem:$0x6EA0] =	vst v63  }
0x32: {  	_ =	swait.ge [sflag:s4], $0x1F40  }
0x33: {  	[sflag:s4] =	ssyncset.done $0x0  }
0x34: {  	s18 =	simm.s32 $0xFC0;
	[sflag:s4] =	ssyncadd.s32 $0xFFFFE0C0  }
0x35: {  	[spmem:s2] =	stream.indirect.scatter.add.f32 [tilespmem:s8], [sflag:$0x1], $0x10, s18, s10, $0xb8;
	[tilespmem:$0x6EA0] =	vst v63  }
0x36: {  	_ =	swait.ge [sflag:s4], $0x1F40  }
0x37: {  	[sflag:s4] =	ssyncset.done $0x0  }
0x38: {  	s19 =	simm.s32 $0x11B8;
	[sflag:s4] =	ssyncadd.s32 $0xFFFFE0C0  }
0x39: {  	[spmem:s2] =	stream.indirect.scatter.add.f32 [tilespmem:s8], [sflag:$0x1], $0x10, s19, s10, $0xb8;
	[tilespmem:$0x6EA0] =	vst v63  }
0x3a: {  	_ =	swait.ge [sflag:s4], $0x1F40  }
0x3b: {  	[sflag:s4] =	ssyncset.done $0x0  }
0x3c: {  	s20 =	simm.s32 $0x13B0;
	[sflag:s4] =	ssyncadd.s32 $0xFFFFE0C0  }
0x3d: {  	[spmem:s2] =	stream.indirect.scatter.add.f32 [tilespmem:s8], [sflag:$0x1], $0x10, s20, s10, $0xb8;
	[tilespmem:$0x6EA0] =	vst v63  }
0x3e: {  	_ =	swait.ge [sflag:s4], $0x1F40  }
0x3f: {  	[sflag:s4] =	ssyncset.done $0x0  }
0x40: {  	s21 =	simm.s32 $0x15A8;
	[sflag:s4] =	ssyncadd.s32 $0xFFFFE0C0  }
0x41: {  	[spmem:s2] =	stream.indirect.scatter.add.f32 [tilespmem:s8], [sflag:$0x1], $0x10, s21, s10, $0xb8;
	[tilespmem:$0x6EA0] =	vst v63  }
0x42: {  	_ =	swait.ge [sflag:s4], $0x1F40  }
0x43: {  	[sflag:s4] =	ssyncset.done $0x0  }
0x44: {  	s22 =	simm.s32 $0x17A0;
	[sflag:s4] =	ssyncadd.s32 $0xFFFFE0C0  }
0x45: {  	[spmem:s2] =	stream.indirect.scatter.add.f32 [tilespmem:s8], [sflag:$0x1], $0x10, s22, s10, $0xb8;
	[tilespmem:$0x6EA0] =	vst v63  }
0x46: {  	_ =	swait.ge [sflag:s4], $0x1F40  }
0x47: {  	[sflag:s4] =	ssyncset.done $0x0  }
0x48: {  	s23 =	simm.s32 $0x1998;
	[sflag:s4] =	ssyncadd.s32 $0xFFFFE0C0  }
0x49: {  	[spmem:s2] =	stream.indirect.scatter.add.f32 [tilespmem:s8], [sflag:$0x1], $0x10, s23, s10, $0xb8;
	[tilespmem:$0x6EA0] =	vst v63  }
0x4a: {  	_ =	swait.ge [sflag:s4], $0x1F40  }
0x4b: {  	[sflag:s4] =	ssyncset.done $0x0  }
0x4c: {  	s24 =	simm.s32 $0x1B90;
	[sflag:s4] =	ssyncadd.s32 $0xFFFFE0C0  }
0x4d: {  	[spmem:s2] =	stream.indirect.scatter.add.f32 [tilespmem:s8], [sflag:$0x1], $0x10, s24, s10, $0xb8;
	[tilespmem:$0x6EA0] =	vst v63  }
0x4e: {  	_ =	swait.ge [sflag:s4], $0x1F40  }
0x4f: {  	[sflag:s4] =	ssyncset.done $0x0  }
0x50: {  	s25 =	simm.s32 $0x1D88;
	[sflag:s4] =	ssyncadd.s32 $0xFFFFE0C0  }
0x51: {  	[spmem:s2] =	stream.indirect.scatter.add.f32 [tilespmem:s8], [sflag:$0x1], $0x10, s25, s10, $0xb8;
	[tilespmem:$0x6EA0] =	vst v63  }
0x52: {  	_ =	swait.ge [sflag:s4], $0x1F40  }
0x53: {  	[sflag:s4] =	ssyncset.done $0x0  }
0x54: {  	s26 =	simm.s32 $0x1F80;
	[sflag:s4] =	ssyncadd.s32 $0xFFFFE0C0  }
0x55: {  	[spmem:s2] =	stream.indirect.scatter.add.f32 [tilespmem:s8], [sflag:$0x1], $0x10, s26, s10, $0xb8;
	[tilespmem:$0x6EA0] =	vst v63  }
0x56: {  	_ =	swait.ge [sflag:s4], $0x1F40  }
0x57: {  	[sflag:s4] =	ssyncset.done $0x0  }
0x58: {  	s28 =	simm.s32 $0x2178;
	[sflag:s4] =	ssyncadd.s32 $0xFFFFE0C0  }
0x59: {  	[spmem:s2] =	stream.indirect.scatter.add.f32 [tilespmem:s8], [sflag:$0x1], $0x10, s28, s10, $0xb8;
	[tilespmem:$0x6EA0] =	vst v63  }
0x5a: {  	_ =	swait.ge [sflag:s4], $0x1F40  }
0x5b: {  	[sflag:s4] =	ssyncset.done $0x0  }
0x5c: {  	s29 =	simm.s32 $0x2370;
	s1 =	smul.u32 $0x28000, s0;
	[sflag:s4] =	ssyncadd.s32 $0xFFFFE0C0  }
0x5d: {  	[spmem:s2] =	stream.indirect.scatter.add.f32 [tilespmem:s8], [sflag:$0x1], $0x10, s29, s10, $0xb8;
	[tilespmem:$0x6EA0] =	vst v63  }
0x5e: {  	s0 =	ssub.s32 $0x2, s0;
	_ =	swait.ge [sflag:s4], $0x1F40  }
0x5f: {  	s1 =	sadd.s32 s31, s1;
	s31 =	sshrl.u32 s0, $0x1;
	[sflag:s4] =	ssyncset.done $0x0  }
0x60: {  	s30 =	simm.s32 $0x2568;
	s0 =	ssub.s32 s0, s31;
	[sflag:s4] =	ssyncadd.s32 $0xFFFFE0C0  }
0x61: {  	[spmem:s2] =	stream.indirect.scatter.add.f32 [tilespmem:s8], [sflag:$0x1], $0x10, s30, s10, $0xb8;
	[tilespmem:$0x6EA0] =	vst v63  }
0x62: {  	s0 =	smax.u32 s0, $0x1;
	_ =	swait.ge [sflag:s4], $0x1F40  }
0x63: {  	p0 =	sne.s32 s0, $0x1;
	[sflag:s4] =	ssyncset.done $0x0  }
.Ltmp0:
0x64: {  	[sflag:s4] =	ssyncadd.s32 $0xFFFFE0C0;
	(pc) =	sbr.rel @!p0 .LBB2_2-.Ltmp0, $4  }
0x65: {  	s1 =	sshrl.u32 s1, $0x3;
	s31 =	rddreg [dreg:$0x1]  }
0x66: {  	[bflag:$0x0] =	sbarrier.arrive $0xFFFF;
	s31 =	sadd.s32 s31, s1  }
0x67: {  	[hbm:s31], [sflag:s5] =	dma.local [spmem:s6], $0x500  }
0x68: {  	s0 =	sadd.s32 $0xFFFFFFFF, s0;
	_ =	swait.ge [sflag:s4], $0x500  }
.LBB2_1:
0x69: {  	[sflag:s4] =	ssyncset.done $0x0  }
0x6a: {  	s1 =	rddreg [dreg:$0x4];
	[sflag:s4] =	ssyncadd.s32 $0xFFFFFB00  }
0x6b: {  	[spmem:s6], [sflag:s5] =	dma.local [hbm:s1], $0x500  }
0x6c: {  	_ =	swait.ge [sflag:s4], $0x500  }
0x6d: {  	[sflag:s4] =	ssyncset.done $0x0  }
0x6e: {  	[sflag:s4] =	ssyncadd.s32 $0xFFFFFB00  }
0x6f: {  	[tilespmem:s8], [sflag:$0x1] =	stream.linear.gather [hbm4b:s7+s3], $0x1F40, $0x38;
	[tilespmem:$0x6EA0] =	vst v63  }
0x70: {  	_ =	swait.ge [sflag:s4], $0x1F40  }
0x71: {  	[sflag:s4] =	ssyncset.done $0x0  }
0x72: {  	[sflag:s4] =	ssyncadd.s32 $0xFFFFE0C0  }
0x73: {  	[tilespmem:s3], [sflag:$0x1] =	stream.linear.gather [hbm4b:s9+s3], $0x2760, $0x38;
	[tilespmem:$0x6EA0] =	vst v63  }
0x74: {  	_ =	swait.ge [sflag:s4], $0x2760  }
0x75: {  	[sflag:s4] =	ssyncset.done $0x0  }
0x76: {  	[sflag:s4] =	ssyncadd.s32 $0xFFFFD8A0  }
0x77: {  	[bflag:$0x0] =	sbarrier.arrive $0xFFFF  }
0x78: {  	[spmem:s2] =	stream.indirect.scatter.add.f32 [tilespmem:s8], [sflag:$0x1], $0x10, s3, s10, $0xb8;
	[tilespmem:$0x6EA0] =	vst v63  }
0x79: {  	_ =	swait.ge [sflag:s4], $0x1F40  }
0x7a: {  	[sflag:s4] =	ssyncset.done $0x0  }
0x7b: {  	[sflag:s4] =	ssyncadd.s32 $0xFFFFE0C0  }
0x7c: {  	[spmem:s2] =	stream.indirect.scatter.add.f32 [tilespmem:s8], [sflag:$0x1], $0x10, s11, s10, $0xb8;
	[tilespmem:$0x6EA0] =	vst v63  }
0x7d: {  	_ =	swait.ge [sflag:s4], $0x1F40  }
0x7e: {  	[sflag:s4] =	ssyncset.done $0x0  }
0x7f: {  	[sflag:s4] =	ssyncadd.s32 $0xFFFFE0C0  }
0x80: {  	[spmem:s2] =	stream.indirect.scatter.add.f32 [tilespmem:s8], [sflag:$0x1], $0x10, s12, s10, $0xb8;
	[tilespmem:$0x6EA0] =	vst v63  }
0x81: {  	_ =	swait.ge [sflag:s4], $0x1F40  }
0x82: {  	[sflag:s4] =	ssyncset.done $0x0  }
0x83: {  	[sflag:s4] =	ssyncadd.s32 $0xFFFFE0C0  }
0x84: {  	[spmem:s2] =	stream.indirect.scatter.add.f32 [tilespmem:s8], [sflag:$0x1], $0x10, s13, s10, $0xb8;
	[tilespmem:$0x6EA0] =	vst v63  }
0x85: {  	_ =	swait.ge [sflag:s4], $0x1F40  }
0x86: {  	[sflag:s4] =	ssyncset.done $0x0  }
0x87: {  	[sflag:s4] =	ssyncadd.s32 $0xFFFFE0C0  }
0x88: {  	[spmem:s2] =	stream.indirect.scatter.add.f32 [tilespmem:s8], [sflag:$0x1], $0x10, s14, s10, $0xb8;
	[tilespmem:$0x6EA0] =	vst v63  }
0x89: {  	_ =	swait.ge [sflag:s4], $0x1F40  }
0x8a: {  	[sflag:s4] =	ssyncset.done $0x0  }
0x8b: {  	[sflag:s4] =	ssyncadd.s32 $0xFFFFE0C0  }
0x8c: {  	[spmem:s2] =	stream.indirect.scatter.add.f32 [tilespmem:s8], [sflag:$0x1], $0x10, s15, s10, $0xb8;
	[tilespmem:$0x6EA0] =	vst v63  }
0x8d: {  	_ =	swait.ge [sflag:s4], $0x1F40  }
0x8e: {  	[sflag:s4] =	ssyncset.done $0x0  }
0x8f: {  	[sflag:s4] =	ssyncadd.s32 $0xFFFFE0C0  }
0x90: {  	[spmem:s2] =	stream.indirect.scatter.add.f32 [tilespmem:s8], [sflag:$0x1], $0x10, s16, s10, $0xb8;
	[tilespmem:$0x6EA0] =	vst v63  }
0x91: {  	_ =	swait.ge [sflag:s4], $0x1F40  }
0x92: {  	[sflag:s4] =	ssyncset.done $0x0  }
0x93: {  	[sflag:s4] =	ssyncadd.s32 $0xFFFFE0C0  }
0x94: {  	[spmem:s2] =	stream.indirect.scatter.add.f32 [tilespmem:s8], [sflag:$0x1], $0x10, s17, s10, $0xb8;
	[tilespmem:$0x6EA0] =	vst v63  }
0x95: {  	_ =	swait.ge [sflag:s4], $0x1F40  }
0x96: {  	[sflag:s4] =	ssyncset.done $0x0  }
0x97: {  	[sflag:s4] =	ssyncadd.s32 $0xFFFFE0C0  }
0x98: {  	[spmem:s2] =	stream.indirect.scatter.add.f32 [tilespmem:s8], [sflag:$0x1], $0x10, s18, s10, $0xb8;
	[tilespmem:$0x6EA0] =	vst v63  }
0x99: {  	_ =	swait.ge [sflag:s4], $0x1F40  }
0x9a: {  	[sflag:s4] =	ssyncset.done $0x0  }
0x9b: {  	[sflag:s4] =	ssyncadd.s32 $0xFFFFE0C0  }
0x9c: {  	[spmem:s2] =	stream.indirect.scatter.add.f32 [tilespmem:s8], [sflag:$0x1], $0x10, s19, s10, $0xb8;
	[tilespmem:$0x6EA0] =	vst v63  }
0x9d: {  	_ =	swait.ge [sflag:s4], $0x1F40  }
0x9e: {  	[sflag:s4] =	ssyncset.done $0x0  }
0x9f: {  	[sflag:s4] =	ssyncadd.s32 $0xFFFFE0C0  }
0xa0: {  	[spmem:s2] =	stream.indirect.scatter.add.f32 [tilespmem:s8], [sflag:$0x1], $0x10, s20, s10, $0xb8;
	[tilespmem:$0x6EA0] =	vst v63  }
0xa1: {  	_ =	swait.ge [sflag:s4], $0x1F40  }
0xa2: {  	[sflag:s4] =	ssyncset.done $0x0  }
0xa3: {  	[sflag:s4] =	ssyncadd.s32 $0xFFFFE0C0  }
0xa4: {  	[spmem:s2] =	stream.indirect.scatter.add.f32 [tilespmem:s8], [sflag:$0x1], $0x10, s21, s10, $0xb8;
	[tilespmem:$0x6EA0] =	vst v63  }
0xa5: {  	_ =	swait.ge [sflag:s4], $0x1F40  }
0xa6: {  	[sflag:s4] =	ssyncset.done $0x0  }
0xa7: {  	[sflag:s4] =	ssyncadd.s32 $0xFFFFE0C0  }
0xa8: {  	[spmem:s2] =	stream.indirect.scatter.add.f32 [tilespmem:s8], [sflag:$0x1], $0x10, s22, s10, $0xb8;
	[tilespmem:$0x6EA0] =	vst v63  }
0xa9: {  	_ =	swait.ge [sflag:s4], $0x1F40  }
0xaa: {  	[sflag:s4] =	ssyncset.done $0x0  }
0xab: {  	[sflag:s4] =	ssyncadd.s32 $0xFFFFE0C0  }
0xac: {  	[spmem:s2] =	stream.indirect.scatter.add.f32 [tilespmem:s8], [sflag:$0x1], $0x10, s23, s10, $0xb8;
	[tilespmem:$0x6EA0] =	vst v63  }
0xad: {  	_ =	swait.ge [sflag:s4], $0x1F40  }
0xae: {  	[sflag:s4] =	ssyncset.done $0x0  }
0xaf: {  	[sflag:s4] =	ssyncadd.s32 $0xFFFFE0C0  }
0xb0: {  	[spmem:s2] =	stream.indirect.scatter.add.f32 [tilespmem:s8], [sflag:$0x1], $0x10, s24, s10, $0xb8;
	[tilespmem:$0x6EA0] =	vst v63  }
0xb1: {  	_ =	swait.ge [sflag:s4], $0x1F40  }
0xb2: {  	[sflag:s4] =	ssyncset.done $0x0  }
0xb3: {  	[sflag:s4] =	ssyncadd.s32 $0xFFFFE0C0  }
0xb4: {  	[spmem:s2] =	stream.indirect.scatter.add.f32 [tilespmem:s8], [sflag:$0x1], $0x10, s25, s10, $0xb8;
	[tilespmem:$0x6EA0] =	vst v63  }
0xb5: {  	_ =	swait.ge [sflag:s4], $0x1F40  }
0xb6: {  	[sflag:s4] =	ssyncset.done $0x0  }
0xb7: {  	[sflag:s4] =	ssyncadd.s32 $0xFFFFE0C0  }
0xb8: {  	[spmem:s2] =	stream.indirect.scatter.add.f32 [tilespmem:s8], [sflag:$0x1], $0x10, s26, s10, $0xb8;
	[tilespmem:$0x6EA0] =	vst v63  }
0xb9: {  	_ =	swait.ge [sflag:s4], $0x1F40  }
0xba: {  	[sflag:s4] =	ssyncset.done $0x0  }
0xbb: {  	[sflag:s4] =	ssyncadd.s32 $0xFFFFE0C0  }
0xbc: {  	[spmem:s2] =	stream.indirect.scatter.add.f32 [tilespmem:s8], [sflag:$0x1], $0x10, s28, s10, $0xb8;
	[tilespmem:$0x6EA0] =	vst v63  }
0xbd: {  	_ =	swait.ge [sflag:s4], $0x1F40  }
0xbe: {  	[sflag:s4] =	ssyncset.done $0x0  }
0xbf: {  	[sflag:s4] =	ssyncadd.s32 $0xFFFFE0C0  }
0xc0: {  	[spmem:s2] =	stream.indirect.scatter.add.f32 [tilespmem:s8], [sflag:$0x1], $0x10, s29, s10, $0xb8;
	[tilespmem:$0x6EA0] =	vst v63  }
0xc1: {  	_ =	swait.ge [sflag:s4], $0x1F40  }
0xc2: {  	[sflag:s4] =	ssyncset.done $0x0  }
0xc3: {  	[sflag:s4] =	ssyncadd.s32 $0xFFFFE0C0  }
0xc4: {  	[spmem:s2] =	stream.indirect.scatter.add.f32 [tilespmem:s8], [sflag:$0x1], $0x10, s30, s10, $0xb8;
	[tilespmem:$0x6EA0] =	vst v63  }
0xc5: {  	p0 =	sne.s32 s0, $0x1;
	_ =	swait.ge [sflag:s4], $0x1F40  }
.Ltmp1:
0xc6: {  	[sflag:s4] =	ssyncset.done $0x0;
	(pc) =	sbr.rel @p0 .LBB2_1-.Ltmp1, $4  }
0xc7: {  	[sflag:s4] =	ssyncadd.s32 $0xFFFFE0C0  }
0xc8: {  	[bflag:$0x0] =	sbarrier.arrive $0xFFFF  }
0xc9: {  	[hbm:s31], [sflag:s5] =	dma.local [spmem:s6], $0x500  }
0xca: {  	s0 =	sadd.s32 $0xFFFFFFFF, s0;
	_ =	swait.ge [sflag:s4], $0x500  }
.LBB2_2:
0xcb: {  	[sflag:s4] =	ssyncset.done $0x0  }
0xcc: {  	[sflag:s4] =	ssyncadd.s32 $0xFFFFFB00  }
0xcd: {  	_ =	sfence.sel $0x180000  }
0xce: {  	[bflag:$0x0] =	sbarrier.arrive $0xFFFF  }
0xcf: {  	_ =	strace $0x90000047  }
0xd0: {  	s0 =	stileid.u32;
	[bflag:$0x2] =	sbarrier.arrive $0xFFFF  }
0xd1: {  	p0 =	sne.s32 s0, $0x0;
	s0 =	rddreg [dreg:$0x3]  }
0xd2: {  	s0 =	sadd.s32 @!p0 $0x100000, s0  }
0xd3: {  	[sflag:s0] =	ssyncadd.tile.s32 @!p0 $0x1;
	_ =	shalt  }
.Lfunc_end2:
_tile_overlayer_lowered:
.L_overlay_start_2:
0xd4: {  	(tag) =	ssettag $0x2  }
0xd5: {  	s0 =	rddreg [dreg:$0x0];
	s2 =	stileid.u32  }
0xd6: {  	s1 =	rddreg [dreg:$0x1];
	p0 =	sne.s32 s2, $0x0  }
0xd7: {  	s3 =	rddreg [dreg:$0x2];
	[bflag:$0x3] =	sbarrier.arrive $0xFFFF;
	s2 =	simm.s32 @!p0 $0x1C01  }
0xd8: {  	[timem:s3], [sflag:s2] =	dma.local @!p0 [hbm:s0], s1  }
0xd9: {  	s0 =	simm.s32 @!p0 $0x1  }
0xda: {  	_ =	swait.ge @!p0 [sflag:s0], s1  }
0xdb: {  	s1 =	ssub.s32 @!p0 $0x0, s1;
	[sflag:s0] =	ssyncset.done @!p0 $0x0  }
0xdc: {  	[sflag:s0] =	ssyncadd.s32 @!p0 s1  }
0xdd: {  	[bflag:$0x3] =	sbarrier.arrive $0xFFFF  }
0xde: {  	_ =	shalt  }

</sc_bundles>
